<compile_context>
chip_gen: v7x
topology: tpu7x:2x2x1
jax: 0.10.2.dev20260603
libtpu: 0.0.44.dev20260713+nightly
codegen_flags: <defaults>
</compile_context>

<pallas_src>
import jax
import jax.numpy as jnp
from jax import lax
from jax.experimental import pallas as pl
from jax.experimental.pallas import tpu as pltpu
from jax.experimental.pallas import tpu_sc as plsc

_N = 8192
_D = 256
_SPLIT = 5120
_NC = 2
_NS = 16
_NW = _NC * _NS
_RW = (_N - _SPLIT) // _NW
_RW2 = _N // _NW
_B = 16
_RING = 6
_BT = 1280
_GT = _SPLIT // _BT


def _sc_body(emb_hbm, s1_hbm, s2_hbm, w_hbm, shift_hbm, out_hbm,
             buf_v, idxe_v, w_vt, sh_vt, isems, osems):
    wid = lax.axis_index("s") * _NC + lax.axis_index("c")
    base0 = _SPLIT + wid * _RW
    nb = _RW // _B
    assert nb <= _RING

    for b in range(nb):
        r0 = base0 + b * _B
        slot = b % _RING
        pltpu.async_copy(emb_hbm.at[pl.ds(r0, _B)],
                         buf_v.at[slot * 4 + 0], isems.at[slot])
        pltpu.async_copy(s1_hbm.at[pl.ds(r0, _B)],
                         buf_v.at[slot * 4 + 1], isems.at[slot])
        pltpu.async_copy(s2_hbm.at[pl.ds(r0, _B)],
                         buf_v.at[slot * 4 + 2], isems.at[slot])

    st1 = pltpu.async_copy(w_hbm, w_vt.at[pl.ds(0, 3)], osems.at[0])
    st2 = pltpu.async_copy(shift_hbm, sh_vt.at[pl.ds(0, 1)], osems.at[0])
    st1.wait()
    st2.wait()
    wload = w_vt[...]
    w0r = wload[0]
    w1r = wload[1]
    w2r = wload[2]
    shift = sh_vt[...][0]

    iot = lax.iota(jnp.int32, 16)
    wv = jnp.where(iot == 0, w0r,
                   jnp.where(iot == 1, w1r,
                             jnp.where(iot == 2, w2r, -1e30)))
    mx = jnp.maximum(jnp.maximum(w0r, w1r), w2r)
    ev = jnp.exp(wv - mx)
    ssum = ev[0] + ev[1] + ev[2]
    wn = ev / ssum
    w0 = wn[0]
    w1 = wn[1]
    w2 = wn[2]

    def idx_gather(r0, slot):
        for j in range(_B // 16):
            idxe_v[slot, pl.ds(j * 16, 16)] = jnp.clip(
                iot + (r0 + j * 16) + shift, 0, _N - 1)
        return pltpu.async_copy(emb_hbm.at[idxe_v.at[slot]],
                                buf_v.at[slot * 4 + 0], isems.at[slot])

    def wait_inputs(r0, slot):
        pltpu.make_async_copy(s1_hbm.at[pl.ds(r0, _B)],
                              buf_v.at[slot * 4 + 1], isems.at[slot]).wait()
        pltpu.make_async_copy(s1_hbm.at[pl.ds(r0, _B)],
                              buf_v.at[slot * 4 + 2], isems.at[slot]).wait()
        pltpu.make_async_copy(s1_hbm.at[pl.ds(r0, _B)],
                              buf_v.at[slot * 4 + 0], isems.at[slot]).wait()

    def compute(r0, slot):
        def comp(i, carry):
            for j in range(_D // 16):
                sl = pl.ds(j * 16, 16)
                buf_v[slot * 4 + 3, i, sl] = (
                    w0 * buf_v[slot * 4 + 0, i, sl]
                    + w1 * buf_v[slot * 4 + 1, i, sl]
                    + w2 * buf_v[slot * 4 + 2, i, sl])
            return carry

        lax.fori_loop(0, _B, comp, 0)
        return pltpu.async_copy(
            buf_v.at[slot * 4 + 3], out_hbm.at[pl.ds(r0, _B)],
            osems.at[slot])

    def main_blk(b, carry):
        slot = lax.rem(b, _RING)
        r0 = base0 + b * _B
        wait_inputs(r0, slot)
        compute(r0, slot)
        return carry

    lax.fori_loop(0, nb, main_blk, 0)

    def drain_wb(b, carry):
        slot = lax.rem(b, _RING)
        r0 = base0 + b * _B
        pltpu.make_async_copy(buf_v.at[slot * 4 + 3],
                              out_hbm.at[pl.ds(r0, _B)],
                              osems.at[slot]).wait()
        return carry

    lax.fori_loop(0, nb, drain_wb, 0)

    @pl.when(shift != 0)
    def _slow_full_coverage():
        base2 = wid * _RW2

        def blk(b, carry):
            r0 = base2 + b * _B
            pltpu.async_copy(s1_hbm.at[pl.ds(r0, _B)],
                             buf_v.at[1], isems.at[0])
            pltpu.async_copy(s2_hbm.at[pl.ds(r0, _B)],
                             buf_v.at[2], isems.at[0])
            idx_gather(r0, 0)
            wait_inputs(r0, 0)
            compute(r0, 0).wait()
            return carry

        lax.fori_loop(0, _RW2 // _B, blk, 0)


def _run_sc(emb_table, sinusoidal_1, sinusoidal_2, w3, shift1):
    f = pl.kernel(
        _sc_body,
        out_type=jax.ShapeDtypeStruct((_N, _D), jnp.float32),
        mesh=plsc.VectorSubcoreMesh(core_axis_name="c", subcore_axis_name="s"),
        scratch_types=[
            pltpu.VMEM((4 * _RING, _B, _D), jnp.float32),
            pltpu.VMEM((_RING, _B), jnp.int32),
            pltpu.VMEM((16,), jnp.float32),
            pltpu.VMEM((16,), jnp.int32),
            pltpu.SemaphoreType.DMA((_RING,)),
            pltpu.SemaphoreType.DMA((_RING,)),
        ],
    )
    return f(emb_table, sinusoidal_1, sinusoidal_2, w3, shift1)


def _tc_body(w_sm, emb_v, s1_v, s2_v, out_v):
    w0r = w_sm[0]
    w1r = w_sm[1]
    w2r = w_sm[2]
    iot = lax.iota(jnp.int32, 128)
    wv = jnp.where(iot == 0, w0r,
                   jnp.where(iot == 1, w1r,
                             jnp.where(iot == 2, w2r, -1e30)))
    mx = jnp.maximum(jnp.maximum(w0r, w1r), w2r)
    ev = jnp.exp(wv - mx)
    wn = ev / (ev[0] + ev[1] + ev[2])
    out_v[...] = (wn[0] * emb_v[...] + wn[1] * s1_v[...]
                  + wn[2] * s2_v[...])


def _run_tc(emb_table, sinusoidal_1, sinusoidal_2, w3):
    return pl.pallas_call(
        _tc_body,
        grid=(_GT,),
        in_specs=[
            pl.BlockSpec(memory_space=pltpu.SMEM),
            pl.BlockSpec((_BT, _D), lambda i: (i, 0)),
            pl.BlockSpec((_BT, _D), lambda i: (i, 0)),
            pl.BlockSpec((_BT, _D), lambda i: (i, 0)),
        ],
        out_specs=pl.BlockSpec((_BT, _D), lambda i: (i, 0)),
        out_shape=jax.ShapeDtypeStruct((_SPLIT, _D), jnp.float32),
        compiler_params=pltpu.CompilerParams(
            dimension_semantics=("arbitrary",)),
    )(w3, emb_table, sinusoidal_1, sinusoidal_2)


@jax.jit
def _run(emb_table, sinusoidal_1, sinusoidal_2, w3, shift1):
    sc_out = _run_sc(emb_table, sinusoidal_1, sinusoidal_2, w3, shift1)
    tc_out = _run_tc(emb_table, sinusoidal_1, sinusoidal_2, w3)
    return lax.cond(
        shift1[0] == 0,
        lambda: lax.dynamic_update_slice(sc_out, tc_out, (0, 0)),
        lambda: sc_out,
    )


def kernel(emb_table, sinusoidal_1, sinusoidal_2, mixing_weights, seq_len):
    shift1 = jnp.reshape(jnp.asarray(seq_len, jnp.int32) - _N, (1,))
    return _run(emb_table, sinusoidal_1, sinusoidal_2,
                mixing_weights.astype(jnp.float32), shift1)

# --- scband reference (transcript-rebuilt; emitter-appended) ---
"""Pipeline reference for scband-adaptive-positional-embedding-62362925138827 (READ-ONLY COPY).

The authoritative reference and input builder live on the scoring server;
editing this copy changes nothing except your own understanding.
"""

import jax, jax.numpy as jnp
import numpy as np
import math

D_MODEL = 768
MAX_LEN = 8192
NUM_SCHEMES = 3
CHUNK = D_MODEL // NUM_SCHEMES  # 256
REM = D_MODEL % NUM_SCHEMES     # 0


def _create_sinusoidal(max_len, d_model, base=10000.0):
    pe = np.zeros((max_len, d_model), dtype=np.float32)
    position = np.arange(0, max_len, dtype=np.float32)[:, None]
    div_term = np.exp(np.arange(0, d_model, 2, dtype=np.float32) * (-math.log(base) / d_model))
    pe[:, 0::2] = np.sin(position * div_term)
    pe[:, 1::2] = np.cos(position * div_term)
    return jnp.asarray(pe)


def setup_inputs(seed: int = 0) -> dict:
    key = jax.random.key(seed)
    k1, = jax.random.split(key, 1)
    emb_table = jax.random.normal(k1, (MAX_LEN, CHUNK), dtype=jnp.float32)  # nn.Embedding weight
    sinusoidal_1 = _create_sinusoidal(MAX_LEN, CHUNK, base=10000.0)
    sinusoidal_2 = _create_sinusoidal(MAX_LEN, CHUNK + REM, base=1000.0)
    mixing_weights = jnp.ones((NUM_SCHEMES,), dtype=jnp.float32) / NUM_SCHEMES
    seq_len = 8192
    return {
        "emb_table": emb_table,
        "sinusoidal_1": sinusoidal_1,
        "sinusoidal_2": sinusoidal_2,
        "mixing_weights": mixing_weights,
        "seq_len": seq_len,
    }


def reference(emb_table, sinusoidal_1, sinusoidal_2, mixing_weights, seq_len):
    static_len = emb_table.shape[0]
    positions = jnp.arange(static_len) + (seq_len - static_len)
    e0 = jnp.take(emb_table, positions, axis=0)         # learned embedding gather
    e1 = sinusoidal_1[:static_len]                       # buffer slice
    e2 = sinusoidal_2[:static_len]                       # buffer slice
    w = jax.nn.softmax(mixing_weights, axis=0)
    mixed = w[0] * e0 + w[1] * e1 + w[2] * e2
    return mixed

if __name__ == "__main__":
    import jax
    _d = setup_inputs()
    print(jax.jit(kernel)(*tuple(_d.values())))

</pallas_src>

<mosaic_0001>
#map = affine_map<(d0, d1) -> (0, 0)>
#map1 = affine_map<(d0, d1) -> (0)>
module attributes {stable_mosaic.version = 14 : i64} {
  func.func @_sc_body(%arg0: i32, %arg1: i32, %arg2: memref<8192x256xf32, #tpu.memory_space<hbm>>, %arg3: memref<8192x256xf32, #tpu.memory_space<hbm>>, %arg4: memref<8192x256xf32, #tpu.memory_space<hbm>>, %arg5: memref<3xf32, #tpu.memory_space<hbm>>, %arg6: memref<1xi32, #tpu.memory_space<hbm>>, %arg7: memref<8192x256xf32, #tpu.memory_space<hbm>>, %arg8: memref<24x16x256xf32, #tpu.memory_space<vmem>>, %arg9: memref<6x16xi32, #tpu.memory_space<vmem>>, %arg10: memref<16xf32, #tpu.memory_space<vmem>>, %arg11: memref<16xi32, #tpu.memory_space<vmem>>, %arg12: memref<6x!tpu.dma_semaphore, #tpu.memory_space<semaphore_mem>>, %arg13: memref<6x!tpu.dma_semaphore, #tpu.memory_space<semaphore_mem>>) attributes {dimension_semantics = [#tpu.dimension_semantics<core_parallel>, #tpu.dimension_semantics<subcore_parallel>], iteration_bounds = array<i64: 2, 16>, scalar_prefetch = 0 : i64, scratch_operands = 6 : i64, tpu.core_type = #tpu.core_type<sc_vector_subcore>, window_params = [{transform_indices = #map}, {transform_indices = #map}, {transform_indices = #map}, {transform_indices = #map1}, {transform_indices = #map1}, {transform_indices = #map}]} {
    %mul3A = arith.constant 2 : i32
    %mul3A_0 = arith.muli %arg1, %mul3A : i32
    %add3A = arith.addi %mul3A_0, %arg0 : i32
    %mul3A_1 = arith.constant 96 : i32
    %mul3A_2 = arith.muli %add3A, %mul3A_1 : i32
    %add3A_3 = arith.constant 5120 : i32
    %add3A_4 = arith.addi %add3A_3, %mul3A_2 : i32
    %add3A_5 = arith.constant 0 : i32
    %add3A_6 = arith.addi %add3A_4, %add3A_5 : i32
    %dma_start3A = arith.constant 0 : i32
    %dma_start3A_7 = arith.constant 0 : i32
    %dma_start3A_8 = arith.constant 0 : i32
    %dma_start3A_9 = arith.constant 0 : i32
    %dma_start3A_10 = tpu.memref_slice %arg8[%dma_start3A, %dma_start3A_8, %dma_start3A_9] : memref<24x16x256xf32, #tpu.memory_space<vmem>> -> memref<1x16x256xf32, #tpu.memory_space<vmem>>
    %dma_start3A_11 = tpu.memref_squeeze %dma_start3A_10 : memref<1x16x256xf32, #tpu.memory_space<vmem>> -> memref<16x256xf32, #tpu.memory_space<vmem>>
    %dma_start3A_12 = arith.constant 0 : i32
    %dma_start3A_13 = tpu.memref_slice %arg2[%add3A_6, %dma_start3A_12] : memref<8192x256xf32, #tpu.memory_space<hbm>> -> memref<16x256xf32, #tpu.memory_space<hbm>>
    %dma_start3A_14 = tpu.memref_slice %arg12[%dma_start3A_7] : memref<6x!tpu.dma_semaphore, #tpu.memory_space<semaphore_mem>> -> memref<1x!tpu.dma_semaphore, #tpu.memory_space<semaphore_mem>>
    %dma_start3A_15 = tpu.memref_squeeze %dma_start3A_14 : memref<1x!tpu.dma_semaphore, #tpu.memory_space<semaphore_mem>> -> memref<!tpu.dma_semaphore, #tpu.memory_space<semaphore_mem>>
    %dma_start3A_16 = arith.constant 0 : i32
    %dma_start3A_17 = arith.constant 0 : i32
    %dma_start3A_18 = tpu.memref_slice %arg8[%dma_start3A, %dma_start3A_16, %dma_start3A_17] : memref<24x16x256xf32, #tpu.memory_space<vmem>> -> memref<1x16x256xf32, #tpu.memory_space<vmem>>
    %dma_start3A_19 = tpu.memref_squeeze %dma_start3A_18 : memref<1x16x256xf32, #tpu.memory_space<vmem>> -> memref<16x256xf32, #tpu.memory_space<vmem>>
    %dma_start3A_20 = arith.constant 0 : i32
    %dma_start3A_21 = tpu.memref_slice %arg2[%add3A_6, %dma_start3A_20] : memref<8192x256xf32, #tpu.memory_space<hbm>> -> memref<16x256xf32, #tpu.memory_space<hbm>>
    tpu.enqueue_dma source(%dma_start3A_21 : memref<16x256xf32, #tpu.memory_space<hbm>>) target(%dma_start3A_19 : memref<16x256xf32, #tpu.memory_space<vmem>>) target_semaphore(%dma_start3A_15 : memref<!tpu.dma_semaphore, #tpu.memory_space<semaphore_mem>>)
    %dma_start3A_22 = arith.constant 1 : i32
    %dma_start3A_23 = arith.constant 0 : i32
    %dma_start3A_24 = arith.constant 0 : i32
    %dma_start3A_25 = arith.constant 0 : i32
    %dma_start3A_26 = tpu.memref_slice %arg8[%dma_start3A_22, %dma_start3A_24, %dma_start3A_25] : memref<24x16x256xf32, #tpu.memory_space<vmem>> -> memref<1x16x256xf32, #tpu.memory_space<vmem>>
    %dma_start3A_27 = tpu.memref_squeeze %dma_start3A_26 : memref<1x16x256xf32, #tpu.memory_space<vmem>> -> memref<16x256xf32, #tpu.memory_space<vmem>>
    %dma_start3A_28 = arith.constant 0 : i32
    %dma_start3A_29 = tpu.memref_slice %arg3[%add3A_6, %dma_start3A_28] : memref<8192x256xf32, #tpu.memory_space<hbm>> -> memref<16x256xf32, #tpu.memory_space<hbm>>
    %dma_start3A_30 = tpu.memref_slice %arg12[%dma_start3A_23] : memref<6x!tpu.dma_semaphore, #tpu.memory_space<semaphore_mem>> -> memref<1x!tpu.dma_semaphore, #tpu.memory_space<semaphore_mem>>
    %dma_start3A_31 = tpu.memref_squeeze %dma_start3A_30 : memref<1x!tpu.dma_semaphore, #tpu.memory_space<semaphore_mem>> -> memref<!tpu.dma_semaphore, #tpu.memory_space<semaphore_mem>>
    %dma_start3A_32 = arith.constant 0 : i32
    %dma_start3A_33 = arith.constant 0 : i32
    %dma_start3A_34 = tpu.memref_slice %arg8[%dma_start3A_22, %dma_start3A_32, %dma_start3A_33] : memref<24x16x256xf32, #tpu.memory_space<vmem>> -> memref<1x16x256xf32, #tpu.memory_space<vmem>>
    %dma_start3A_35 = tpu.memref_squeeze %dma_start3A_34 : memref<1x16x256xf32, #tpu.memory_space<vmem>> -> memref<16x256xf32, #tpu.memory_space<vmem>>
    %dma_start3A_36 = arith.constant 0 : i32
    %dma_start3A_37 = tpu.memref_slice %arg3[%add3A_6, %dma_start3A_36] : memref<8192x256xf32, #tpu.memory_space<hbm>> -> memref<16x256xf32, #tpu.memory_space<hbm>>
    tpu.enqueue_dma source(%dma_start3A_37 : memref<16x256xf32, #tpu.memory_space<hbm>>) target(%dma_start3A_35 : memref<16x256xf32, #tpu.memory_space<vmem>>) target_semaphore(%dma_start3A_31 : memref<!tpu.dma_semaphore, #tpu.memory_space<semaphore_mem>>)
    %dma_start3A_38 = arith.constant 2 : i32
    %dma_start3A_39 = arith.constant 0 : i32
    %dma_start3A_40 = arith.constant 0 : i32
    %dma_start3A_41 = arith.constant 0 : i32
    %dma_start3A_42 = tpu.memref_slice %arg8[%dma_start3A_38, %dma_start3A_40, %dma_start3A_41] : memref<24x16x256xf32, #tpu.memory_space<vmem>> -> memref<1x16x256xf32, #tpu.memory_space<vmem>>
    %dma_start3A_43 = tpu.memref_squeeze %dma_start3A_42 : memref<1x16x256xf32, #tpu.memory_space<vmem>> -> memref<16x256xf32, #tpu.memory_space<vmem>>
    %dma_start3A_44 = arith.constant 0 : i32
    %dma_start3A_45 = tpu.memref_slice %arg4[%add3A_6, %dma_start3A_44] : memref<8192x256xf32, #tpu.memory_space<hbm>> -> memref<16x256xf32, #tpu.memory_space<hbm>>
    %dma_start3A_46 = tpu.memref_slice %arg12[%dma_start3A_39] : memref<6x!tpu.dma_semaphore, #tpu.memory_space<semaphore_mem>> -> memref<1x!tpu.dma_semaphore, #tpu.memory_space<semaphore_mem>>
    %dma_start3A_47 = tpu.memref_squeeze %dma_start3A_46 : memref<1x!tpu.dma_semaphore, #tpu.memory_space<semaphore_mem>> -> memref<!tpu.dma_semaphore, #tpu.memory_space<semaphore_mem>>
    %dma_start3A_48 = arith.constant 0 : i32
    %dma_start3A_49 = arith.constant 0 : i32
    %dma_start3A_50 = tpu.memref_slice %arg8[%dma_start3A_38, %dma_start3A_48, %dma_start3A_49] : memref<24x16x256xf32, #tpu.memory_space<vmem>> -> memref<1x16x256xf32, #tpu.memory_space<vmem>>
    %dma_start3A_51 = tpu.memref_squeeze %dma_start3A_50 : memref<1x16x256xf32, #tpu.memory_space<vmem>> -> memref<16x256xf32, #tpu.memory_space<vmem>>
    %dma_start3A_52 = arith.constant 0 : i32
    %dma_start3A_53 = tpu.memref_slice %arg4[%add3A_6, %dma_start3A_52] : memref<8192x256xf32, #tpu.memory_space<hbm>> -> memref<16x256xf32, #tpu.memory_space<hbm>>
    tpu.enqueue_dma source(%dma_start3A_53 : memref<16x256xf32, #tpu.memory_space<hbm>>) target(%dma_start3A_51 : memref<16x256xf32, #tpu.memory_space<vmem>>) target_semaphore(%dma_start3A_47 : memref<!tpu.dma_semaphore, #tpu.memory_space<semaphore_mem>>)
    %add3A_54 = arith.constant 16 : i32
    %add3A_55 = arith.addi %add3A_4, %add3A_54 : i32
    %dma_start3A_56 = arith.constant 4 : i32
    %dma_start3A_57 = arith.constant 1 : i32
    %dma_start3A_58 = arith.constant 0 : i32
    %dma_start3A_59 = arith.constant 0 : i32
    %dma_start3A_60 = tpu.memref_slice %arg8[%dma_start3A_56, %dma_start3A_58, %dma_start3A_59] : memref<24x16x256xf32, #tpu.memory_space<vmem>> -> memref<1x16x256xf32, #tpu.memory_space<vmem>>
    %dma_start3A_61 = tpu.memref_squeeze %dma_start3A_60 : memref<1x16x256xf32, #tpu.memory_space<vmem>> -> memref<16x256xf32, #tpu.memory_space<vmem>>
    %dma_start3A_62 = arith.constant 0 : i32
    %dma_start3A_63 = tpu.memref_slice %arg2[%add3A_55, %dma_start3A_62] : memref<8192x256xf32, #tpu.memory_space<hbm>> -> memref<16x256xf32, #tpu.memory_space<hbm>>
    %dma_start3A_64 = tpu.memref_slice %arg12[%dma_start3A_57] : memref<6x!tpu.dma_semaphore, #tpu.memory_space<semaphore_mem>> -> memref<1x!tpu.dma_semaphore, #tpu.memory_space<semaphore_mem>>
    %dma_start3A_65 = tpu.memref_squeeze %dma_start3A_64 : memref<1x!tpu.dma_semaphore, #tpu.memory_space<semaphore_mem>> -> memref<!tpu.dma_semaphore, #tpu.memory_space<semaphore_mem>>
    %dma_start3A_66 = arith.constant 0 : i32
    %dma_start3A_67 = arith.constant 0 : i32
    %dma_start3A_68 = tpu.memref_slice %arg8[%dma_start3A_56, %dma_start3A_66, %dma_start3A_67] : memref<24x16x256xf32, #tpu.memory_space<vmem>> -> memref<1x16x256xf32, #tpu.memory_space<vmem>>
    %dma_start3A_69 = tpu.memref_squeeze %dma_start3A_68 : memref<1x16x256xf32, #tpu.memory_space<vmem>> -> memref<16x256xf32, #tpu.memory_space<vmem>>
    %dma_start3A_70 = arith.constant 0 : i32
    %dma_start3A_71 = tpu.memref_slice %arg2[%add3A_55, %dma_start3A_70] : memref<8192x256xf32, #tpu.memory_space<hbm>> -> memref<16x256xf32, #tpu.memory_space<hbm>>
    tpu.enqueue_dma source(%dma_start3A_71 : memref<16x256xf32, #tpu.memory_space<hbm>>) target(%dma_start3A_69 : memref<16x256xf32, #tpu.memory_space<vmem>>) target_semaphore(%dma_start3A_65 : memref<!tpu.dma_semaphore, #tpu.memory_space<semaphore_mem>>)
    %dma_start3A_72 = arith.constant 5 : i32
    %dma_start3A_73 = arith.constant 1 : i32
    %dma_start3A_74 = arith.constant 0 : i32
    %dma_start3A_75 = arith.constant 0 : i32
    %dma_start3A_76 = tpu.memref_slice %arg8[%dma_start3A_72, %dma_start3A_74, %dma_start3A_75] : memref<24x16x256xf32, #tpu.memory_space<vmem>> -> memref<1x16x256xf32, #tpu.memory_space<vmem>>
    %dma_start3A_77 = tpu.memref_squeeze %dma_start3A_76 : memref<1x16x256xf32, #tpu.memory_space<vmem>> -> memref<16x256xf32, #tpu.memory_space<vmem>>
    %dma_start3A_78 = arith.constant 0 : i32
    %dma_start3A_79 = tpu.memref_slice %arg3[%add3A_55, %dma_start3A_78] : memref<8192x256xf32, #tpu.memory_space<hbm>> -> memref<16x256xf32, #tpu.memory_space<hbm>>
    %dma_start3A_80 = tpu.memref_slice %arg12[%dma_start3A_73] : memref<6x!tpu.dma_semaphore, #tpu.memory_space<semaphore_mem>> -> memref<1x!tpu.dma_semaphore, #tpu.memory_space<semaphore_mem>>
    %dma_start3A_81 = tpu.memref_squeeze %dma_start3A_80 : memref<1x!tpu.dma_semaphore, #tpu.memory_space<semaphore_mem>> -> memref<!tpu.dma_semaphore, #tpu.memory_space<semaphore_mem>>
    %dma_start3A_82 = arith.constant 0 : i32
    %dma_start3A_83 = arith.constant 0 : i32
    %dma_start3A_84 = tpu.memref_slice %arg8[%dma_start3A_72, %dma_start3A_82, %dma_start3A_83] : memref<24x16x256xf32, #tpu.memory_space<vmem>> -> memref<1x16x256xf32, #tpu.memory_space<vmem>>
    %dma_start3A_85 = tpu.memref_squeeze %dma_start3A_84 : memref<1x16x256xf32, #tpu.memory_space<vmem>> -> memref<16x256xf32, #tpu.memory_space<vmem>>
    %dma_start3A_86 = arith.constant 0 : i32
    %dma_start3A_87 = tpu.memref_slice %arg3[%add3A_55, %dma_start3A_86] : memref<8192x256xf32, #tpu.memory_space<hbm>> -> memref<16x256xf32, #tpu.memory_space<hbm>>
    tpu.enqueue_dma source(%dma_start3A_87 : memref<16x256xf32, #tpu.memory_space<hbm>>) target(%dma_start3A_85 : memref<16x256xf32, #tpu.memory_space<vmem>>) target_semaphore(%dma_start3A_81 : memref<!tpu.dma_semaphore, #tpu.memory_space<semaphore_mem>>)
    %dma_start3A_88 = arith.constant 6 : i32
    %dma_start3A_89 = arith.constant 1 : i32
    %dma_start3A_90 = arith.constant 0 : i32
    %dma_start3A_91 = arith.constant 0 : i32
    %dma_start3A_92 = tpu.memref_slice %arg8[%dma_start3A_88, %dma_start3A_90, %dma_start3A_91] : memref<24x16x256xf32, #tpu.memory_space<vmem>> -> memref<1x16x256xf32, #tpu.memory_space<vmem>>
    %dma_start3A_93 = tpu.memref_squeeze %dma_start3A_92 : memref<1x16x256xf32, #tpu.memory_space<vmem>> -> memref<16x256xf32, #tpu.memory_space<vmem>>
    %dma_start3A_94 = arith.constant 0 : i32
    %dma_start3A_95 = tpu.memref_slice %arg4[%add3A_55, %dma_start3A_94] : memref<8192x256xf32, #tpu.memory_space<hbm>> -> memref<16x256xf32, #tpu.memory_space<hbm>>
    %dma_start3A_96 = tpu.memref_slice %arg12[%dma_start3A_89] : memref<6x!tpu.dma_semaphore, #tpu.memory_space<semaphore_mem>> -> memref<1x!tpu.dma_semaphore, #tpu.memory_space<semaphore_mem>>
    %dma_start3A_97 = tpu.memref_squeeze %dma_start3A_96 : memref<1x!tpu.dma_semaphore, #tpu.memory_space<semaphore_mem>> -> memref<!tpu.dma_semaphore, #tpu.memory_space<semaphore_mem>>
    %dma_start3A_98 = arith.constant 0 : i32
    %dma_start3A_99 = arith.constant 0 : i32
    %dma_start3A_100 = tpu.memref_slice %arg8[%dma_start3A_88, %dma_start3A_98, %dma_start3A_99] : memref<24x16x256xf32, #tpu.memory_space<vmem>> -> memref<1x16x256xf32, #tpu.memory_space<vmem>>
    %dma_start3A_101 = tpu.memref_squeeze %dma_start3A_100 : memref<1x16x256xf32, #tpu.memory_space<vmem>> -> memref<16x256xf32, #tpu.memory_space<vmem>>
    %dma_start3A_102 = arith.constant 0 : i32
    %dma_start3A_103 = tpu.memref_slice %arg4[%add3A_55, %dma_start3A_102] : memref<8192x256xf32, #tpu.memory_space<hbm>> -> memref<16x256xf32, #tpu.memory_space<hbm>>
    tpu.enqueue_dma source(%dma_start3A_103 : memref<16x256xf32, #tpu.memory_space<hbm>>) target(%dma_start3A_101 : memref<16x256xf32, #tpu.memory_space<vmem>>) target_semaphore(%dma_start3A_97 : memref<!tpu.dma_semaphore, #tpu.memory_space<semaphore_mem>>)
    %add3A_104 = arith.constant 32 : i32
    %add3A_105 = arith.addi %add3A_4, %add3A_104 : i32
    %dma_start3A_106 = arith.constant 8 : i32
    %dma_start3A_107 = arith.constant 2 : i32
    %dma_start3A_108 = arith.constant 0 : i32
    %dma_start3A_109 = arith.constant 0 : i32
    %dma_start3A_110 = tpu.memref_slice %arg8[%dma_start3A_106, %dma_start3A_108, %dma_start3A_109] : memref<24x16x256xf32, #tpu.memory_space<vmem>> -> memref<1x16x256xf32, #tpu.memory_space<vmem>>
    %dma_start3A_111 = tpu.memref_squeeze %dma_start3A_110 : memref<1x16x256xf32, #tpu.memory_space<vmem>> -> memref<16x256xf32, #tpu.memory_space<vmem>>
    %dma_start3A_112 = arith.constant 0 : i32
    %dma_start3A_113 = tpu.memref_slice %arg2[%add3A_105, %dma_start3A_112] : memref<8192x256xf32, #tpu.memory_space<hbm>> -> memref<16x256xf32, #tpu.memory_space<hbm>>
    %dma_start3A_114 = tpu.memref_slice %arg12[%dma_start3A_107] : memref<6x!tpu.dma_semaphore, #tpu.memory_space<semaphore_mem>> -> memref<1x!tpu.dma_semaphore, #tpu.memory_space<semaphore_mem>>
    %dma_start3A_115 = tpu.memref_squeeze %dma_start3A_114 : memref<1x!tpu.dma_semaphore, #tpu.memory_space<semaphore_mem>> -> memref<!tpu.dma_semaphore, #tpu.memory_space<semaphore_mem>>
    %dma_start3A_116 = arith.constant 0 : i32
    %dma_start3A_117 = arith.constant 0 : i32
    %dma_start3A_118 = tpu.memref_slice %arg8[%dma_start3A_106, %dma_start3A_116, %dma_start3A_117] : memref<24x16x256xf32, #tpu.memory_space<vmem>> -> memref<1x16x256xf32, #tpu.memory_space<vmem>>
    %dma_start3A_119 = tpu.memref_squeeze %dma_start3A_118 : memref<1x16x256xf32, #tpu.memory_space<vmem>> -> memref<16x256xf32, #tpu.memory_space<vmem>>
    %dma_start3A_120 = arith.constant 0 : i32
    %dma_start3A_121 = tpu.memref_slice %arg2[%add3A_105, %dma_start3A_120] : memref<8192x256xf32, #tpu.memory_space<hbm>> -> memref<16x256xf32, #tpu.memory_space<hbm>>
    tpu.enqueue_dma source(%dma_start3A_121 : memref<16x256xf32, #tpu.memory_space<hbm>>) target(%dma_start3A_119 : memref<16x256xf32, #tpu.memory_space<vmem>>) target_semaphore(%dma_start3A_115 : memref<!tpu.dma_semaphore, #tpu.memory_space<semaphore_mem>>)
    %dma_start3A_122 = arith.constant 9 : i32
    %dma_start3A_123 = arith.constant 2 : i32
    %dma_start3A_124 = arith.constant 0 : i32
    %dma_start3A_125 = arith.constant 0 : i32
    %dma_start3A_126 = tpu.memref_slice %arg8[%dma_start3A_122, %dma_start3A_124, %dma_start3A_125] : memref<24x16x256xf32, #tpu.memory_space<vmem>> -> memref<1x16x256xf32, #tpu.memory_space<vmem>>
    %dma_start3A_127 = tpu.memref_squeeze %dma_start3A_126 : memref<1x16x256xf32, #tpu.memory_space<vmem>> -> memref<16x256xf32, #tpu.memory_space<vmem>>
    %dma_start3A_128 = arith.constant 0 : i32
    %dma_start3A_129 = tpu.memref_slice %arg3[%add3A_105, %dma_start3A_128] : memref<8192x256xf32, #tpu.memory_space<hbm>> -> memref<16x256xf32, #tpu.memory_space<hbm>>
    %dma_start3A_130 = tpu.memref_slice %arg12[%dma_start3A_123] : memref<6x!tpu.dma_semaphore, #tpu.memory_space<semaphore_mem>> -> memref<1x!tpu.dma_semaphore, #tpu.memory_space<semaphore_mem>>
    %dma_start3A_131 = tpu.memref_squeeze %dma_start3A_130 : memref<1x!tpu.dma_semaphore, #tpu.memory_space<semaphore_mem>> -> memref<!tpu.dma_semaphore, #tpu.memory_space<semaphore_mem>>
    %dma_start3A_132 = arith.constant 0 : i32
    %dma_start3A_133 = arith.constant 0 : i32
    %dma_start3A_134 = tpu.memref_slice %arg8[%dma_start3A_122, %dma_start3A_132, %dma_start3A_133] : memref<24x16x256xf32, #tpu.memory_space<vmem>> -> memref<1x16x256xf32, #tpu.memory_space<vmem>>
    %dma_start3A_135 = tpu.memref_squeeze %dma_start3A_134 : memref<1x16x256xf32, #tpu.memory_space<vmem>> -> memref<16x256xf32, #tpu.memory_space<vmem>>
    %dma_start3A_136 = arith.constant 0 : i32
    %dma_start3A_137 = tpu.memref_slice %arg3[%add3A_105, %dma_start3A_136] : memref<8192x256xf32, #tpu.memory_space<hbm>> -> memref<16x256xf32, #tpu.memory_space<hbm>>
    tpu.enqueue_dma source(%dma_start3A_137 : memref<16x256xf32, #tpu.memory_space<hbm>>) target(%dma_start3A_135 : memref<16x256xf32, #tpu.memory_space<vmem>>) target_semaphore(%dma_start3A_131 : memref<!tpu.dma_semaphore, #tpu.memory_space<semaphore_mem>>)
    %dma_start3A_138 = arith.constant 10 : i32
    %dma_start3A_139 = arith.constant 2 : i32
    %dma_start3A_140 = arith.constant 0 : i32
    %dma_start3A_141 = arith.constant 0 : i32
    %dma_start3A_142 = tpu.memref_slice %arg8[%dma_start3A_138, %dma_start3A_140, %dma_start3A_141] : memref<24x16x256xf32, #tpu.memory_space<vmem>> -> memref<1x16x256xf32, #tpu.memory_space<vmem>>
    %dma_start3A_143 = tpu.memref_squeeze %dma_start3A_142 : memref<1x16x256xf32, #tpu.memory_space<vmem>> -> memref<16x256xf32, #tpu.memory_space<vmem>>
    %dma_start3A_144 = arith.constant 0 : i32
    %dma_start3A_145 = tpu.memref_slice %arg4[%add3A_105, %dma_start3A_144] : memref<8192x256xf32, #tpu.memory_space<hbm>> -> memref<16x256xf32, #tpu.memory_space<hbm>>
    %dma_start3A_146 = tpu.memref_slice %arg12[%dma_start3A_139] : memref<6x!tpu.dma_semaphore, #tpu.memory_space<semaphore_mem>> -> memref<1x!tpu.dma_semaphore, #tpu.memory_space<semaphore_mem>>
    %dma_start3A_147 = tpu.memref_squeeze %dma_start3A_146 : memref<1x!tpu.dma_semaphore, #tpu.memory_space<semaphore_mem>> -> memref<!tpu.dma_semaphore, #tpu.memory_space<semaphore_mem>>
    %dma_start3A_148 = arith.constant 0 : i32
    %dma_start3A_149 = arith.constant 0 : i32
    %dma_start3A_150 = tpu.memref_slice %arg8[%dma_start3A_138, %dma_start3A_148, %dma_start3A_149] : memref<24x16x256xf32, #tpu.memory_space<vmem>> -> memref<1x16x256xf32, #tpu.memory_space<vmem>>
    %dma_start3A_151 = tpu.memref_squeeze %dma_start3A_150 : memref<1x16x256xf32, #tpu.memory_space<vmem>> -> memref<16x256xf32, #tpu.memory_space<vmem>>
    %dma_start3A_152 = arith.constant 0 : i32
    %dma_start3A_153 = tpu.memref_slice %arg4[%add3A_105, %dma_start3A_152] : memref<8192x256xf32, #tpu.memory_space<hbm>> -> memref<16x256xf32, #tpu.memory_space<hbm>>
    tpu.enqueue_dma source(%dma_start3A_153 : memref<16x256xf32, #tpu.memory_space<hbm>>) target(%dma_start3A_151 : memref<16x256xf32, #tpu.memory_space<vmem>>) target_semaphore(%dma_start3A_147 : memref<!tpu.dma_semaphore, #tpu.memory_space<semaphore_mem>>)
    %add3A_154 = arith.constant 48 : i32
    %add3A_155 = arith.addi %add3A_4, %add3A_154 : i32
    %dma_start3A_156 = arith.constant 12 : i32
    %dma_start3A_157 = arith.constant 3 : i32
    %dma_start3A_158 = arith.constant 0 : i32
    %dma_start3A_159 = arith.constant 0 : i32
    %dma_start3A_160 = tpu.memref_slice %arg8[%dma_start3A_156, %dma_start3A_158, %dma_start3A_159] : memref<24x16x256xf32, #tpu.memory_space<vmem>> -> memref<1x16x256xf32, #tpu.memory_space<vmem>>
    %dma_start3A_161 = tpu.memref_squeeze %dma_start3A_160 : memref<1x16x256xf32, #tpu.memory_space<vmem>> -> memref<16x256xf32, #tpu.memory_space<vmem>>
    %dma_start3A_162 = arith.constant 0 : i32
    %dma_start3A_163 = tpu.memref_slice %arg2[%add3A_155, %dma_start3A_162] : memref<8192x256xf32, #tpu.memory_space<hbm>> -> memref<16x256xf32, #tpu.memory_space<hbm>>
    %dma_start3A_164 = tpu.memref_slice %arg12[%dma_start3A_157] : memref<6x!tpu.dma_semaphore, #tpu.memory_space<semaphore_mem>> -> memref<1x!tpu.dma_semaphore, #tpu.memory_space<semaphore_mem>>
    %dma_start3A_165 = tpu.memref_squeeze %dma_start3A_164 : memref<1x!tpu.dma_semaphore, #tpu.memory_space<semaphore_mem>> -> memref<!tpu.dma_semaphore, #tpu.memory_space<semaphore_mem>>
    %dma_start3A_166 = arith.constant 0 : i32
    %dma_start3A_167 = arith.constant 0 : i32
    %dma_start3A_168 = tpu.memref_slice %arg8[%dma_start3A_156, %dma_start3A_166, %dma_start3A_167] : memref<24x16x256xf32, #tpu.memory_space<vmem>> -> memref<1x16x256xf32, #tpu.memory_space<vmem>>
    %dma_start3A_169 = tpu.memref_squeeze %dma_start3A_168 : memref<1x16x256xf32, #tpu.memory_space<vmem>> -> memref<16x256xf32, #tpu.memory_space<vmem>>
    %dma_start3A_170 = arith.constant 0 : i32
    %dma_start3A_171 = tpu.memref_slice %arg2[%add3A_155, %dma_start3A_170] : memref<8192x256xf32, #tpu.memory_space<hbm>> -> memref<16x256xf32, #tpu.memory_space<hbm>>
    tpu.enqueue_dma source(%dma_start3A_171 : memref<16x256xf32, #tpu.memory_space<hbm>>) target(%dma_start3A_169 : memref<16x256xf32, #tpu.memory_space<vmem>>) target_semaphore(%dma_start3A_165 : memref<!tpu.dma_semaphore, #tpu.memory_space<semaphore_mem>>)
    %dma_start3A_172 = arith.constant 13 : i32
    %dma_start3A_173 = arith.constant 3 : i32
    %dma_start3A_174 = arith.constant 0 : i32
    %dma_start3A_175 = arith.constant 0 : i32
    %dma_start3A_176 = tpu.memref_slice %arg8[%dma_start3A_172, %dma_start3A_174, %dma_start3A_175] : memref<24x16x256xf32, #tpu.memory_space<vmem>> -> memref<1x16x256xf32, #tpu.memory_space<vmem>>
    %dma_start3A_177 = tpu.memref_squeeze %dma_start3A_176 : memref<1x16x256xf32, #tpu.memory_space<vmem>> -> memref<16x256xf32, #tpu.memory_space<vmem>>
    %dma_start3A_178 = arith.constant 0 : i32
    %dma_start3A_179 = tpu.memref_slice %arg3[%add3A_155, %dma_start3A_178] : memref<8192x256xf32, #tpu.memory_space<hbm>> -> memref<16x256xf32, #tpu.memory_space<hbm>>
    %dma_start3A_180 = tpu.memref_slice %arg12[%dma_start3A_173] : memref<6x!tpu.dma_semaphore, #tpu.memory_space<semaphore_mem>> -> memref<1x!tpu.dma_semaphore, #tpu.memory_space<semaphore_mem>>
    %dma_start3A_181 = tpu.memref_squeeze %dma_start3A_180 : memref<1x!tpu.dma_semaphore, #tpu.memory_space<semaphore_mem>> -> memref<!tpu.dma_semaphore, #tpu.memory_space<semaphore_mem>>
    %dma_start3A_182 = arith.constant 0 : i32
    %dma_start3A_183 = arith.constant 0 : i32
    %dma_start3A_184 = tpu.memref_slice %arg8[%dma_start3A_172, %dma_start3A_182, %dma_start3A_183] : memref<24x16x256xf32, #tpu.memory_space<vmem>> -> memref<1x16x256xf32, #tpu.memory_space<vmem>>
    %dma_start3A_185 = tpu.memref_squeeze %dma_start3A_184 : memref<1x16x256xf32, #tpu.memory_space<vmem>> -> memref<16x256xf32, #tpu.memory_space<vmem>>
    %dma_start3A_186 = arith.constant 0 : i32
    %dma_start3A_187 = tpu.memref_slice %arg3[%add3A_155, %dma_start3A_186] : memref<8192x256xf32, #tpu.memory_space<hbm>> -> memref<16x256xf32, #tpu.memory_space<hbm>>
    tpu.enqueue_dma source(%dma_start3A_187 : memref<16x256xf32, #tpu.memory_space<hbm>>) target(%dma_start3A_185 : memref<16x256xf32, #tpu.memory_space<vmem>>) target_semaphore(%dma_start3A_181 : memref<!tpu.dma_semaphore, #tpu.memory_space<semaphore_mem>>)
    %dma_start3A_188 = arith.constant 14 : i32
    %dma_start3A_189 = arith.constant 3 : i32
    %dma_start3A_190 = arith.constant 0 : i32
    %dma_start3A_191 = arith.constant 0 : i32
    %dma_start3A_192 = tpu.memref_slice %arg8[%dma_start3A_188, %dma_start3A_190, %dma_start3A_191] : memref<24x16x256xf32, #tpu.memory_space<vmem>> -> memref<1x16x256xf32, #tpu.memory_space<vmem>>
    %dma_start3A_193 = tpu.memref_squeeze %dma_start3A_192 : memref<1x16x256xf32, #tpu.memory_space<vmem>> -> memref<16x256xf32, #tpu.memory_space<vmem>>
    %dma_start3A_194 = arith.constant 0 : i32
    %dma_start3A_195 = tpu.memref_slice %arg4[%add3A_155, %dma_start3A_194] : memref<8192x256xf32, #tpu.memory_space<hbm>> -> memref<16x256xf32, #tpu.memory_space<hbm>>
    %dma_start3A_196 = tpu.memref_slice %arg12[%dma_start3A_189] : memref<6x!tpu.dma_semaphore, #tpu.memory_space<semaphore_mem>> -> memref<1x!tpu.dma_semaphore, #tpu.memory_space<semaphore_mem>>
    %dma_start3A_197 = tpu.memref_squeeze %dma_start3A_196 : memref<1x!tpu.dma_semaphore, #tpu.memory_space<semaphore_mem>> -> memref<!tpu.dma_semaphore, #tpu.memory_space<semaphore_mem>>
    %dma_start3A_198 = arith.constant 0 : i32
    %dma_start3A_199 = arith.constant 0 : i32
    %dma_start3A_200 = tpu.memref_slice %arg8[%dma_start3A_188, %dma_start3A_198, %dma_start3A_199] : memref<24x16x256xf32, #tpu.memory_space<vmem>> -> memref<1x16x256xf32, #tpu.memory_space<vmem>>
    %dma_start3A_201 = tpu.memref_squeeze %dma_start3A_200 : memref<1x16x256xf32, #tpu.memory_space<vmem>> -> memref<16x256xf32, #tpu.memory_space<vmem>>
    %dma_start3A_202 = arith.constant 0 : i32
    %dma_start3A_203 = tpu.memref_slice %arg4[%add3A_155, %dma_start3A_202] : memref<8192x256xf32, #tpu.memory_space<hbm>> -> memref<16x256xf32, #tpu.memory_space<hbm>>
    tpu.enqueue_dma source(%dma_start3A_203 : memref<16x256xf32, #tpu.memory_space<hbm>>) target(%dma_start3A_201 : memref<16x256xf32, #tpu.memory_space<vmem>>) target_semaphore(%dma_start3A_197 : memref<!tpu.dma_semaphore, #tpu.memory_space<semaphore_mem>>)
    %add3A_204 = arith.constant 64 : i32
    %add3A_205 = arith.addi %add3A_4, %add3A_204 : i32
    %dma_start3A_206 = arith.constant 16 : i32
    %dma_start3A_207 = arith.constant 4 : i32
    %dma_start3A_208 = arith.constant 0 : i32
    %dma_start3A_209 = arith.constant 0 : i32
    %dma_start3A_210 = tpu.memref_slice %arg8[%dma_start3A_206, %dma_start3A_208, %dma_start3A_209] : memref<24x16x256xf32, #tpu.memory_space<vmem>> -> memref<1x16x256xf32, #tpu.memory_space<vmem>>
    %dma_start3A_211 = tpu.memref_squeeze %dma_start3A_210 : memref<1x16x256xf32, #tpu.memory_space<vmem>> -> memref<16x256xf32, #tpu.memory_space<vmem>>
    %dma_start3A_212 = arith.constant 0 : i32
    %dma_start3A_213 = tpu.memref_slice %arg2[%add3A_205, %dma_start3A_212] : memref<8192x256xf32, #tpu.memory_space<hbm>> -> memref<16x256xf32, #tpu.memory_space<hbm>>
    %dma_start3A_214 = tpu.memref_slice %arg12[%dma_start3A_207] : memref<6x!tpu.dma_semaphore, #tpu.memory_space<semaphore_mem>> -> memref<1x!tpu.dma_semaphore, #tpu.memory_space<semaphore_mem>>
    %dma_start3A_215 = tpu.memref_squeeze %dma_start3A_214 : memref<1x!tpu.dma_semaphore, #tpu.memory_space<semaphore_mem>> -> memref<!tpu.dma_semaphore, #tpu.memory_space<semaphore_mem>>
    %dma_start3A_216 = arith.constant 0 : i32
    %dma_start3A_217 = arith.constant 0 : i32
    %dma_start3A_218 = tpu.memref_slice %arg8[%dma_start3A_206, %dma_start3A_216, %dma_start3A_217] : memref<24x16x256xf32, #tpu.memory_space<vmem>> -> memref<1x16x256xf32, #tpu.memory_space<vmem>>
    %dma_start3A_219 = tpu.memref_squeeze %dma_start3A_218 : memref<1x16x256xf32, #tpu.memory_space<vmem>> -> memref<16x256xf32, #tpu.memory_space<vmem>>
    %dma_start3A_220 = arith.constant 0 : i32
    %dma_start3A_221 = tpu.memref_slice %arg2[%add3A_205, %dma_start3A_220] : memref<8192x256xf32, #tpu.memory_space<hbm>> -> memref<16x256xf32, #tpu.memory_space<hbm>>
    tpu.enqueue_dma source(%dma_start3A_221 : memref<16x256xf32, #tpu.memory_space<hbm>>) target(%dma_start3A_219 : memref<16x256xf32, #tpu.memory_space<vmem>>) target_semaphore(%dma_start3A_215 : memref<!tpu.dma_semaphore, #tpu.memory_space<semaphore_mem>>)
    %dma_start3A_222 = arith.constant 17 : i32
    %dma_start3A_223 = arith.constant 4 : i32
    %dma_start3A_224 = arith.constant 0 : i32
    %dma_start3A_225 = arith.constant 0 : i32
    %dma_start3A_226 = tpu.memref_slice %arg8[%dma_start3A_222, %dma_start3A_224, %dma_start3A_225] : memref<24x16x256xf32, #tpu.memory_space<vmem>> -> memref<1x16x256xf32, #tpu.memory_space<vmem>>
    %dma_start3A_227 = tpu.memref_squeeze %dma_start3A_226 : memref<1x16x256xf32, #tpu.memory_space<vmem>> -> memref<16x256xf32, #tpu.memory_space<vmem>>
    %dma_start3A_228 = arith.constant 0 : i32
    %dma_start3A_229 = tpu.memref_slice %arg3[%add3A_205, %dma_start3A_228] : memref<8192x256xf32, #tpu.memory_space<hbm>> -> memref<16x256xf32, #tpu.memory_space<hbm>>
    %dma_start3A_230 = tpu.memref_slice %arg12[%dma_start3A_223] : memref<6x!tpu.dma_semaphore, #tpu.memory_space<semaphore_mem>> -> memref<1x!tpu.dma_semaphore, #tpu.memory_space<semaphore_mem>>
    %dma_start3A_231 = tpu.memref_squeeze %dma_start3A_230 : memref<1x!tpu.dma_semaphore, #tpu.memory_space<semaphore_mem>> -> memref<!tpu.dma_semaphore, #tpu.memory_space<semaphore_mem>>
    %dma_start3A_232 = arith.constant 0 : i32
    %dma_start3A_233 = arith.constant 0 : i32
    %dma_start3A_234 = tpu.memref_slice %arg8[%dma_start3A_222, %dma_start3A_232, %dma_start3A_233] : memref<24x16x256xf32, #tpu.memory_space<vmem>> -> memref<1x16x256xf32, #tpu.memory_space<vmem>>
    %dma_start3A_235 = tpu.memref_squeeze %dma_start3A_234 : memref<1x16x256xf32, #tpu.memory_space<vmem>> -> memref<16x256xf32, #tpu.memory_space<vmem>>
    %dma_start3A_236 = arith.constant 0 : i32
    %dma_start3A_237 = tpu.memref_slice %arg3[%add3A_205, %dma_start3A_236] : memref<8192x256xf32, #tpu.memory_space<hbm>> -> memref<16x256xf32, #tpu.memory_space<hbm>>
    tpu.enqueue_dma source(%dma_start3A_237 : memref<16x256xf32, #tpu.memory_space<hbm>>) target(%dma_start3A_235 : memref<16x256xf32, #tpu.memory_space<vmem>>) target_semaphore(%dma_start3A_231 : memref<!tpu.dma_semaphore, #tpu.memory_space<semaphore_mem>>)
    %dma_start3A_238 = arith.constant 18 : i32
    %dma_start3A_239 = arith.constant 4 : i32
    %dma_start3A_240 = arith.constant 0 : i32
    %dma_start3A_241 = arith.constant 0 : i32
    %dma_start3A_242 = tpu.memref_slice %arg8[%dma_start3A_238, %dma_start3A_240, %dma_start3A_241] : memref<24x16x256xf32, #tpu.memory_space<vmem>> -> memref<1x16x256xf32, #tpu.memory_space<vmem>>
    %dma_start3A_243 = tpu.memref_squeeze %dma_start3A_242 : memref<1x16x256xf32, #tpu.memory_space<vmem>> -> memref<16x256xf32, #tpu.memory_space<vmem>>
    %dma_start3A_244 = arith.constant 0 : i32
    %dma_start3A_245 = tpu.memref_slice %arg4[%add3A_205, %dma_start3A_244] : memref<8192x256xf32, #tpu.memory_space<hbm>> -> memref<16x256xf32, #tpu.memory_space<hbm>>
    %dma_start3A_246 = tpu.memref_slice %arg12[%dma_start3A_239] : memref<6x!tpu.dma_semaphore, #tpu.memory_space<semaphore_mem>> -> memref<1x!tpu.dma_semaphore, #tpu.memory_space<semaphore_mem>>
    %dma_start3A_247 = tpu.memref_squeeze %dma_start3A_246 : memref<1x!tpu.dma_semaphore, #tpu.memory_space<semaphore_mem>> -> memref<!tpu.dma_semaphore, #tpu.memory_space<semaphore_mem>>
    %dma_start3A_248 = arith.constant 0 : i32
    %dma_start3A_249 = arith.constant 0 : i32
    %dma_start3A_250 = tpu.memref_slice %arg8[%dma_start3A_238, %dma_start3A_248, %dma_start3A_249] : memref<24x16x256xf32, #tpu.memory_space<vmem>> -> memref<1x16x256xf32, #tpu.memory_space<vmem>>
    %dma_start3A_251 = tpu.memref_squeeze %dma_start3A_250 : memref<1x16x256xf32, #tpu.memory_space<vmem>> -> memref<16x256xf32, #tpu.memory_space<vmem>>
    %dma_start3A_252 = arith.constant 0 : i32
    %dma_start3A_253 = tpu.memref_slice %arg4[%add3A_205, %dma_start3A_252] : memref<8192x256xf32, #tpu.memory_space<hbm>> -> memref<16x256xf32, #tpu.memory_space<hbm>>
    tpu.enqueue_dma source(%dma_start3A_253 : memref<16x256xf32, #tpu.memory_space<hbm>>) target(%dma_start3A_251 : memref<16x256xf32, #tpu.memory_space<vmem>>) target_semaphore(%dma_start3A_247 : memref<!tpu.dma_semaphore, #tpu.memory_space<semaphore_mem>>)
    %add3A_254 = arith.constant 80 : i32
    %add3A_255 = arith.addi %add3A_4, %add3A_254 : i32
    %dma_start3A_256 = arith.constant 20 : i32
    %dma_start3A_257 = arith.constant 5 : i32
    %dma_start3A_258 = arith.constant 0 : i32
    %dma_start3A_259 = arith.constant 0 : i32
    %dma_start3A_260 = tpu.memref_slice %arg8[%dma_start3A_256, %dma_start3A_258, %dma_start3A_259] : memref<24x16x256xf32, #tpu.memory_space<vmem>> -> memref<1x16x256xf32, #tpu.memory_space<vmem>>
    %dma_start3A_261 = tpu.memref_squeeze %dma_start3A_260 : memref<1x16x256xf32, #tpu.memory_space<vmem>> -> memref<16x256xf32, #tpu.memory_space<vmem>>
    %dma_start3A_262 = arith.constant 0 : i32
    %dma_start3A_263 = tpu.memref_slice %arg2[%add3A_255, %dma_start3A_262] : memref<8192x256xf32, #tpu.memory_space<hbm>> -> memref<16x256xf32, #tpu.memory_space<hbm>>
    %dma_start3A_264 = tpu.memref_slice %arg12[%dma_start3A_257] : memref<6x!tpu.dma_semaphore, #tpu.memory_space<semaphore_mem>> -> memref<1x!tpu.dma_semaphore, #tpu.memory_space<semaphore_mem>>
    %dma_start3A_265 = tpu.memref_squeeze %dma_start3A_264 : memref<1x!tpu.dma_semaphore, #tpu.memory_space<semaphore_mem>> -> memref<!tpu.dma_semaphore, #tpu.memory_space<semaphore_mem>>
    %dma_start3A_266 = arith.constant 0 : i32
    %dma_start3A_267 = arith.constant 0 : i32
    %dma_start3A_268 = tpu.memref_slice %arg8[%dma_start3A_256, %dma_start3A_266, %dma_start3A_267] : memref<24x16x256xf32, #tpu.memory_space<vmem>> -> memref<1x16x256xf32, #tpu.memory_space<vmem>>
    %dma_start3A_269 = tpu.memref_squeeze %dma_start3A_268 : memref<1x16x256xf32, #tpu.memory_space<vmem>> -> memref<16x256xf32, #tpu.memory_space<vmem>>
    %dma_start3A_270 = arith.constant 0 : i32
    %dma_start3A_271 = tpu.memref_slice %arg2[%add3A_255, %dma_start3A_270] : memref<8192x256xf32, #tpu.memory_space<hbm>> -> memref<16x256xf32, #tpu.memory_space<hbm>>
    tpu.enqueue_dma source(%dma_start3A_271 : memref<16x256xf32, #tpu.memory_space<hbm>>) target(%dma_start3A_269 : memref<16x256xf32, #tpu.memory_space<vmem>>) target_semaphore(%dma_start3A_265 : memref<!tpu.dma_semaphore, #tpu.memory_space<semaphore_mem>>)
    %dma_start3A_272 = arith.constant 21 : i32
    %dma_start3A_273 = arith.constant 5 : i32
    %dma_start3A_274 = arith.constant 0 : i32
    %dma_start3A_275 = arith.constant 0 : i32
    %dma_start3A_276 = tpu.memref_slice %arg8[%dma_start3A_272, %dma_start3A_274, %dma_start3A_275] : memref<24x16x256xf32, #tpu.memory_space<vmem>> -> memref<1x16x256xf32, #tpu.memory_space<vmem>>
    %dma_start3A_277 = tpu.memref_squeeze %dma_start3A_276 : memref<1x16x256xf32, #tpu.memory_space<vmem>> -> memref<16x256xf32, #tpu.memory_space<vmem>>
    %dma_start3A_278 = arith.constant 0 : i32
    %dma_start3A_279 = tpu.memref_slice %arg3[%add3A_255, %dma_start3A_278] : memref<8192x256xf32, #tpu.memory_space<hbm>> -> memref<16x256xf32, #tpu.memory_space<hbm>>
    %dma_start3A_280 = tpu.memref_slice %arg12[%dma_start3A_273] : memref<6x!tpu.dma_semaphore, #tpu.memory_space<semaphore_mem>> -> memref<1x!tpu.dma_semaphore, #tpu.memory_space<semaphore_mem>>
    %dma_start3A_281 = tpu.memref_squeeze %dma_start3A_280 : memref<1x!tpu.dma_semaphore, #tpu.memory_space<semaphore_mem>> -> memref<!tpu.dma_semaphore, #tpu.memory_space<semaphore_mem>>
    %dma_start3A_282 = arith.constant 0 : i32
    %dma_start3A_283 = arith.constant 0 : i32
    %dma_start3A_284 = tpu.memref_slice %arg8[%dma_start3A_272, %dma_start3A_282, %dma_start3A_283] : memref<24x16x256xf32, #tpu.memory_space<vmem>> -> memref<1x16x256xf32, #tpu.memory_space<vmem>>
    %dma_start3A_285 = tpu.memref_squeeze %dma_start3A_284 : memref<1x16x256xf32, #tpu.memory_space<vmem>> -> memref<16x256xf32, #tpu.memory_space<vmem>>
    %dma_start3A_286 = arith.constant 0 : i32
    %dma_start3A_287 = tpu.memref_slice %arg3[%add3A_255, %dma_start3A_286] : memref<8192x256xf32, #tpu.memory_space<hbm>> -> memref<16x256xf32, #tpu.memory_space<hbm>>
    tpu.enqueue_dma source(%dma_start3A_287 : memref<16x256xf32, #tpu.memory_space<hbm>>) target(%dma_start3A_285 : memref<16x256xf32, #tpu.memory_space<vmem>>) target_semaphore(%dma_start3A_281 : memref<!tpu.dma_semaphore, #tpu.memory_space<semaphore_mem>>)
    %dma_start3A_288 = arith.constant 22 : i32
    %dma_start3A_289 = arith.constant 5 : i32
    %dma_start3A_290 = arith.constant 0 : i32
    %dma_start3A_291 = arith.constant 0 : i32
    %dma_start3A_292 = tpu.memref_slice %arg8[%dma_start3A_288, %dma_start3A_290, %dma_start3A_291] : memref<24x16x256xf32, #tpu.memory_space<vmem>> -> memref<1x16x256xf32, #tpu.memory_space<vmem>>
    %dma_start3A_293 = tpu.memref_squeeze %dma_start3A_292 : memref<1x16x256xf32, #tpu.memory_space<vmem>> -> memref<16x256xf32, #tpu.memory_space<vmem>>
    %dma_start3A_294 = arith.constant 0 : i32
    %dma_start3A_295 = tpu.memref_slice %arg4[%add3A_255, %dma_start3A_294] : memref<8192x256xf32, #tpu.memory_space<hbm>> -> memref<16x256xf32, #tpu.memory_space<hbm>>
    %dma_start3A_296 = tpu.memref_slice %arg12[%dma_start3A_289] : memref<6x!tpu.dma_semaphore, #tpu.memory_space<semaphore_mem>> -> memref<1x!tpu.dma_semaphore, #tpu.memory_space<semaphore_mem>>
    %dma_start3A_297 = tpu.memref_squeeze %dma_start3A_296 : memref<1x!tpu.dma_semaphore, #tpu.memory_space<semaphore_mem>> -> memref<!tpu.dma_semaphore, #tpu.memory_space<semaphore_mem>>
    %dma_start3A_298 = arith.constant 0 : i32
    %dma_start3A_299 = arith.constant 0 : i32
    %dma_start3A_300 = tpu.memref_slice %arg8[%dma_start3A_288, %dma_start3A_298, %dma_start3A_299] : memref<24x16x256xf32, #tpu.memory_space<vmem>> -> memref<1x16x256xf32, #tpu.memory_space<vmem>>
    %dma_start3A_301 = tpu.memref_squeeze %dma_start3A_300 : memref<1x16x256xf32, #tpu.memory_space<vmem>> -> memref<16x256xf32, #tpu.memory_space<vmem>>
    %dma_start3A_302 = arith.constant 0 : i32
    %dma_start3A_303 = tpu.memref_slice %arg4[%add3A_255, %dma_start3A_302] : memref<8192x256xf32, #tpu.memory_space<hbm>> -> memref<16x256xf32, #tpu.memory_space<hbm>>
    tpu.enqueue_dma source(%dma_start3A_303 : memref<16x256xf32, #tpu.memory_space<hbm>>) target(%dma_start3A_301 : memref<16x256xf32, #tpu.memory_space<vmem>>) target_semaphore(%dma_start3A_297 : memref<!tpu.dma_semaphore, #tpu.memory_space<semaphore_mem>>)
    %dma_start3A_304 = arith.constant 0 : i32
    %dma_start3A_305 = arith.constant 0 : i32
    %dma_start3A_306 = tpu.memref_slice %arg10[%dma_start3A_305] : memref<16xf32, #tpu.memory_space<vmem>> -> memref<3xf32, #tpu.memory_space<vmem>>
    %dma_start3A_307 = tpu.memref_slice %arg13[%dma_start3A_304] : memref<6x!tpu.dma_semaphore, #tpu.memory_space<semaphore_mem>> -> memref<1x!tpu.dma_semaphore, #tpu.memory_space<semaphore_mem>>
    %dma_start3A_308 = tpu.memref_squeeze %dma_start3A_307 : memref<1x!tpu.dma_semaphore, #tpu.memory_space<semaphore_mem>> -> memref<!tpu.dma_semaphore, #tpu.memory_space<semaphore_mem>>
    %dma_start3A_309 = arith.constant 0 : i32
    %dma_start3A_310 = tpu.memref_slice %arg10[%dma_start3A_309] : memref<16xf32, #tpu.memory_space<vmem>> -> memref<3xf32, #tpu.memory_space<vmem>>
    tpu.enqueue_dma source(%arg5 : memref<3xf32, #tpu.memory_space<hbm>>) target(%dma_start3A_310 : memref<3xf32, #tpu.memory_space<vmem>>) target_semaphore(%dma_start3A_308 : memref<!tpu.dma_semaphore, #tpu.memory_space<semaphore_mem>>)
    %dma_start3A_311 = arith.constant 0 : i32
    %dma_start3A_312 = arith.constant 0 : i32
    %dma_start3A_313 = tpu.memref_slice %arg11[%dma_start3A_312] : memref<16xi32, #tpu.memory_space<vmem>> -> memref<1xi32, #tpu.memory_space<vmem>>
    %dma_start3A_314 = tpu.memref_slice %arg13[%dma_start3A_311] : memref<6x!tpu.dma_semaphore, #tpu.memory_space<semaphore_mem>> -> memref<1x!tpu.dma_semaphore, #tpu.memory_space<semaphore_mem>>
    %dma_start3A_315 = tpu.memref_squeeze %dma_start3A_314 : memref<1x!tpu.dma_semaphore, #tpu.memory_space<semaphore_mem>> -> memref<!tpu.dma_semaphore, #tpu.memory_space<semaphore_mem>>
    %dma_start3A_316 = arith.constant 0 : i32
    %dma_start3A_317 = tpu.memref_slice %arg11[%dma_start3A_316] : memref<16xi32, #tpu.memory_space<vmem>> -> memref<1xi32, #tpu.memory_space<vmem>>
    tpu.enqueue_dma source(%arg6 : memref<1xi32, #tpu.memory_space<hbm>>) target(%dma_start3A_317 : memref<1xi32, #tpu.memory_space<vmem>>) target_semaphore(%dma_start3A_315 : memref<!tpu.dma_semaphore, #tpu.memory_space<semaphore_mem>>)
    %dma_wait3A = arith.constant 0 : i32
    %dma_wait3A_318 = arith.constant 0 : i32
    %dma_wait3A_319 = tpu.memref_slice %arg10[%dma_wait3A_318] : memref<16xf32, #tpu.memory_space<vmem>> -> memref<3xf32, #tpu.memory_space<vmem>>
    %dma_wait3A_320 = tpu.memref_slice %arg13[%dma_wait3A] : memref<6x!tpu.dma_semaphore, #tpu.memory_space<semaphore_mem>> -> memref<1x!tpu.dma_semaphore, #tpu.memory_space<semaphore_mem>>
    %dma_wait3A_321 = tpu.memref_squeeze %dma_wait3A_320 : memref<1x!tpu.dma_semaphore, #tpu.memory_space<semaphore_mem>> -> memref<!tpu.dma_semaphore, #tpu.memory_space<semaphore_mem>>
    %dma_wait3A_322 = arith.constant 0 : i32
    %dma_wait3A_323 = tpu.memref_slice %arg10[%dma_wait3A_322] : memref<16xf32, #tpu.memory_space<vmem>> -> memref<3xf32, #tpu.memory_space<vmem>>
    tpu.wait_dma2 semaphore(%dma_wait3A_321 : memref<!tpu.dma_semaphore, #tpu.memory_space<semaphore_mem>>) src(%arg5 : memref<3xf32, #tpu.memory_space<hbm>>) dst(%dma_wait3A_323 : memref<3xf32, #tpu.memory_space<vmem>>)
    %dma_wait3A_324 = arith.constant 0 : i32
    %dma_wait3A_325 = arith.constant 0 : i32
    %dma_wait3A_326 = tpu.memref_slice %arg11[%dma_wait3A_325] : memref<16xi32, #tpu.memory_space<vmem>> -> memref<1xi32, #tpu.memory_space<vmem>>
    %dma_wait3A_327 = tpu.memref_slice %arg13[%dma_wait3A_324] : memref<6x!tpu.dma_semaphore, #tpu.memory_space<semaphore_mem>> -> memref<1x!tpu.dma_semaphore, #tpu.memory_space<semaphore_mem>>
    %dma_wait3A_328 = tpu.memref_squeeze %dma_wait3A_327 : memref<1x!tpu.dma_semaphore, #tpu.memory_space<semaphore_mem>> -> memref<!tpu.dma_semaphore, #tpu.memory_space<semaphore_mem>>
    %dma_wait3A_329 = arith.constant 0 : i32
    %dma_wait3A_330 = tpu.memref_slice %arg11[%dma_wait3A_329] : memref<16xi32, #tpu.memory_space<vmem>> -> memref<1xi32, #tpu.memory_space<vmem>>
    tpu.wait_dma2 semaphore(%dma_wait3A_328 : memref<!tpu.dma_semaphore, #tpu.memory_space<semaphore_mem>>) src(%arg6 : memref<1xi32, #tpu.memory_space<hbm>>) dst(%dma_wait3A_330 : memref<1xi32, #tpu.memory_space<vmem>>)
    %get3A = arith.constant 0 : index
    %get3A_331 = tpu.vector_load %arg10[%get3A] {strides = array<i32>} : memref<16xf32, #tpu.memory_space<vmem>>, vector<16xf32>,
    %get3A_332 = vector.shape_cast %get3A_331 : vector<16xf32> to vector<16xf32>
    %slice3A = vector.extract_strided_slice %get3A_332 {offsets = [0], sizes = [1], strides = [1]} : vector<16xf32> to vector<1xf32>
    %squeeze3A = vector.extract %slice3A[0] : f32 from vector<1xf32>
    %slice3A_333 = vector.extract_strided_slice %get3A_332 {offsets = [1], sizes = [1], strides = [1]} : vector<16xf32> to vector<1xf32>
    %squeeze3A_334 = vector.extract %slice3A_333[0] : f32 from vector<1xf32>
    %slice3A_335 = vector.extract_strided_slice %get3A_332 {offsets = [2], sizes = [1], strides = [1]} : vector<16xf32> to vector<1xf32>
    %squeeze3A_336 = vector.extract %slice3A_335[0] : f32 from vector<1xf32>
    %get3A_337 = arith.constant 0 : index
    %get3A_338 = tpu.vector_load %arg11[%get3A_337] {strides = array<i32>} : memref<16xi32, #tpu.memory_space<vmem>>, vector<16xi32>,
    %get3A_339 = vector.shape_cast %get3A_338 : vector<16xi32> to vector<16xi32>
    %slice3A_340 = vector.extract_strided_slice %get3A_339 {offsets = [0], sizes = [1], strides = [1]} : vector<16xi32> to vector<1xi32>
    %squeeze3A_341 = vector.extract %slice3A_340[0] : i32 from vector<1xi32>
    %iota3A = tpu.iota {dimensions = array<i32: 0>} : vector<16xi32>
    %eq3A = arith.constant 0 : i32
    %eq3A_342 = vector.broadcast %eq3A : i32 to vector<16xi32>
    %eq3A_343 = arith.cmpi eq, %iota3A, %eq3A_342 : vector<16xi32>
    %eq3A_344 = arith.constant 1 : i32
    %eq3A_345 = vector.broadcast %eq3A_344 : i32 to vector<16xi32>
    %eq3A_346 = arith.cmpi eq, %iota3A, %eq3A_345 : vector<16xi32>
    %eq3A_347 = arith.constant 2 : i32
    %eq3A_348 = vector.broadcast %eq3A_347 : i32 to vector<16xi32>
    %eq3A_349 = arith.cmpi eq, %iota3A, %eq3A_348 : vector<16xi32>
    %jit3A = arith.constant -1.000000e+30 : f32
    %broadcast_in_dim3A = vector.broadcast %squeeze3A_336 : f32 to vector<16xf32>
    %broadcast_in_dim3A_350 = vector.broadcast %jit3A : f32 to vector<16xf32>
    %select_n3A = arith.select %eq3A_349, %broadcast_in_dim3A, %broadcast_in_dim3A_350 : vector<16xi1>, vector<16xf32>
    %broadcast_in_dim3A_351 = vector.broadcast %squeeze3A_334 : f32 to vector<16xf32>
    %select_n3A_352 = arith.select %eq3A_346, %broadcast_in_dim3A_351, %select_n3A : vector<16xi1>, vector<16xf32>
    %broadcast_in_dim3A_353 = vector.broadcast %squeeze3A : f32 to vector<16xf32>
    %select_n3A_354 = arith.select %eq3A_343, %broadcast_in_dim3A_353, %select_n3A_352 : vector<16xi1>, vector<16xf32>
    %max3A = arith.maximumf %squeeze3A, %squeeze3A_334 : f32
    %max3A_355 = arith.maximumf %max3A, %squeeze3A_336 : f32
    %sub3A = vector.broadcast %max3A_355 : f32 to vector<16xf32>
    %sub3A_356 = arith.subf %select_n3A_354, %sub3A : vector<16xf32>
    %exp3A = math.exp %sub3A_356 : vector<16xf32>
    %slice3A_357 = vector.extract_strided_slice %exp3A {offsets = [0], sizes = [1], strides = [1]} : vector<16xf32> to vector<1xf32>
    %squeeze3A_358 = vector.extract %slice3A_357[0] : f32 from vector<1xf32>
    %slice3A_359 = vector.extract_strided_slice %exp3A {offsets = [1], sizes = [1], strides = [1]} : vector<16xf32> to vector<1xf32>
    %squeeze3A_360 = vector.extract %slice3A_359[0] : f32 from vector<1xf32>
    %add3A_361 = arith.addf %squeeze3A_358, %squeeze3A_360 : f32
    %slice3A_362 = vector.extract_strided_slice %exp3A {offsets = [2], sizes = [1], strides = [1]} : vector<16xf32> to vector<1xf32>
    %squeeze3A_363 = vector.extract %slice3A_362[0] : f32 from vector<1xf32>
    %add3A_364 = arith.addf %add3A_361, %squeeze3A_363 : f32
    %div3A = vector.broadcast %add3A_364 : f32 to vector<16xf32>
    %div3A_365 = arith.divf %exp3A, %div3A : vector<16xf32>
    %slice3A_366 = vector.extract_strided_slice %div3A_365 {offsets = [0], sizes = [1], strides = [1]} : vector<16xf32> to vector<1xf32>
    %squeeze3A_367 = vector.extract %slice3A_366[0] : f32 from vector<1xf32>
    %slice3A_368 = vector.extract_strided_slice %div3A_365 {offsets = [1], sizes = [1], strides = [1]} : vector<16xf32> to vector<1xf32>
    %squeeze3A_369 = vector.extract %slice3A_368[0] : f32 from vector<1xf32>
    %slice3A_370 = vector.extract_strided_slice %div3A_365 {offsets = [2], sizes = [1], strides = [1]} : vector<16xf32> to vector<1xf32>
    %squeeze3A_371 = vector.extract %slice3A_370[0] : f32 from vector<1xf32>
    %scan3A = arith.constant 0 : i32
    %scan3A_372 = arith.constant 0 : i32
    %scan3A_373 = arith.constant 6 : i32
    %scan3A_374 = arith.addi %scan3A_372, %scan3A_373 : i32
    %scan3A_375 = arith.constant 1 : i32
    scf.for %scan3A_385 = %scan3A_372 to %scan3A_374 step %scan3A_375  : i32 {
      %rem3A = arith.constant 6 : i32
      %rem3A_386 = arith.remsi %scan3A_385, %rem3A : i32
      %mul3A_387 = arith.constant 16 : i32
      %mul3A_388 = arith.muli %scan3A_385, %mul3A_387 : i32
      %add3A_389 = arith.addi %add3A_4, %mul3A_388 : i32
      %mul3A_390 = arith.constant 4 : i32
      %mul3A_391 = arith.muli %rem3A_386, %mul3A_390 : i32
      %add3A_392 = arith.constant 1 : i32
      %add3A_393 = arith.addi %mul3A_391, %add3A_392 : i32
      %dma_wait3A_394 = arith.constant 0 : i32
      %dma_wait3A_395 = arith.constant 0 : i32
      %dma_wait3A_396 = tpu.memref_slice %arg8[%add3A_393, %dma_wait3A_394, %dma_wait3A_395] : memref<24x16x256xf32, #tpu.memory_space<vmem>> -> memref<1x16x256xf32, #tpu.memory_space<vmem>>
      %dma_wait3A_397 = tpu.memref_squeeze %dma_wait3A_396 : memref<1x16x256xf32, #tpu.memory_space<vmem>> -> memref<16x256xf32, #tpu.memory_space<vmem>>
      %dma_wait3A_398 = arith.constant 0 : i32
      %dma_wait3A_399 = tpu.memref_slice %arg3[%add3A_389, %dma_wait3A_398] : memref<8192x256xf32, #tpu.memory_space<hbm>> -> memref<16x256xf32, #tpu.memory_space<hbm>>
      %dma_wait3A_400 = tpu.memref_slice %arg12[%rem3A_386] : memref<6x!tpu.dma_semaphore, #tpu.memory_space<semaphore_mem>> -> memref<1x!tpu.dma_semaphore, #tpu.memory_space<semaphore_mem>>
      %dma_wait3A_401 = tpu.memref_squeeze %dma_wait3A_400 : memref<1x!tpu.dma_semaphore, #tpu.memory_space<semaphore_mem>> -> memref<!tpu.dma_semaphore, #tpu.memory_space<semaphore_mem>>
      %dma_wait3A_402 = arith.constant 0 : i32
      %dma_wait3A_403 = arith.constant 0 : i32
      %dma_wait3A_404 = tpu.memref_slice %arg8[%add3A_393, %dma_wait3A_402, %dma_wait3A_403] : memref<24x16x256xf32, #tpu.memory_space<vmem>> -> memref<1x16x256xf32, #tpu.memory_space<vmem>>
      %dma_wait3A_405 = tpu.memref_squeeze %dma_wait3A_404 : memref<1x16x256xf32, #tpu.memory_space<vmem>> -> memref<16x256xf32, #tpu.memory_space<vmem>>
      %dma_wait3A_406 = arith.constant 0 : i32
      %dma_wait3A_407 = tpu.memref_slice %arg3[%add3A_389, %dma_wait3A_406] : memref<8192x256xf32, #tpu.memory_space<hbm>> -> memref<16x256xf32, #tpu.memory_space<hbm>>
      tpu.wait_dma2 semaphore(%dma_wait3A_401 : memref<!tpu.dma_semaphore, #tpu.memory_space<semaphore_mem>>) src(%dma_wait3A_407 : memref<16x256xf32, #tpu.memory_space<hbm>>) dst(%dma_wait3A_405 : memref<16x256xf32, #tpu.memory_space<vmem>>)
      %mul3A_408 = arith.constant 4 : i32
      %mul3A_409 = arith.muli %rem3A_386, %mul3A_408 : i32
      %add3A_410 = arith.constant 2 : i32
      %add3A_411 = arith.addi %mul3A_409, %add3A_410 : i32
      %dma_wait3A_412 = arith.constant 0 : i32
      %dma_wait3A_413 = arith.constant 0 : i32
      %dma_wait3A_414 = tpu.memref_slice %arg8[%add3A_411, %dma_wait3A_412, %dma_wait3A_413] : memref<24x16x256xf32, #tpu.memory_space<vmem>> -> memref<1x16x256xf32, #tpu.memory_space<vmem>>
      %dma_wait3A_415 = tpu.memref_squeeze %dma_wait3A_414 : memref<1x16x256xf32, #tpu.memory_space<vmem>> -> memref<16x256xf32, #tpu.memory_space<vmem>>
      %dma_wait3A_416 = arith.constant 0 : i32
      %dma_wait3A_417 = tpu.memref_slice %arg3[%add3A_389, %dma_wait3A_416] : memref<8192x256xf32, #tpu.memory_space<hbm>> -> memref<16x256xf32, #tpu.memory_space<hbm>>
      %dma_wait3A_418 = tpu.memref_slice %arg12[%rem3A_386] : memref<6x!tpu.dma_semaphore, #tpu.memory_space<semaphore_mem>> -> memref<1x!tpu.dma_semaphore, #tpu.memory_space<semaphore_mem>>
      %dma_wait3A_419 = tpu.memref_squeeze %dma_wait3A_418 : memref<1x!tpu.dma_semaphore, #tpu.memory_space<semaphore_mem>> -> memref<!tpu.dma_semaphore, #tpu.memory_space<semaphore_mem>>
      %dma_wait3A_420 = arith.constant 0 : i32
      %dma_wait3A_421 = arith.constant 0 : i32
      %dma_wait3A_422 = tpu.memref_slice %arg8[%add3A_411, %dma_wait3A_420, %dma_wait3A_421] : memref<24x16x256xf32, #tpu.memory_space<vmem>> -> memref<1x16x256xf32, #tpu.memory_space<vmem>>
      %dma_wait3A_423 = tpu.memref_squeeze %dma_wait3A_422 : memref<1x16x256xf32, #tpu.memory_space<vmem>> -> memref<16x256xf32, #tpu.memory_space<vmem>>
      %dma_wait3A_424 = arith.constant 0 : i32
      %dma_wait3A_425 = tpu.memref_slice %arg3[%add3A_389, %dma_wait3A_424] : memref<8192x256xf32, #tpu.memory_space<hbm>> -> memref<16x256xf32, #tpu.memory_space<hbm>>
      tpu.wait_dma2 semaphore(%dma_wait3A_419 : memref<!tpu.dma_semaphore, #tpu.memory_space<semaphore_mem>>) src(%dma_wait3A_425 : memref<16x256xf32, #tpu.memory_space<hbm>>) dst(%dma_wait3A_423 : memref<16x256xf32, #tpu.memory_space<vmem>>)
      %mul3A_426 = arith.constant 4 : i32
      %mul3A_427 = arith.muli %rem3A_386, %mul3A_426 : i32
      %add3A_428 = arith.constant 0 : i32
      %add3A_429 = arith.addi %mul3A_427, %add3A_428 : i32
      %dma_wait3A_430 = arith.constant 0 : i32
      %dma_wait3A_431 = arith.constant 0 : i32
      %dma_wait3A_432 = tpu.memref_slice %arg8[%add3A_429, %dma_wait3A_430, %dma_wait3A_431] : memref<24x16x256xf32, #tpu.memory_space<vmem>> -> memref<1x16x256xf32, #tpu.memory_space<vmem>>
      %dma_wait3A_433 = tpu.memref_squeeze %dma_wait3A_432 : memref<1x16x256xf32, #tpu.memory_space<vmem>> -> memref<16x256xf32, #tpu.memory_space<vmem>>
      %dma_wait3A_434 = arith.constant 0 : i32
      %dma_wait3A_435 = tpu.memref_slice %arg3[%add3A_389, %dma_wait3A_434] : memref<8192x256xf32, #tpu.memory_space<hbm>> -> memref<16x256xf32, #tpu.memory_space<hbm>>
      %dma_wait3A_436 = tpu.memref_slice %arg12[%rem3A_386] : memref<6x!tpu.dma_semaphore, #tpu.memory_space<semaphore_mem>> -> memref<1x!tpu.dma_semaphore, #tpu.memory_space<semaphore_mem>>
      %dma_wait3A_437 = tpu.memref_squeeze %dma_wait3A_436 : memref<1x!tpu.dma_semaphore, #tpu.memory_space<semaphore_mem>> -> memref<!tpu.dma_semaphore, #tpu.memory_space<semaphore_mem>>
      %dma_wait3A_438 = arith.constant 0 : i32
      %dma_wait3A_439 = arith.constant 0 : i32
      %dma_wait3A_440 = tpu.memref_slice %arg8[%add3A_429, %dma_wait3A_438, %dma_wait3A_439] : memref<24x16x256xf32, #tpu.memory_space<vmem>> -> memref<1x16x256xf32, #tpu.memory_space<vmem>>
      %dma_wait3A_441 = tpu.memref_squeeze %dma_wait3A_440 : memref<1x16x256xf32, #tpu.memory_space<vmem>> -> memref<16x256xf32, #tpu.memory_space<vmem>>
      %dma_wait3A_442 = arith.constant 0 : i32
      %dma_wait3A_443 = tpu.memref_slice %arg3[%add3A_389, %dma_wait3A_442] : memref<8192x256xf32, #tpu.memory_space<hbm>> -> memref<16x256xf32, #tpu.memory_space<hbm>>
      tpu.wait_dma2 semaphore(%dma_wait3A_437 : memref<!tpu.dma_semaphore, #tpu.memory_space<semaphore_mem>>) src(%dma_wait3A_443 : memref<16x256xf32, #tpu.memory_space<hbm>>) dst(%dma_wait3A_441 : memref<16x256xf32, #tpu.memory_space<vmem>>)
      %scan3A_444 = arith.constant 0 : i32
      %scan3A_445 = arith.constant 0 : i32
      %scan3A_446 = arith.constant 16 : i32
      %scan3A_447 = arith.addi %scan3A_445, %scan3A_446 : i32
      %scan3A_448 = arith.constant 1 : i32
      scf.for %scan3A_468 = %scan3A_445 to %scan3A_447 step %scan3A_448  : i32 {
        %mul3A_469 = arith.constant 4 : i32
        %mul3A_470 = arith.muli %rem3A_386, %mul3A_469 : i32
        %add3A_471 = arith.constant 0 : i32
        %add3A_472 = arith.addi %mul3A_470, %add3A_471 : i32
        %get3A_473 = arith.index_cast %add3A_472 : i32 to index
        %get3A_474 = arith.index_cast %scan3A_468 : i32 to index
        %get3A_475 = arith.constant 0 : index
        %get3A_476 = tpu.vector_load %arg8[%get3A_473, %get3A_474, %get3A_475] {strides = array<i32>} : memref<24x16x256xf32, #tpu.memory_space<vmem>>, vector<1x1x16xf32>,
        %get3A_477 = vector.shape_cast %get3A_476 : vector<1x1x16xf32> to vector<16xf32>
        %mul3A_478 = vector.broadcast %squeeze3A_367 : f32 to vector<16xf32>
        %mul3A_479 = arith.mulf %mul3A_478, %get3A_477 : vector<16xf32>
        %mul3A_480 = arith.constant 4 : i32
        %mul3A_481 = arith.muli %rem3A_386, %mul3A_480 : i32
        %add3A_482 = arith.constant 1 : i32
        %add3A_483 = arith.addi %mul3A_481, %add3A_482 : i32
        %get3A_484 = arith.index_cast %add3A_483 : i32 to index
        %get3A_485 = arith.index_cast %scan3A_468 : i32 to index
        %get3A_486 = arith.constant 0 : index
        %get3A_487 = tpu.vector_load %arg8[%get3A_484, %get3A_485, %get3A_486] {strides = array<i32>} : memref<24x16x256xf32, #tpu.memory_space<vmem>>, vector<1x1x16xf32>,
        %get3A_488 = vector.shape_cast %get3A_487 : vector<1x1x16xf32> to vector<16xf32>
        %mul3A_489 = vector.broadcast %squeeze3A_369 : f32 to vector<16xf32>
        %mul3A_490 = arith.mulf %mul3A_489, %get3A_488 : vector<16xf32>
        %add3A_491 = arith.addf %mul3A_479, %mul3A_490 : vector<16xf32>
        %mul3A_492 = arith.constant 4 : i32
        %mul3A_493 = arith.muli %rem3A_386, %mul3A_492 : i32
        %add3A_494 = arith.constant 2 : i32
        %add3A_495 = arith.addi %mul3A_493, %add3A_494 : i32
        %get3A_496 = arith.index_cast %add3A_495 : i32 to index
        %get3A_497 = arith.index_cast %scan3A_468 : i32 to index
        %get3A_498 = arith.constant 0 : index
        %get3A_499 = tpu.vector_load %arg8[%get3A_496, %get3A_497, %get3A_498] {strides = array<i32>} : memref<24x16x256xf32, #tpu.memory_space<vmem>>, vector<1x1x16xf32>,
        %get3A_500 = vector.shape_cast %get3A_499 : vector<1x1x16xf32> to vector<16xf32>
        %mul3A_501 = vector.broadcast %squeeze3A_371 : f32 to vector<16xf32>
        %mul3A_502 = arith.mulf %mul3A_501, %get3A_500 : vector<16xf32>
        %add3A_503 = arith.addf %add3A_491, %mul3A_502 : vector<16xf32>
        %mul3A_504 = arith.constant 4 : i32
        %mul3A_505 = arith.muli %rem3A_386, %mul3A_504 : i32
        %add3A_506 = arith.constant 3 : i32
        %add3A_507 = arith.addi %mul3A_505, %add3A_506 : i32
        %swap3A = arith.index_cast %add3A_507 : i32 to index
        %swap3A_508 = arith.index_cast %scan3A_468 : i32 to index
        %swap3A_509 = arith.constant 0 : index
        %swap3A_510 = tpu.vector_load %arg8[%swap3A, %swap3A_508, %swap3A_509] {strides = array<i32>} : memref<24x16x256xf32, #tpu.memory_space<vmem>>, vector<1x1x16xf32>,
        %swap3A_511 = vector.shape_cast %swap3A_510 : vector<1x1x16xf32> to vector<16xf32>
        %swap3A_512 = vector.shape_cast %add3A_503 : vector<16xf32> to vector<1x1x16xf32>
        tpu.vector_store %arg8[%swap3A, %swap3A_508, %swap3A_509], %swap3A_512 {strides = array<i32>} : memref<24x16x256xf32, #tpu.memory_space<vmem>>, vector<1x1x16xf32>,
        %mul3A_513 = arith.constant 4 : i32
        %mul3A_514 = arith.muli %rem3A_386, %mul3A_513 : i32
        %add3A_515 = arith.constant 0 : i32
        %add3A_516 = arith.addi %mul3A_514, %add3A_515 : i32
        %get3A_517 = arith.index_cast %add3A_516 : i32 to index
        %get3A_518 = arith.index_cast %scan3A_468 : i32 to index
        %get3A_519 = arith.constant 16 : index
        %get3A_520 = tpu.vector_load %arg8[%get3A_517, %get3A_518, %get3A_519] {strides = array<i32>} : memref<24x16x256xf32, #tpu.memory_space<vmem>>, vector<1x1x16xf32>,
        %get3A_521 = vector.shape_cast %get3A_520 : vector<1x1x16xf32> to vector<16xf32>
        %mul3A_522 = vector.broadcast %squeeze3A_367 : f32 to vector<16xf32>
        %mul3A_523 = arith.mulf %mul3A_522, %get3A_521 : vector<16xf32>
        %mul3A_524 = arith.constant 4 : i32
        %mul3A_525 = arith.muli %rem3A_386, %mul3A_524 : i32
        %add3A_526 = arith.constant 1 : i32
        %add3A_527 = arith.addi %mul3A_525, %add3A_526 : i32
        %get3A_528 = arith.index_cast %add3A_527 : i32 to index
        %get3A_529 = arith.index_cast %scan3A_468 : i32 to index
        %get3A_530 = arith.constant 16 : index
        %get3A_531 = tpu.vector_load %arg8[%get3A_528, %get3A_529, %get3A_530] {strides = array<i32>} : memref<24x16x256xf32, #tpu.memory_space<vmem>>, vector<1x1x16xf32>,
        %get3A_532 = vector.shape_cast %get3A_531 : vector<1x1x16xf32> to vector<16xf32>
        %mul3A_533 = vector.broadcast %squeeze3A_369 : f32 to vector<16xf32>
        %mul3A_534 = arith.mulf %mul3A_533, %get3A_532 : vector<16xf32>
        %add3A_535 = arith.addf %mul3A_523, %mul3A_534 : vector<16xf32>
        %mul3A_536 = arith.constant 4 : i32
        %mul3A_537 = arith.muli %rem3A_386, %mul3A_536 : i32
        %add3A_538 = arith.constant 2 : i32
        %add3A_539 = arith.addi %mul3A_537, %add3A_538 : i32
        %get3A_540 = arith.index_cast %add3A_539 : i32 to index
        %get3A_541 = arith.index_cast %scan3A_468 : i32 to index
        %get3A_542 = arith.constant 16 : index
        %get3A_543 = tpu.vector_load %arg8[%get3A_540, %get3A_541, %get3A_542] {strides = array<i32>} : memref<24x16x256xf32, #tpu.memory_space<vmem>>, vector<1x1x16xf32>,
        %get3A_544 = vector.shape_cast %get3A_543 : vector<1x1x16xf32> to vector<16xf32>
        %mul3A_545 = vector.broadcast %squeeze3A_371 : f32 to vector<16xf32>
        %mul3A_546 = arith.mulf %mul3A_545, %get3A_544 : vector<16xf32>
        %add3A_547 = arith.addf %add3A_535, %mul3A_546 : vector<16xf32>
        %mul3A_548 = arith.constant 4 : i32
        %mul3A_549 = arith.muli %rem3A_386, %mul3A_548 : i32
        %add3A_550 = arith.constant 3 : i32
        %add3A_551 = arith.addi %mul3A_549, %add3A_550 : i32
        %swap3A_552 = arith.index_cast %add3A_551 : i32 to index
        %swap3A_553 = arith.index_cast %scan3A_468 : i32 to index
        %swap3A_554 = arith.constant 16 : index
        %swap3A_555 = tpu.vector_load %arg8[%swap3A_552, %swap3A_553, %swap3A_554] {strides = array<i32>} : memref<24x16x256xf32, #tpu.memory_space<vmem>>, vector<1x1x16xf32>,
        %swap3A_556 = vector.shape_cast %swap3A_555 : vector<1x1x16xf32> to vector<16xf32>
        %swap3A_557 = vector.shape_cast %add3A_547 : vector<16xf32> to vector<1x1x16xf32>
        tpu.vector_store %arg8[%swap3A_552, %swap3A_553, %swap3A_554], %swap3A_557 {strides = array<i32>} : memref<24x16x256xf32, #tpu.memory_space<vmem>>, vector<1x1x16xf32>,
        %mul3A_558 = arith.constant 4 : i32
        %mul3A_559 = arith.muli %rem3A_386, %mul3A_558 : i32
        %add3A_560 = arith.constant 0 : i32
        %add3A_561 = arith.addi %mul3A_559, %add3A_560 : i32
        %get3A_562 = arith.index_cast %add3A_561 : i32 to index
        %get3A_563 = arith.index_cast %scan3A_468 : i32 to index
        %get3A_564 = arith.constant 32 : index
        %get3A_565 = tpu.vector_load %arg8[%get3A_562, %get3A_563, %get3A_564] {strides = array<i32>} : memref<24x16x256xf32, #tpu.memory_space<vmem>>, vector<1x1x16xf32>,
        %get3A_566 = vector.shape_cast %get3A_565 : vector<1x1x16xf32> to vector<16xf32>
        %mul3A_567 = vector.broadcast %squeeze3A_367 : f32 to vector<16xf32>
        %mul3A_568 = arith.mulf %mul3A_567, %get3A_566 : vector<16xf32>
        %mul3A_569 = arith.constant 4 : i32
        %mul3A_570 = arith.muli %rem3A_386, %mul3A_569 : i32
        %add3A_571 = arith.constant 1 : i32
        %add3A_572 = arith.addi %mul3A_570, %add3A_571 : i32
        %get3A_573 = arith.index_cast %add3A_572 : i32 to index
        %get3A_574 = arith.index_cast %scan3A_468 : i32 to index
        %get3A_575 = arith.constant 32 : index
        %get3A_576 = tpu.vector_load %arg8[%get3A_573, %get3A_574, %get3A_575] {strides = array<i32>} : memref<24x16x256xf32, #tpu.memory_space<vmem>>, vector<1x1x16xf32>,
        %get3A_577 = vector.shape_cast %get3A_576 : vector<1x1x16xf32> to vector<16xf32>
        %mul3A_578 = vector.broadcast %squeeze3A_369 : f32 to vector<16xf32>
        %mul3A_579 = arith.mulf %mul3A_578, %get3A_577 : vector<16xf32>
        %add3A_580 = arith.addf %mul3A_568, %mul3A_579 : vector<16xf32>
        %mul3A_581 = arith.constant 4 : i32
        %mul3A_582 = arith.muli %rem3A_386, %mul3A_581 : i32
        %add3A_583 = arith.constant 2 : i32
        %add3A_584 = arith.addi %mul3A_582, %add3A_583 : i32
        %get3A_585 = arith.index_cast %add3A_584 : i32 to index
        %get3A_586 = arith.index_cast %scan3A_468 : i32 to index
        %get3A_587 = arith.constant 32 : index
        %get3A_588 = tpu.vector_load %arg8[%get3A_585, %get3A_586, %get3A_587] {strides = array<i32>} : memref<24x16x256xf32, #tpu.memory_space<vmem>>, vector<1x1x16xf32>,
        %get3A_589 = vector.shape_cast %get3A_588 : vector<1x1x16xf32> to vector<16xf32>
        %mul3A_590 = vector.broadcast %squeeze3A_371 : f32 to vector<16xf32>
        %mul3A_591 = arith.mulf %mul3A_590, %get3A_589 : vector<16xf32>
        %add3A_592 = arith.addf %add3A_580, %mul3A_591 : vector<16xf32>
        %mul3A_593 = arith.constant 4 : i32
        %mul3A_594 = arith.muli %rem3A_386, %mul3A_593 : i32
        %add3A_595 = arith.constant 3 : i32
        %add3A_596 = arith.addi %mul3A_594, %add3A_595 : i32
        %swap3A_597 = arith.index_cast %add3A_596 : i32 to index
        %swap3A_598 = arith.index_cast %scan3A_468 : i32 to index
        %swap3A_599 = arith.constant 32 : index
        %swap3A_600 = tpu.vector_load %arg8[%swap3A_597, %swap3A_598, %swap3A_599] {strides = array<i32>} : memref<24x16x256xf32, #tpu.memory_space<vmem>>, vector<1x1x16xf32>,
        %swap3A_601 = vector.shape_cast %swap3A_600 : vector<1x1x16xf32> to vector<16xf32>
        %swap3A_602 = vector.shape_cast %add3A_592 : vector<16xf32> to vector<1x1x16xf32>
        tpu.vector_store %arg8[%swap3A_597, %swap3A_598, %swap3A_599], %swap3A_602 {strides = array<i32>} : memref<24x16x256xf32, #tpu.memory_space<vmem>>, vector<1x1x16xf32>,
        %mul3A_603 = arith.constant 4 : i32
        %mul3A_604 = arith.muli %rem3A_386, %mul3A_603 : i32
        %add3A_605 = arith.constant 0 : i32
        %add3A_606 = arith.addi %mul3A_604, %add3A_605 : i32
        %get3A_607 = arith.index_cast %add3A_606 : i32 to index
        %get3A_608 = arith.index_cast %scan3A_468 : i32 to index
        %get3A_609 = arith.constant 48 : index
        %get3A_610 = tpu.vector_load %arg8[%get3A_607, %get3A_608, %get3A_609] {strides = array<i32>} : memref<24x16x256xf32, #tpu.memory_space<vmem>>, vector<1x1x16xf32>,
        %get3A_611 = vector.shape_cast %get3A_610 : vector<1x1x16xf32> to vector<16xf32>
        %mul3A_612 = vector.broadcast %squeeze3A_367 : f32 to vector<16xf32>
        %mul3A_613 = arith.mulf %mul3A_612, %get3A_611 : vector<16xf32>
        %mul3A_614 = arith.constant 4 : i32
        %mul3A_615 = arith.muli %rem3A_386, %mul3A_614 : i32
        %add3A_616 = arith.constant 1 : i32
        %add3A_617 = arith.addi %mul3A_615, %add3A_616 : i32
        %get3A_618 = arith.index_cast %add3A_617 : i32 to index
        %get3A_619 = arith.index_cast %scan3A_468 : i32 to index
        %get3A_620 = arith.constant 48 : index
        %get3A_621 = tpu.vector_load %arg8[%get3A_618, %get3A_619, %get3A_620] {strides = array<i32>} : memref<24x16x256xf32, #tpu.memory_space<vmem>>, vector<1x1x16xf32>,
        %get3A_622 = vector.shape_cast %get3A_621 : vector<1x1x16xf32> to vector<16xf32>
        %mul3A_623 = vector.broadcast %squeeze3A_369 : f32 to vector<16xf32>
        %mul3A_624 = arith.mulf %mul3A_623, %get3A_622 : vector<16xf32>
        %add3A_625 = arith.addf %mul3A_613, %mul3A_624 : vector<16xf32>
        %mul3A_626 = arith.constant 4 : i32
        %mul3A_627 = arith.muli %rem3A_386, %mul3A_626 : i32
        %add3A_628 = arith.constant 2 : i32
        %add3A_629 = arith.addi %mul3A_627, %add3A_628 : i32
        %get3A_630 = arith.index_cast %add3A_629 : i32 to index
        %get3A_631 = arith.index_cast %scan3A_468 : i32 to index
        %get3A_632 = arith.constant 48 : index
        %get3A_633 = tpu.vector_load %arg8[%get3A_630, %get3A_631, %get3A_632] {strides = array<i32>} : memref<24x16x256xf32, #tpu.memory_space<vmem>>, vector<1x1x16xf32>,
        %get3A_634 = vector.shape_cast %get3A_633 : vector<1x1x16xf32> to vector<16xf32>
        %mul3A_635 = vector.broadcast %squeeze3A_371 : f32 to vector<16xf32>
        %mul3A_636 = arith.mulf %mul3A_635, %get3A_634 : vector<16xf32>
        %add3A_637 = arith.addf %add3A_625, %mul3A_636 : vector<16xf32>
        %mul3A_638 = arith.constant 4 : i32
        %mul3A_639 = arith.muli %rem3A_386, %mul3A_638 : i32
        %add3A_640 = arith.constant 3 : i32
        %add3A_641 = arith.addi %mul3A_639, %add3A_640 : i32
        %swap3A_642 = arith.index_cast %add3A_641 : i32 to index
        %swap3A_643 = arith.index_cast %scan3A_468 : i32 to index
        %swap3A_644 = arith.constant 48 : index
        %swap3A_645 = tpu.vector_load %arg8[%swap3A_642, %swap3A_643, %swap3A_644] {strides = array<i32>} : memref<24x16x256xf32, #tpu.memory_space<vmem>>, vector<1x1x16xf32>,
        %swap3A_646 = vector.shape_cast %swap3A_645 : vector<1x1x16xf32> to vector<16xf32>
        %swap3A_647 = vector.shape_cast %add3A_637 : vector<16xf32> to vector<1x1x16xf32>
        tpu.vector_store %arg8[%swap3A_642, %swap3A_643, %swap3A_644], %swap3A_647 {strides = array<i32>} : memref<24x16x256xf32, #tpu.memory_space<vmem>>, vector<1x1x16xf32>,
        %mul3A_648 = arith.constant 4 : i32
        %mul3A_649 = arith.muli %rem3A_386, %mul3A_648 : i32
        %add3A_650 = arith.constant 0 : i32
        %add3A_651 = arith.addi %mul3A_649, %add3A_650 : i32
        %get3A_652 = arith.index_cast %add3A_651 : i32 to index
        %get3A_653 = arith.index_cast %scan3A_468 : i32 to index
        %get3A_654 = arith.constant 64 : index
        %get3A_655 = tpu.vector_load %arg8[%get3A_652, %get3A_653, %get3A_654] {strides = array<i32>} : memref<24x16x256xf32, #tpu.memory_space<vmem>>, vector<1x1x16xf32>,
        %get3A_656 = vector.shape_cast %get3A_655 : vector<1x1x16xf32> to vector<16xf32>
        %mul3A_657 = vector.broadcast %squeeze3A_367 : f32 to vector<16xf32>
        %mul3A_658 = arith.mulf %mul3A_657, %get3A_656 : vector<16xf32>
        %mul3A_659 = arith.constant 4 : i32
        %mul3A_660 = arith.muli %rem3A_386, %mul3A_659 : i32
        %add3A_661 = arith.constant 1 : i32
        %add3A_662 = arith.addi %mul3A_660, %add3A_661 : i32
        %get3A_663 = arith.index_cast %add3A_662 : i32 to index
        %get3A_664 = arith.index_cast %scan3A_468 : i32 to index
        %get3A_665 = arith.constant 64 : index
        %get3A_666 = tpu.vector_load %arg8[%get3A_663, %get3A_664, %get3A_665] {strides = array<i32>} : memref<24x16x256xf32, #tpu.memory_space<vmem>>, vector<1x1x16xf32>,
        %get3A_667 = vector.shape_cast %get3A_666 : vector<1x1x16xf32> to vector<16xf32>
        %mul3A_668 = vector.broadcast %squeeze3A_369 : f32 to vector<16xf32>
        %mul3A_669 = arith.mulf %mul3A_668, %get3A_667 : vector<16xf32>
        %add3A_670 = arith.addf %mul3A_658, %mul3A_669 : vector<16xf32>
        %mul3A_671 = arith.constant 4 : i32
        %mul3A_672 = arith.muli %rem3A_386, %mul3A_671 : i32
        %add3A_673 = arith.constant 2 : i32
        %add3A_674 = arith.addi %mul3A_672, %add3A_673 : i32
        %get3A_675 = arith.index_cast %add3A_674 : i32 to index
        %get3A_676 = arith.index_cast %scan3A_468 : i32 to index
        %get3A_677 = arith.constant 64 : index
        %get3A_678 = tpu.vector_load %arg8[%get3A_675, %get3A_676, %get3A_677] {strides = array<i32>} : memref<24x16x256xf32, #tpu.memory_space<vmem>>, vector<1x1x16xf32>,
        %get3A_679 = vector.shape_cast %get3A_678 : vector<1x1x16xf32> to vector<16xf32>
        %mul3A_680 = vector.broadcast %squeeze3A_371 : f32 to vector<16xf32>
        %mul3A_681 = arith.mulf %mul3A_680, %get3A_679 : vector<16xf32>
        %add3A_682 = arith.addf %add3A_670, %mul3A_681 : vector<16xf32>
        %mul3A_683 = arith.constant 4 : i32
        %mul3A_684 = arith.muli %rem3A_386, %mul3A_683 : i32
        %add3A_685 = arith.constant 3 : i32
        %add3A_686 = arith.addi %mul3A_684, %add3A_685 : i32
        %swap3A_687 = arith.index_cast %add3A_686 : i32 to index
        %swap3A_688 = arith.index_cast %scan3A_468 : i32 to index
        %swap3A_689 = arith.constant 64 : index
        %swap3A_690 = tpu.vector_load %arg8[%swap3A_687, %swap3A_688, %swap3A_689] {strides = array<i32>} : memref<24x16x256xf32, #tpu.memory_space<vmem>>, vector<1x1x16xf32>,
        %swap3A_691 = vector.shape_cast %swap3A_690 : vector<1x1x16xf32> to vector<16xf32>
        %swap3A_692 = vector.shape_cast %add3A_682 : vector<16xf32> to vector<1x1x16xf32>
        tpu.vector_store %arg8[%swap3A_687, %swap3A_688, %swap3A_689], %swap3A_692 {strides = array<i32>} : memref<24x16x256xf32, #tpu.memory_space<vmem>>, vector<1x1x16xf32>,
        %mul3A_693 = arith.constant 4 : i32
        %mul3A_694 = arith.muli %rem3A_386, %mul3A_693 : i32
        %add3A_695 = arith.constant 0 : i32
        %add3A_696 = arith.addi %mul3A_694, %add3A_695 : i32
        %get3A_697 = arith.index_cast %add3A_696 : i32 to index
        %get3A_698 = arith.index_cast %scan3A_468 : i32 to index
        %get3A_699 = arith.constant 80 : index
        %get3A_700 = tpu.vector_load %arg8[%get3A_697, %get3A_698, %get3A_699] {strides = array<i32>} : memref<24x16x256xf32, #tpu.memory_space<vmem>>, vector<1x1x16xf32>,
        %get3A_701 = vector.shape_cast %get3A_700 : vector<1x1x16xf32> to vector<16xf32>
        %mul3A_702 = vector.broadcast %squeeze3A_367 : f32 to vector<16xf32>
        %mul3A_703 = arith.mulf %mul3A_702, %get3A_701 : vector<16xf32>
        %mul3A_704 = arith.constant 4 : i32
        %mul3A_705 = arith.muli %rem3A_386, %mul3A_704 : i32
        %add3A_706 = arith.constant 1 : i32
        %add3A_707 = arith.addi %mul3A_705, %add3A_706 : i32
        %get3A_708 = arith.index_cast %add3A_707 : i32 to index
        %get3A_709 = arith.index_cast %scan3A_468 : i32 to index
        %get3A_710 = arith.constant 80 : index
        %get3A_711 = tpu.vector_load %arg8[%get3A_708, %get3A_709, %get3A_710] {strides = array<i32>} : memref<24x16x256xf32, #tpu.memory_space<vmem>>, vector<1x1x16xf32>,
        %get3A_712 = vector.shape_cast %get3A_711 : vector<1x1x16xf32> to vector<16xf32>
        %mul3A_713 = vector.broadcast %squeeze3A_369 : f32 to vector<16xf32>
        %mul3A_714 = arith.mulf %mul3A_713, %get3A_712 : vector<16xf32>
        %add3A_715 = arith.addf %mul3A_703, %mul3A_714 : vector<16xf32>
        %mul3A_716 = arith.constant 4 : i32
        %mul3A_717 = arith.muli %rem3A_386, %mul3A_716 : i32
        %add3A_718 = arith.constant 2 : i32
        %add3A_719 = arith.addi %mul3A_717, %add3A_718 : i32
        %get3A_720 = arith.index_cast %add3A_719 : i32 to index
        %get3A_721 = arith.index_cast %scan3A_468 : i32 to index
        %get3A_722 = arith.constant 80 : index
        %get3A_723 = tpu.vector_load %arg8[%get3A_720, %get3A_721, %get3A_722] {strides = array<i32>} : memref<24x16x256xf32, #tpu.memory_space<vmem>>, vector<1x1x16xf32>,
        %get3A_724 = vector.shape_cast %get3A_723 : vector<1x1x16xf32> to vector<16xf32>
        %mul3A_725 = vector.broadcast %squeeze3A_371 : f32 to vector<16xf32>
        %mul3A_726 = arith.mulf %mul3A_725, %get3A_724 : vector<16xf32>
        %add3A_727 = arith.addf %add3A_715, %mul3A_726 : vector<16xf32>
        %mul3A_728 = arith.constant 4 : i32
        %mul3A_729 = arith.muli %rem3A_386, %mul3A_728 : i32
        %add3A_730 = arith.constant 3 : i32
        %add3A_731 = arith.addi %mul3A_729, %add3A_730 : i32
        %swap3A_732 = arith.index_cast %add3A_731 : i32 to index
        %swap3A_733 = arith.index_cast %scan3A_468 : i32 to index
        %swap3A_734 = arith.constant 80 : index
        %swap3A_735 = tpu.vector_load %arg8[%swap3A_732, %swap3A_733, %swap3A_734] {strides = array<i32>} : memref<24x16x256xf32, #tpu.memory_space<vmem>>, vector<1x1x16xf32>,
        %swap3A_736 = vector.shape_cast %swap3A_735 : vector<1x1x16xf32> to vector<16xf32>
        %swap3A_737 = vector.shape_cast %add3A_727 : vector<16xf32> to vector<1x1x16xf32>
        tpu.vector_store %arg8[%swap3A_732, %swap3A_733, %swap3A_734], %swap3A_737 {strides = array<i32>} : memref<24x16x256xf32, #tpu.memory_space<vmem>>, vector<1x1x16xf32>,
        %mul3A_738 = arith.constant 4 : i32
        %mul3A_739 = arith.muli %rem3A_386, %mul3A_738 : i32
        %add3A_740 = arith.constant 0 : i32
        %add3A_741 = arith.addi %mul3A_739, %add3A_740 : i32
        %get3A_742 = arith.index_cast %add3A_741 : i32 to index
        %get3A_743 = arith.index_cast %scan3A_468 : i32 to index
        %get3A_744 = arith.constant 96 : index
        %get3A_745 = tpu.vector_load %arg8[%get3A_742, %get3A_743, %get3A_744] {strides = array<i32>} : memref<24x16x256xf32, #tpu.memory_space<vmem>>, vector<1x1x16xf32>,
        %get3A_746 = vector.shape_cast %get3A_745 : vector<1x1x16xf32> to vector<16xf32>
        %mul3A_747 = vector.broadcast %squeeze3A_367 : f32 to vector<16xf32>
        %mul3A_748 = arith.mulf %mul3A_747, %get3A_746 : vector<16xf32>
        %mul3A_749 = arith.constant 4 : i32
        %mul3A_750 = arith.muli %rem3A_386, %mul3A_749 : i32
        %add3A_751 = arith.constant 1 : i32
        %add3A_752 = arith.addi %mul3A_750, %add3A_751 : i32
        %get3A_753 = arith.index_cast %add3A_752 : i32 to index
        %get3A_754 = arith.index_cast %scan3A_468 : i32 to index
        %get3A_755 = arith.constant 96 : index
        %get3A_756 = tpu.vector_load %arg8[%get3A_753, %get3A_754, %get3A_755] {strides = array<i32>} : memref<24x16x256xf32, #tpu.memory_space<vmem>>, vector<1x1x16xf32>,
        %get3A_757 = vector.shape_cast %get3A_756 : vector<1x1x16xf32> to vector<16xf32>
        %mul3A_758 = vector.broadcast %squeeze3A_369 : f32 to vector<16xf32>
        %mul3A_759 = arith.mulf %mul3A_758, %get3A_757 : vector<16xf32>
        %add3A_760 = arith.addf %mul3A_748, %mul3A_759 : vector<16xf32>
        %mul3A_761 = arith.constant 4 : i32
        %mul3A_762 = arith.muli %rem3A_386, %mul3A_761 : i32
        %add3A_763 = arith.constant 2 : i32
        %add3A_764 = arith.addi %mul3A_762, %add3A_763 : i32
        %get3A_765 = arith.index_cast %add3A_764 : i32 to index
        %get3A_766 = arith.index_cast %scan3A_468 : i32 to index
        %get3A_767 = arith.constant 96 : index
        %get3A_768 = tpu.vector_load %arg8[%get3A_765, %get3A_766, %get3A_767] {strides = array<i32>} : memref<24x16x256xf32, #tpu.memory_space<vmem>>, vector<1x1x16xf32>,
        %get3A_769 = vector.shape_cast %get3A_768 : vector<1x1x16xf32> to vector<16xf32>
        %mul3A_770 = vector.broadcast %squeeze3A_371 : f32 to vector<16xf32>
        %mul3A_771 = arith.mulf %mul3A_770, %get3A_769 : vector<16xf32>
        %add3A_772 = arith.addf %add3A_760, %mul3A_771 : vector<16xf32>
        %mul3A_773 = arith.constant 4 : i32
        %mul3A_774 = arith.muli %rem3A_386, %mul3A_773 : i32
        %add3A_775 = arith.constant 3 : i32
        %add3A_776 = arith.addi %mul3A_774, %add3A_775 : i32
        %swap3A_777 = arith.index_cast %add3A_776 : i32 to index
        %swap3A_778 = arith.index_cast %scan3A_468 : i32 to index
        %swap3A_779 = arith.constant 96 : index
        %swap3A_780 = tpu.vector_load %arg8[%swap3A_777, %swap3A_778, %swap3A_779] {strides = array<i32>} : memref<24x16x256xf32, #tpu.memory_space<vmem>>, vector<1x1x16xf32>,
        %swap3A_781 = vector.shape_cast %swap3A_780 : vector<1x1x16xf32> to vector<16xf32>
        %swap3A_782 = vector.shape_cast %add3A_772 : vector<16xf32> to vector<1x1x16xf32>
        tpu.vector_store %arg8[%swap3A_777, %swap3A_778, %swap3A_779], %swap3A_782 {strides = array<i32>} : memref<24x16x256xf32, #tpu.memory_space<vmem>>, vector<1x1x16xf32>,
        %mul3A_783 = arith.constant 4 : i32
        %mul3A_784 = arith.muli %rem3A_386, %mul3A_783 : i32
        %add3A_785 = arith.constant 0 : i32
        %add3A_786 = arith.addi %mul3A_784, %add3A_785 : i32
        %get3A_787 = arith.index_cast %add3A_786 : i32 to index
        %get3A_788 = arith.index_cast %scan3A_468 : i32 to index
        %get3A_789 = arith.constant 112 : index
        %get3A_790 = tpu.vector_load %arg8[%get3A_787, %get3A_788, %get3A_789] {strides = array<i32>} : memref<24x16x256xf32, #tpu.memory_space<vmem>>, vector<1x1x16xf32>,
        %get3A_791 = vector.shape_cast %get3A_790 : vector<1x1x16xf32> to vector<16xf32>
        %mul3A_792 = vector.broadcast %squeeze3A_367 : f32 to vector<16xf32>
        %mul3A_793 = arith.mulf %mul3A_792, %get3A_791 : vector<16xf32>
        %mul3A_794 = arith.constant 4 : i32
        %mul3A_795 = arith.muli %rem3A_386, %mul3A_794 : i32
        %add3A_796 = arith.constant 1 : i32
        %add3A_797 = arith.addi %mul3A_795, %add3A_796 : i32
        %get3A_798 = arith.index_cast %add3A_797 : i32 to index
        %get3A_799 = arith.index_cast %scan3A_468 : i32 to index
        %get3A_800 = arith.constant 112 : index
        %get3A_801 = tpu.vector_load %arg8[%get3A_798, %get3A_799, %get3A_800] {strides = array<i32>} : memref<24x16x256xf32, #tpu.memory_space<vmem>>, vector<1x1x16xf32>,
        %get3A_802 = vector.shape_cast %get3A_801 : vector<1x1x16xf32> to vector<16xf32>
        %mul3A_803 = vector.broadcast %squeeze3A_369 : f32 to vector<16xf32>
        %mul3A_804 = arith.mulf %mul3A_803, %get3A_802 : vector<16xf32>
        %add3A_805 = arith.addf %mul3A_793, %mul3A_804 : vector<16xf32>
        %mul3A_806 = arith.constant 4 : i32
        %mul3A_807 = arith.muli %rem3A_386, %mul3A_806 : i32
        %add3A_808 = arith.constant 2 : i32
        %add3A_809 = arith.addi %mul3A_807, %add3A_808 : i32
        %get3A_810 = arith.index_cast %add3A_809 : i32 to index
        %get3A_811 = arith.index_cast %scan3A_468 : i32 to index
        %get3A_812 = arith.constant 112 : index
        %get3A_813 = tpu.vector_load %arg8[%get3A_810, %get3A_811, %get3A_812] {strides = array<i32>} : memref<24x16x256xf32, #tpu.memory_space<vmem>>, vector<1x1x16xf32>,
        %get3A_814 = vector.shape_cast %get3A_813 : vector<1x1x16xf32> to vector<16xf32>
        %mul3A_815 = vector.broadcast %squeeze3A_371 : f32 to vector<16xf32>
        %mul3A_816 = arith.mulf %mul3A_815, %get3A_814 : vector<16xf32>
        %add3A_817 = arith.addf %add3A_805, %mul3A_816 : vector<16xf32>
        %mul3A_818 = arith.constant 4 : i32
        %mul3A_819 = arith.muli %rem3A_386, %mul3A_818 : i32
        %add3A_820 = arith.constant 3 : i32
        %add3A_821 = arith.addi %mul3A_819, %add3A_820 : i32
        %swap3A_822 = arith.index_cast %add3A_821 : i32 to index
        %swap3A_823 = arith.index_cast %scan3A_468 : i32 to index
        %swap3A_824 = arith.constant 112 : index
        %swap3A_825 = tpu.vector_load %arg8[%swap3A_822, %swap3A_823, %swap3A_824] {strides = array<i32>} : memref<24x16x256xf32, #tpu.memory_space<vmem>>, vector<1x1x16xf32>,
        %swap3A_826 = vector.shape_cast %swap3A_825 : vector<1x1x16xf32> to vector<16xf32>
        %swap3A_827 = vector.shape_cast %add3A_817 : vector<16xf32> to vector<1x1x16xf32>
        tpu.vector_store %arg8[%swap3A_822, %swap3A_823, %swap3A_824], %swap3A_827 {strides = array<i32>} : memref<24x16x256xf32, #tpu.memory_space<vmem>>, vector<1x1x16xf32>,
        %mul3A_828 = arith.constant 4 : i32
        %mul3A_829 = arith.muli %rem3A_386, %mul3A_828 : i32
        %add3A_830 = arith.constant 0 : i32
        %add3A_831 = arith.addi %mul3A_829, %add3A_830 : i32
        %get3A_832 = arith.index_cast %add3A_831 : i32 to index
        %get3A_833 = arith.index_cast %scan3A_468 : i32 to index
        %get3A_834 = arith.constant 128 : index
        %get3A_835 = tpu.vector_load %arg8[%get3A_832, %get3A_833, %get3A_834] {strides = array<i32>} : memref<24x16x256xf32, #tpu.memory_space<vmem>>, vector<1x1x16xf32>,
        %get3A_836 = vector.shape_cast %get3A_835 : vector<1x1x16xf32> to vector<16xf32>
        %mul3A_837 = vector.broadcast %squeeze3A_367 : f32 to vector<16xf32>
        %mul3A_838 = arith.mulf %mul3A_837, %get3A_836 : vector<16xf32>
        %mul3A_839 = arith.constant 4 : i32
        %mul3A_840 = arith.muli %rem3A_386, %mul3A_839 : i32
        %add3A_841 = arith.constant 1 : i32
        %add3A_842 = arith.addi %mul3A_840, %add3A_841 : i32
        %get3A_843 = arith.index_cast %add3A_842 : i32 to index
        %get3A_844 = arith.index_cast %scan3A_468 : i32 to index
        %get3A_845 = arith.constant 128 : index
        %get3A_846 = tpu.vector_load %arg8[%get3A_843, %get3A_844, %get3A_845] {strides = array<i32>} : memref<24x16x256xf32, #tpu.memory_space<vmem>>, vector<1x1x16xf32>,
        %get3A_847 = vector.shape_cast %get3A_846 : vector<1x1x16xf32> to vector<16xf32>
        %mul3A_848 = vector.broadcast %squeeze3A_369 : f32 to vector<16xf32>
        %mul3A_849 = arith.mulf %mul3A_848, %get3A_847 : vector<16xf32>
        %add3A_850 = arith.addf %mul3A_838, %mul3A_849 : vector<16xf32>
        %mul3A_851 = arith.constant 4 : i32
        %mul3A_852 = arith.muli %rem3A_386, %mul3A_851 : i32
        %add3A_853 = arith.constant 2 : i32
        %add3A_854 = arith.addi %mul3A_852, %add3A_853 : i32
        %get3A_855 = arith.index_cast %add3A_854 : i32 to index
        %get3A_856 = arith.index_cast %scan3A_468 : i32 to index
        %get3A_857 = arith.constant 128 : index
        %get3A_858 = tpu.vector_load %arg8[%get3A_855, %get3A_856, %get3A_857] {strides = array<i32>} : memref<24x16x256xf32, #tpu.memory_space<vmem>>, vector<1x1x16xf32>,
        %get3A_859 = vector.shape_cast %get3A_858 : vector<1x1x16xf32> to vector<16xf32>
        %mul3A_860 = vector.broadcast %squeeze3A_371 : f32 to vector<16xf32>
        %mul3A_861 = arith.mulf %mul3A_860, %get3A_859 : vector<16xf32>
        %add3A_862 = arith.addf %add3A_850, %mul3A_861 : vector<16xf32>
        %mul3A_863 = arith.constant 4 : i32
        %mul3A_864 = arith.muli %rem3A_386, %mul3A_863 : i32
        %add3A_865 = arith.constant 3 : i32
        %add3A_866 = arith.addi %mul3A_864, %add3A_865 : i32
        %swap3A_867 = arith.index_cast %add3A_866 : i32 to index
        %swap3A_868 = arith.index_cast %scan3A_468 : i32 to index
        %swap3A_869 = arith.constant 128 : index
        %swap3A_870 = tpu.vector_load %arg8[%swap3A_867, %swap3A_868, %swap3A_869] {strides = array<i32>} : memref<24x16x256xf32, #tpu.memory_space<vmem>>, vector<1x1x16xf32>,
        %swap3A_871 = vector.shape_cast %swap3A_870 : vector<1x1x16xf32> to vector<16xf32>
        %swap3A_872 = vector.shape_cast %add3A_862 : vector<16xf32> to vector<1x1x16xf32>
        tpu.vector_store %arg8[%swap3A_867, %swap3A_868, %swap3A_869], %swap3A_872 {strides = array<i32>} : memref<24x16x256xf32, #tpu.memory_space<vmem>>, vector<1x1x16xf32>,
        %mul3A_873 = arith.constant 4 : i32
        %mul3A_874 = arith.muli %rem3A_386, %mul3A_873 : i32
        %add3A_875 = arith.constant 0 : i32
        %add3A_876 = arith.addi %mul3A_874, %add3A_875 : i32
        %get3A_877 = arith.index_cast %add3A_876 : i32 to index
        %get3A_878 = arith.index_cast %scan3A_468 : i32 to index
        %get3A_879 = arith.constant 144 : index
        %get3A_880 = tpu.vector_load %arg8[%get3A_877, %get3A_878, %get3A_879] {strides = array<i32>} : memref<24x16x256xf32, #tpu.memory_space<vmem>>, vector<1x1x16xf32>,
        %get3A_881 = vector.shape_cast %get3A_880 : vector<1x1x16xf32> to vector<16xf32>
        %mul3A_882 = vector.broadcast %squeeze3A_367 : f32 to vector<16xf32>
        %mul3A_883 = arith.mulf %mul3A_882, %get3A_881 : vector<16xf32>
        %mul3A_884 = arith.constant 4 : i32
        %mul3A_885 = arith.muli %rem3A_386, %mul3A_884 : i32
        %add3A_886 = arith.constant 1 : i32
        %add3A_887 = arith.addi %mul3A_885, %add3A_886 : i32
        %get3A_888 = arith.index_cast %add3A_887 : i32 to index
        %get3A_889 = arith.index_cast %scan3A_468 : i32 to index
        %get3A_890 = arith.constant 144 : index
        %get3A_891 = tpu.vector_load %arg8[%get3A_888, %get3A_889, %get3A_890] {strides = array<i32>} : memref<24x16x256xf32, #tpu.memory_space<vmem>>, vector<1x1x16xf32>,
        %get3A_892 = vector.shape_cast %get3A_891 : vector<1x1x16xf32> to vector<16xf32>
        %mul3A_893 = vector.broadcast %squeeze3A_369 : f32 to vector<16xf32>
        %mul3A_894 = arith.mulf %mul3A_893, %get3A_892 : vector<16xf32>
        %add3A_895 = arith.addf %mul3A_883, %mul3A_894 : vector<16xf32>
        %mul3A_896 = arith.constant 4 : i32
        %mul3A_897 = arith.muli %rem3A_386, %mul3A_896 : i32
        %add3A_898 = arith.constant 2 : i32
        %add3A_899 = arith.addi %mul3A_897, %add3A_898 : i32
        %get3A_900 = arith.index_cast %add3A_899 : i32 to index
        %get3A_901 = arith.index_cast %scan3A_468 : i32 to index
        %get3A_902 = arith.constant 144 : index
        %get3A_903 = tpu.vector_load %arg8[%get3A_900, %get3A_901, %get3A_902] {strides = array<i32>} : memref<24x16x256xf32, #tpu.memory_space<vmem>>, vector<1x1x16xf32>,
        %get3A_904 = vector.shape_cast %get3A_903 : vector<1x1x16xf32> to vector<16xf32>
        %mul3A_905 = vector.broadcast %squeeze3A_371 : f32 to vector<16xf32>
        %mul3A_906 = arith.mulf %mul3A_905, %get3A_904 : vector<16xf32>
        %add3A_907 = arith.addf %add3A_895, %mul3A_906 : vector<16xf32>
        %mul3A_908 = arith.constant 4 : i32
        %mul3A_909 = arith.muli %rem3A_386, %mul3A_908 : i32
        %add3A_910 = arith.constant 3 : i32
        %add3A_911 = arith.addi %mul3A_909, %add3A_910 : i32
        %swap3A_912 = arith.index_cast %add3A_911 : i32 to index
        %swap3A_913 = arith.index_cast %scan3A_468 : i32 to index
        %swap3A_914 = arith.constant 144 : index
        %swap3A_915 = tpu.vector_load %arg8[%swap3A_912, %swap3A_913, %swap3A_914] {strides = array<i32>} : memref<24x16x256xf32, #tpu.memory_space<vmem>>, vector<1x1x16xf32>,
        %swap3A_916 = vector.shape_cast %swap3A_915 : vector<1x1x16xf32> to vector<16xf32>
        %swap3A_917 = vector.shape_cast %add3A_907 : vector<16xf32> to vector<1x1x16xf32>
        tpu.vector_store %arg8[%swap3A_912, %swap3A_913, %swap3A_914], %swap3A_917 {strides = array<i32>} : memref<24x16x256xf32, #tpu.memory_space<vmem>>, vector<1x1x16xf32>,
        %mul3A_918 = arith.constant 4 : i32
        %mul3A_919 = arith.muli %rem3A_386, %mul3A_918 : i32
        %add3A_920 = arith.constant 0 : i32
        %add3A_921 = arith.addi %mul3A_919, %add3A_920 : i32
        %get3A_922 = arith.index_cast %add3A_921 : i32 to index
        %get3A_923 = arith.index_cast %scan3A_468 : i32 to index
        %get3A_924 = arith.constant 160 : index
        %get3A_925 = tpu.vector_load %arg8[%get3A_922, %get3A_923, %get3A_924] {strides = array<i32>} : memref<24x16x256xf32, #tpu.memory_space<vmem>>, vector<1x1x16xf32>,
        %get3A_926 = vector.shape_cast %get3A_925 : vector<1x1x16xf32> to vector<16xf32>
        %mul3A_927 = vector.broadcast %squeeze3A_367 : f32 to vector<16xf32>
        %mul3A_928 = arith.mulf %mul3A_927, %get3A_926 : vector<16xf32>
        %mul3A_929 = arith.constant 4 : i32
        %mul3A_930 = arith.muli %rem3A_386, %mul3A_929 : i32
        %add3A_931 = arith.constant 1 : i32
        %add3A_932 = arith.addi %mul3A_930, %add3A_931 : i32
        %get3A_933 = arith.index_cast %add3A_932 : i32 to index
        %get3A_934 = arith.index_cast %scan3A_468 : i32 to index
        %get3A_935 = arith.constant 160 : index
        %get3A_936 = tpu.vector_load %arg8[%get3A_933, %get3A_934, %get3A_935] {strides = array<i32>} : memref<24x16x256xf32, #tpu.memory_space<vmem>>, vector<1x1x16xf32>,
        %get3A_937 = vector.shape_cast %get3A_936 : vector<1x1x16xf32> to vector<16xf32>
        %mul3A_938 = vector.broadcast %squeeze3A_369 : f32 to vector<16xf32>
        %mul3A_939 = arith.mulf %mul3A_938, %get3A_937 : vector<16xf32>
        %add3A_940 = arith.addf %mul3A_928, %mul3A_939 : vector<16xf32>
        %mul3A_941 = arith.constant 4 : i32
        %mul3A_942 = arith.muli %rem3A_386, %mul3A_941 : i32
        %add3A_943 = arith.constant 2 : i32
        %add3A_944 = arith.addi %mul3A_942, %add3A_943 : i32
        %get3A_945 = arith.index_cast %add3A_944 : i32 to index
        %get3A_946 = arith.index_cast %scan3A_468 : i32 to index
        %get3A_947 = arith.constant 160 : index
        %get3A_948 = tpu.vector_load %arg8[%get3A_945, %get3A_946, %get3A_947] {strides = array<i32>} : memref<24x16x256xf32, #tpu.memory_space<vmem>>, vector<1x1x16xf32>,
        %get3A_949 = vector.shape_cast %get3A_948 : vector<1x1x16xf32> to vector<16xf32>
        %mul3A_950 = vector.broadcast %squeeze3A_371 : f32 to vector<16xf32>
        %mul3A_951 = arith.mulf %mul3A_950, %get3A_949 : vector<16xf32>
        %add3A_952 = arith.addf %add3A_940, %mul3A_951 : vector<16xf32>
        %mul3A_953 = arith.constant 4 : i32
        %mul3A_954 = arith.muli %rem3A_386, %mul3A_953 : i32
        %add3A_955 = arith.constant 3 : i32
        %add3A_956 = arith.addi %mul3A_954, %add3A_955 : i32
        %swap3A_957 = arith.index_cast %add3A_956 : i32 to index
        %swap3A_958 = arith.index_cast %scan3A_468 : i32 to index
        %swap3A_959 = arith.constant 160 : index
        %swap3A_960 = tpu.vector_load %arg8[%swap3A_957, %swap3A_958, %swap3A_959] {strides = array<i32>} : memref<24x16x256xf32, #tpu.memory_space<vmem>>, vector<1x1x16xf32>,
        %swap3A_961 = vector.shape_cast %swap3A_960 : vector<1x1x16xf32> to vector<16xf32>
        %swap3A_962 = vector.shape_cast %add3A_952 : vector<16xf32> to vector<1x1x16xf32>
        tpu.vector_store %arg8[%swap3A_957, %swap3A_958, %swap3A_959], %swap3A_962 {strides = array<i32>} : memref<24x16x256xf32, #tpu.memory_space<vmem>>, vector<1x1x16xf32>,
        %mul3A_963 = arith.constant 4 : i32
        %mul3A_964 = arith.muli %rem3A_386, %mul3A_963 : i32
        %add3A_965 = arith.constant 0 : i32
        %add3A_966 = arith.addi %mul3A_964, %add3A_965 : i32
        %get3A_967 = arith.index_cast %add3A_966 : i32 to index
        %get3A_968 = arith.index_cast %scan3A_468 : i32 to index
        %get3A_969 = arith.constant 176 : index
        %get3A_970 = tpu.vector_load %arg8[%get3A_967, %get3A_968, %get3A_969] {strides = array<i32>} : memref<24x16x256xf32, #tpu.memory_space<vmem>>, vector<1x1x16xf32>,
        %get3A_971 = vector.shape_cast %get3A_970 : vector<1x1x16xf32> to vector<16xf32>
        %mul3A_972 = vector.broadcast %squeeze3A_367 : f32 to vector<16xf32>
        %mul3A_973 = arith.mulf %mul3A_972, %get3A_971 : vector<16xf32>
        %mul3A_974 = arith.constant 4 : i32
        %mul3A_975 = arith.muli %rem3A_386, %mul3A_974 : i32
        %add3A_976 = arith.constant 1 : i32
        %add3A_977 = arith.addi %mul3A_975, %add3A_976 : i32
        %get3A_978 = arith.index_cast %add3A_977 : i32 to index
        %get3A_979 = arith.index_cast %scan3A_468 : i32 to index
        %get3A_980 = arith.constant 176 : index
        %get3A_981 = tpu.vector_load %arg8[%get3A_978, %get3A_979, %get3A_980] {strides = array<i32>} : memref<24x16x256xf32, #tpu.memory_space<vmem>>, vector<1x1x16xf32>,
        %get3A_982 = vector.shape_cast %get3A_981 : vector<1x1x16xf32> to vector<16xf32>
        %mul3A_983 = vector.broadcast %squeeze3A_369 : f32 to vector<16xf32>
        %mul3A_984 = arith.mulf %mul3A_983, %get3A_982 : vector<16xf32>
        %add3A_985 = arith.addf %mul3A_973, %mul3A_984 : vector<16xf32>
        %mul3A_986 = arith.constant 4 : i32
        %mul3A_987 = arith.muli %rem3A_386, %mul3A_986 : i32
        %add3A_988 = arith.constant 2 : i32
        %add3A_989 = arith.addi %mul3A_987, %add3A_988 : i32
        %get3A_990 = arith.index_cast %add3A_989 : i32 to index
        %get3A_991 = arith.index_cast %scan3A_468 : i32 to index
        %get3A_992 = arith.constant 176 : index
        %get3A_993 = tpu.vector_load %arg8[%get3A_990, %get3A_991, %get3A_992] {strides = array<i32>} : memref<24x16x256xf32, #tpu.memory_space<vmem>>, vector<1x1x16xf32>,
        %get3A_994 = vector.shape_cast %get3A_993 : vector<1x1x16xf32> to vector<16xf32>
        %mul3A_995 = vector.broadcast %squeeze3A_371 : f32 to vector<16xf32>
        %mul3A_996 = arith.mulf %mul3A_995, %get3A_994 : vector<16xf32>
        %add3A_997 = arith.addf %add3A_985, %mul3A_996 : vector<16xf32>
        %mul3A_998 = arith.constant 4 : i32
        %mul3A_999 = arith.muli %rem3A_386, %mul3A_998 : i32
        %add3A_1000 = arith.constant 3 : i32
        %add3A_1001 = arith.addi %mul3A_999, %add3A_1000 : i32
        %swap3A_1002 = arith.index_cast %add3A_1001 : i32 to index
        %swap3A_1003 = arith.index_cast %scan3A_468 : i32 to index
        %swap3A_1004 = arith.constant 176 : index
        %swap3A_1005 = tpu.vector_load %arg8[%swap3A_1002, %swap3A_1003, %swap3A_1004] {strides = array<i32>} : memref<24x16x256xf32, #tpu.memory_space<vmem>>, vector<1x1x16xf32>,
        %swap3A_1006 = vector.shape_cast %swap3A_1005 : vector<1x1x16xf32> to vector<16xf32>
        %swap3A_1007 = vector.shape_cast %add3A_997 : vector<16xf32> to vector<1x1x16xf32>
        tpu.vector_store %arg8[%swap3A_1002, %swap3A_1003, %swap3A_1004], %swap3A_1007 {strides = array<i32>} : memref<24x16x256xf32, #tpu.memory_space<vmem>>, vector<1x1x16xf32>,
        %mul3A_1008 = arith.constant 4 : i32
        %mul3A_1009 = arith.muli %rem3A_386, %mul3A_1008 : i32
        %add3A_1010 = arith.constant 0 : i32
        %add3A_1011 = arith.addi %mul3A_1009, %add3A_1010 : i32
        %get3A_1012 = arith.index_cast %add3A_1011 : i32 to index
        %get3A_1013 = arith.index_cast %scan3A_468 : i32 to index
        %get3A_1014 = arith.constant 192 : index
        %get3A_1015 = tpu.vector_load %arg8[%get3A_1012, %get3A_1013, %get3A_1014] {strides = array<i32>} : memref<24x16x256xf32, #tpu.memory_space<vmem>>, vector<1x1x16xf32>,
        %get3A_1016 = vector.shape_cast %get3A_1015 : vector<1x1x16xf32> to vector<16xf32>
        %mul3A_1017 = vector.broadcast %squeeze3A_367 : f32 to vector<16xf32>
        %mul3A_1018 = arith.mulf %mul3A_1017, %get3A_1016 : vector<16xf32>
        %mul3A_1019 = arith.constant 4 : i32
        %mul3A_1020 = arith.muli %rem3A_386, %mul3A_1019 : i32
        %add3A_1021 = arith.constant 1 : i32
        %add3A_1022 = arith.addi %mul3A_1020, %add3A_1021 : i32
        %get3A_1023 = arith.index_cast %add3A_1022 : i32 to index
        %get3A_1024 = arith.index_cast %scan3A_468 : i32 to index
        %get3A_1025 = arith.constant 192 : index
        %get3A_1026 = tpu.vector_load %arg8[%get3A_1023, %get3A_1024, %get3A_1025] {strides = array<i32>} : memref<24x16x256xf32, #tpu.memory_space<vmem>>, vector<1x1x16xf32>,
        %get3A_1027 = vector.shape_cast %get3A_1026 : vector<1x1x16xf32> to vector<16xf32>
        %mul3A_1028 = vector.broadcast %squeeze3A_369 : f32 to vector<16xf32>
        %mul3A_1029 = arith.mulf %mul3A_1028, %get3A_1027 : vector<16xf32>
        %add3A_1030 = arith.addf %mul3A_1018, %mul3A_1029 : vector<16xf32>
        %mul3A_1031 = arith.constant 4 : i32
        %mul3A_1032 = arith.muli %rem3A_386, %mul3A_1031 : i32
        %add3A_1033 = arith.constant 2 : i32
        %add3A_1034 = arith.addi %mul3A_1032, %add3A_1033 : i32
        %get3A_1035 = arith.index_cast %add3A_1034 : i32 to index
        %get3A_1036 = arith.index_cast %scan3A_468 : i32 to index
        %get3A_1037 = arith.constant 192 : index
        %get3A_1038 = tpu.vector_load %arg8[%get3A_1035, %get3A_1036, %get3A_1037] {strides = array<i32>} : memref<24x16x256xf32, #tpu.memory_space<vmem>>, vector<1x1x16xf32>,
        %get3A_1039 = vector.shape_cast %get3A_1038 : vector<1x1x16xf32> to vector<16xf32>
        %mul3A_1040 = vector.broadcast %squeeze3A_371 : f32 to vector<16xf32>
        %mul3A_1041 = arith.mulf %mul3A_1040, %get3A_1039 : vector<16xf32>
        %add3A_1042 = arith.addf %add3A_1030, %mul3A_1041 : vector<16xf32>
        %mul3A_1043 = arith.constant 4 : i32
        %mul3A_1044 = arith.muli %rem3A_386, %mul3A_1043 : i32
        %add3A_1045 = arith.constant 3 : i32
        %add3A_1046 = arith.addi %mul3A_1044, %add3A_1045 : i32
        %swap3A_1047 = arith.index_cast %add3A_1046 : i32 to index
        %swap3A_1048 = arith.index_cast %scan3A_468 : i32 to index
        %swap3A_1049 = arith.constant 192 : index
        %swap3A_1050 = tpu.vector_load %arg8[%swap3A_1047, %swap3A_1048, %swap3A_1049] {strides = array<i32>} : memref<24x16x256xf32, #tpu.memory_space<vmem>>, vector<1x1x16xf32>,
        %swap3A_1051 = vector.shape_cast %swap3A_1050 : vector<1x1x16xf32> to vector<16xf32>
        %swap3A_1052 = vector.shape_cast %add3A_1042 : vector<16xf32> to vector<1x1x16xf32>
        tpu.vector_store %arg8[%swap3A_1047, %swap3A_1048, %swap3A_1049], %swap3A_1052 {strides = array<i32>} : memref<24x16x256xf32, #tpu.memory_space<vmem>>, vector<1x1x16xf32>,
        %mul3A_1053 = arith.constant 4 : i32
        %mul3A_1054 = arith.muli %rem3A_386, %mul3A_1053 : i32
        %add3A_1055 = arith.constant 0 : i32
        %add3A_1056 = arith.addi %mul3A_1054, %add3A_1055 : i32
        %get3A_1057 = arith.index_cast %add3A_1056 : i32 to index
        %get3A_1058 = arith.index_cast %scan3A_468 : i32 to index
        %get3A_1059 = arith.constant 208 : index
        %get3A_1060 = tpu.vector_load %arg8[%get3A_1057, %get3A_1058, %get3A_1059] {strides = array<i32>} : memref<24x16x256xf32, #tpu.memory_space<vmem>>, vector<1x1x16xf32>,
        %get3A_1061 = vector.shape_cast %get3A_1060 : vector<1x1x16xf32> to vector<16xf32>
        %mul3A_1062 = vector.broadcast %squeeze3A_367 : f32 to vector<16xf32>
        %mul3A_1063 = arith.mulf %mul3A_1062, %get3A_1061 : vector<16xf32>
        %mul3A_1064 = arith.constant 4 : i32
        %mul3A_1065 = arith.muli %rem3A_386, %mul3A_1064 : i32
        %add3A_1066 = arith.constant 1 : i32
        %add3A_1067 = arith.addi %mul3A_1065, %add3A_1066 : i32
        %get3A_1068 = arith.index_cast %add3A_1067 : i32 to index
        %get3A_1069 = arith.index_cast %scan3A_468 : i32 to index
        %get3A_1070 = arith.constant 208 : index
        %get3A_1071 = tpu.vector_load %arg8[%get3A_1068, %get3A_1069, %get3A_1070] {strides = array<i32>} : memref<24x16x256xf32, #tpu.memory_space<vmem>>, vector<1x1x16xf32>,
        %get3A_1072 = vector.shape_cast %get3A_1071 : vector<1x1x16xf32> to vector<16xf32>
        %mul3A_1073 = vector.broadcast %squeeze3A_369 : f32 to vector<16xf32>
        %mul3A_1074 = arith.mulf %mul3A_1073, %get3A_1072 : vector<16xf32>
        %add3A_1075 = arith.addf %mul3A_1063, %mul3A_1074 : vector<16xf32>
        %mul3A_1076 = arith.constant 4 : i32
        %mul3A_1077 = arith.muli %rem3A_386, %mul3A_1076 : i32
        %add3A_1078 = arith.constant 2 : i32
        %add3A_1079 = arith.addi %mul3A_1077, %add3A_1078 : i32
        %get3A_1080 = arith.index_cast %add3A_1079 : i32 to index
        %get3A_1081 = arith.index_cast %scan3A_468 : i32 to index
        %get3A_1082 = arith.constant 208 : index
        %get3A_1083 = tpu.vector_load %arg8[%get3A_1080, %get3A_1081, %get3A_1082] {strides = array<i32>} : memref<24x16x256xf32, #tpu.memory_space<vmem>>, vector<1x1x16xf32>,
        %get3A_1084 = vector.shape_cast %get3A_1083 : vector<1x1x16xf32> to vector<16xf32>
        %mul3A_1085 = vector.broadcast %squeeze3A_371 : f32 to vector<16xf32>
        %mul3A_1086 = arith.mulf %mul3A_1085, %get3A_1084 : vector<16xf32>
        %add3A_1087 = arith.addf %add3A_1075, %mul3A_1086 : vector<16xf32>
        %mul3A_1088 = arith.constant 4 : i32
        %mul3A_1089 = arith.muli %rem3A_386, %mul3A_1088 : i32
        %add3A_1090 = arith.constant 3 : i32
        %add3A_1091 = arith.addi %mul3A_1089, %add3A_1090 : i32
        %swap3A_1092 = arith.index_cast %add3A_1091 : i32 to index
        %swap3A_1093 = arith.index_cast %scan3A_468 : i32 to index
        %swap3A_1094 = arith.constant 208 : index
        %swap3A_1095 = tpu.vector_load %arg8[%swap3A_1092, %swap3A_1093, %swap3A_1094] {strides = array<i32>} : memref<24x16x256xf32, #tpu.memory_space<vmem>>, vector<1x1x16xf32>,
        %swap3A_1096 = vector.shape_cast %swap3A_1095 : vector<1x1x16xf32> to vector<16xf32>
        %swap3A_1097 = vector.shape_cast %add3A_1087 : vector<16xf32> to vector<1x1x16xf32>
        tpu.vector_store %arg8[%swap3A_1092, %swap3A_1093, %swap3A_1094], %swap3A_1097 {strides = array<i32>} : memref<24x16x256xf32, #tpu.memory_space<vmem>>, vector<1x1x16xf32>,
        %mul3A_1098 = arith.constant 4 : i32
        %mul3A_1099 = arith.muli %rem3A_386, %mul3A_1098 : i32
        %add3A_1100 = arith.constant 0 : i32
        %add3A_1101 = arith.addi %mul3A_1099, %add3A_1100 : i32
        %get3A_1102 = arith.index_cast %add3A_1101 : i32 to index
        %get3A_1103 = arith.index_cast %scan3A_468 : i32 to index
        %get3A_1104 = arith.constant 224 : index
        %get3A_1105 = tpu.vector_load %arg8[%get3A_1102, %get3A_1103, %get3A_1104] {strides = array<i32>} : memref<24x16x256xf32, #tpu.memory_space<vmem>>, vector<1x1x16xf32>,
        %get3A_1106 = vector.shape_cast %get3A_1105 : vector<1x1x16xf32> to vector<16xf32>
        %mul3A_1107 = vector.broadcast %squeeze3A_367 : f32 to vector<16xf32>
        %mul3A_1108 = arith.mulf %mul3A_1107, %get3A_1106 : vector<16xf32>
        %mul3A_1109 = arith.constant 4 : i32
        %mul3A_1110 = arith.muli %rem3A_386, %mul3A_1109 : i32
        %add3A_1111 = arith.constant 1 : i32
        %add3A_1112 = arith.addi %mul3A_1110, %add3A_1111 : i32
        %get3A_1113 = arith.index_cast %add3A_1112 : i32 to index
        %get3A_1114 = arith.index_cast %scan3A_468 : i32 to index
        %get3A_1115 = arith.constant 224 : index
        %get3A_1116 = tpu.vector_load %arg8[%get3A_1113, %get3A_1114, %get3A_1115] {strides = array<i32>} : memref<24x16x256xf32, #tpu.memory_space<vmem>>, vector<1x1x16xf32>,
        %get3A_1117 = vector.shape_cast %get3A_1116 : vector<1x1x16xf32> to vector<16xf32>
        %mul3A_1118 = vector.broadcast %squeeze3A_369 : f32 to vector<16xf32>
        %mul3A_1119 = arith.mulf %mul3A_1118, %get3A_1117 : vector<16xf32>
        %add3A_1120 = arith.addf %mul3A_1108, %mul3A_1119 : vector<16xf32>
        %mul3A_1121 = arith.constant 4 : i32
        %mul3A_1122 = arith.muli %rem3A_386, %mul3A_1121 : i32
        %add3A_1123 = arith.constant 2 : i32
        %add3A_1124 = arith.addi %mul3A_1122, %add3A_1123 : i32
        %get3A_1125 = arith.index_cast %add3A_1124 : i32 to index
        %get3A_1126 = arith.index_cast %scan3A_468 : i32 to index
        %get3A_1127 = arith.constant 224 : index
        %get3A_1128 = tpu.vector_load %arg8[%get3A_1125, %get3A_1126, %get3A_1127] {strides = array<i32>} : memref<24x16x256xf32, #tpu.memory_space<vmem>>, vector<1x1x16xf32>,
        %get3A_1129 = vector.shape_cast %get3A_1128 : vector<1x1x16xf32> to vector<16xf32>
        %mul3A_1130 = vector.broadcast %squeeze3A_371 : f32 to vector<16xf32>
        %mul3A_1131 = arith.mulf %mul3A_1130, %get3A_1129 : vector<16xf32>
        %add3A_1132 = arith.addf %add3A_1120, %mul3A_1131 : vector<16xf32>
        %mul3A_1133 = arith.constant 4 : i32
        %mul3A_1134 = arith.muli %rem3A_386, %mul3A_1133 : i32
        %add3A_1135 = arith.constant 3 : i32
        %add3A_1136 = arith.addi %mul3A_1134, %add3A_1135 : i32
        %swap3A_1137 = arith.index_cast %add3A_1136 : i32 to index
        %swap3A_1138 = arith.index_cast %scan3A_468 : i32 to index
        %swap3A_1139 = arith.constant 224 : index
        %swap3A_1140 = tpu.vector_load %arg8[%swap3A_1137, %swap3A_1138, %swap3A_1139] {strides = array<i32>} : memref<24x16x256xf32, #tpu.memory_space<vmem>>, vector<1x1x16xf32>,
        %swap3A_1141 = vector.shape_cast %swap3A_1140 : vector<1x1x16xf32> to vector<16xf32>
        %swap3A_1142 = vector.shape_cast %add3A_1132 : vector<16xf32> to vector<1x1x16xf32>
        tpu.vector_store %arg8[%swap3A_1137, %swap3A_1138, %swap3A_1139], %swap3A_1142 {strides = array<i32>} : memref<24x16x256xf32, #tpu.memory_space<vmem>>, vector<1x1x16xf32>,
        %mul3A_1143 = arith.constant 4 : i32
        %mul3A_1144 = arith.muli %rem3A_386, %mul3A_1143 : i32
        %add3A_1145 = arith.constant 0 : i32
        %add3A_1146 = arith.addi %mul3A_1144, %add3A_1145 : i32
        %get3A_1147 = arith.index_cast %add3A_1146 : i32 to index
        %get3A_1148 = arith.index_cast %scan3A_468 : i32 to index
        %get3A_1149 = arith.constant 240 : index
        %get3A_1150 = tpu.vector_load %arg8[%get3A_1147, %get3A_1148, %get3A_1149] {strides = array<i32>} : memref<24x16x256xf32, #tpu.memory_space<vmem>>, vector<1x1x16xf32>,
        %get3A_1151 = vector.shape_cast %get3A_1150 : vector<1x1x16xf32> to vector<16xf32>
        %mul3A_1152 = vector.broadcast %squeeze3A_367 : f32 to vector<16xf32>
        %mul3A_1153 = arith.mulf %mul3A_1152, %get3A_1151 : vector<16xf32>
        %mul3A_1154 = arith.constant 4 : i32
        %mul3A_1155 = arith.muli %rem3A_386, %mul3A_1154 : i32
        %add3A_1156 = arith.constant 1 : i32
        %add3A_1157 = arith.addi %mul3A_1155, %add3A_1156 : i32
        %get3A_1158 = arith.index_cast %add3A_1157 : i32 to index
        %get3A_1159 = arith.index_cast %scan3A_468 : i32 to index
        %get3A_1160 = arith.constant 240 : index
        %get3A_1161 = tpu.vector_load %arg8[%get3A_1158, %get3A_1159, %get3A_1160] {strides = array<i32>} : memref<24x16x256xf32, #tpu.memory_space<vmem>>, vector<1x1x16xf32>,
        %get3A_1162 = vector.shape_cast %get3A_1161 : vector<1x1x16xf32> to vector<16xf32>
        %mul3A_1163 = vector.broadcast %squeeze3A_369 : f32 to vector<16xf32>
        %mul3A_1164 = arith.mulf %mul3A_1163, %get3A_1162 : vector<16xf32>
        %add3A_1165 = arith.addf %mul3A_1153, %mul3A_1164 : vector<16xf32>
        %mul3A_1166 = arith.constant 4 : i32
        %mul3A_1167 = arith.muli %rem3A_386, %mul3A_1166 : i32
        %add3A_1168 = arith.constant 2 : i32
        %add3A_1169 = arith.addi %mul3A_1167, %add3A_1168 : i32
        %get3A_1170 = arith.index_cast %add3A_1169 : i32 to index
        %get3A_1171 = arith.index_cast %scan3A_468 : i32 to index
        %get3A_1172 = arith.constant 240 : index
        %get3A_1173 = tpu.vector_load %arg8[%get3A_1170, %get3A_1171, %get3A_1172] {strides = array<i32>} : memref<24x16x256xf32, #tpu.memory_space<vmem>>, vector<1x1x16xf32>,
        %get3A_1174 = vector.shape_cast %get3A_1173 : vector<1x1x16xf32> to vector<16xf32>
        %mul3A_1175 = vector.broadcast %squeeze3A_371 : f32 to vector<16xf32>
        %mul3A_1176 = arith.mulf %mul3A_1175, %get3A_1174 : vector<16xf32>
        %add3A_1177 = arith.addf %add3A_1165, %mul3A_1176 : vector<16xf32>
        %mul3A_1178 = arith.constant 4 : i32
        %mul3A_1179 = arith.muli %rem3A_386, %mul3A_1178 : i32
        %add3A_1180 = arith.constant 3 : i32
        %add3A_1181 = arith.addi %mul3A_1179, %add3A_1180 : i32
        %swap3A_1182 = arith.index_cast %add3A_1181 : i32 to index
        %swap3A_1183 = arith.index_cast %scan3A_468 : i32 to index
        %swap3A_1184 = arith.constant 240 : index
        %swap3A_1185 = tpu.vector_load %arg8[%swap3A_1182, %swap3A_1183, %swap3A_1184] {strides = array<i32>} : memref<24x16x256xf32, #tpu.memory_space<vmem>>, vector<1x1x16xf32>,
        %swap3A_1186 = vector.shape_cast %swap3A_1185 : vector<1x1x16xf32> to vector<16xf32>
        %swap3A_1187 = vector.shape_cast %add3A_1177 : vector<16xf32> to vector<1x1x16xf32>
        tpu.vector_store %arg8[%swap3A_1182, %swap3A_1183, %swap3A_1184], %swap3A_1187 {strides = array<i32>} : memref<24x16x256xf32, #tpu.memory_space<vmem>>, vector<1x1x16xf32>,
      }
      %scan3A_449 = arith.constant 16 : i32
      %mul3A_450 = arith.constant 4 : i32
      %mul3A_451 = arith.muli %rem3A_386, %mul3A_450 : i32
      %add3A_452 = arith.constant 3 : i32
      %add3A_453 = arith.addi %mul3A_451, %add3A_452 : i32
      %dma_start3A_454 = arith.constant 0 : i32
      %dma_start3A_455 = arith.constant 0 : i32
      %dma_start3A_456 = tpu.memref_slice %arg8[%add3A_453, %dma_start3A_454, %dma_start3A_455] : memref<24x16x256xf32, #tpu.memory_space<vmem>> -> memref<1x16x256xf32, #tpu.memory_space<vmem>>
      %dma_start3A_457 = tpu.memref_squeeze %dma_start3A_456 : memref<1x16x256xf32, #tpu.memory_space<vmem>> -> memref<16x256xf32, #tpu.memory_space<vmem>>
      %dma_start3A_458 = arith.constant 0 : i32
      %dma_start3A_459 = tpu.memref_slice %arg7[%add3A_389, %dma_start3A_458] : memref<8192x256xf32, #tpu.memory_space<hbm>> -> memref<16x256xf32, #tpu.memory_space<hbm>>
      %dma_start3A_460 = tpu.memref_slice %arg13[%rem3A_386] : memref<6x!tpu.dma_semaphore, #tpu.memory_space<semaphore_mem>> -> memref<1x!tpu.dma_semaphore, #tpu.memory_space<semaphore_mem>>
      %dma_start3A_461 = tpu.memref_squeeze %dma_start3A_460 : memref<1x!tpu.dma_semaphore, #tpu.memory_space<semaphore_mem>> -> memref<!tpu.dma_semaphore, #tpu.memory_space<semaphore_mem>>
      %dma_start3A_462 = arith.constant 0 : i32
      %dma_start3A_463 = tpu.memref_slice %arg7[%add3A_389, %dma_start3A_462] : memref<8192x256xf32, #tpu.memory_space<hbm>> -> memref<16x256xf32, #tpu.memory_space<hbm>>
      %dma_start3A_464 = arith.constant 0 : i32
      %dma_start3A_465 = arith.constant 0 : i32
      %dma_start3A_466 = tpu.memref_slice %arg8[%add3A_453, %dma_start3A_464, %dma_start3A_465] : memref<24x16x256xf32, #tpu.memory_space<vmem>> -> memref<1x16x256xf32, #tpu.memory_space<vmem>>
      %dma_start3A_467 = tpu.memref_squeeze %dma_start3A_466 : memref<1x16x256xf32, #tpu.memory_space<vmem>> -> memref<16x256xf32, #tpu.memory_space<vmem>>
      tpu.enqueue_dma source(%dma_start3A_467 : memref<16x256xf32, #tpu.memory_space<vmem>>) target(%dma_start3A_463 : memref<16x256xf32, #tpu.memory_space<hbm>>) target_semaphore(%dma_start3A_461 : memref<!tpu.dma_semaphore, #tpu.memory_space<semaphore_mem>>)
    }
    %scan3A_376 = arith.constant 6 : i32
    %scan3A_377 = arith.constant 0 : i32
    %scan3A_378 = arith.constant 0 : i32
    %scan3A_379 = arith.constant 6 : i32
    %scan3A_380 = arith.addi %scan3A_378, %scan3A_379 : i32
    %scan3A_381 = arith.constant 1 : i32
    scf.for %scan3A_385 = %scan3A_378 to %scan3A_380 step %scan3A_381  : i32 {
      %rem3A = arith.constant 6 : i32
      %rem3A_386 = arith.remsi %scan3A_385, %rem3A : i32
      %mul3A_387 = arith.constant 16 : i32
      %mul3A_388 = arith.muli %scan3A_385, %mul3A_387 : i32
      %add3A_389 = arith.addi %add3A_4, %mul3A_388 : i32
      %mul3A_390 = arith.constant 4 : i32
      %mul3A_391 = arith.muli %rem3A_386, %mul3A_390 : i32
      %add3A_392 = arith.constant 3 : i32
      %add3A_393 = arith.addi %mul3A_391, %add3A_392 : i32
      %dma_wait3A_394 = arith.constant 0 : i32
      %dma_wait3A_395 = arith.constant 0 : i32
      %dma_wait3A_396 = tpu.memref_slice %arg8[%add3A_393, %dma_wait3A_394, %dma_wait3A_395] : memref<24x16x256xf32, #tpu.memory_space<vmem>> -> memref<1x16x256xf32, #tpu.memory_space<vmem>>
      %dma_wait3A_397 = tpu.memref_squeeze %dma_wait3A_396 : memref<1x16x256xf32, #tpu.memory_space<vmem>> -> memref<16x256xf32, #tpu.memory_space<vmem>>
      %dma_wait3A_398 = arith.constant 0 : i32
      %dma_wait3A_399 = tpu.memref_slice %arg7[%add3A_389, %dma_wait3A_398] : memref<8192x256xf32, #tpu.memory_space<hbm>> -> memref<16x256xf32, #tpu.memory_space<hbm>>
      %dma_wait3A_400 = tpu.memref_slice %arg13[%rem3A_386] : memref<6x!tpu.dma_semaphore, #tpu.memory_space<semaphore_mem>> -> memref<1x!tpu.dma_semaphore, #tpu.memory_space<semaphore_mem>>
      %dma_wait3A_401 = tpu.memref_squeeze %dma_wait3A_400 : memref<1x!tpu.dma_semaphore, #tpu.memory_space<semaphore_mem>> -> memref<!tpu.dma_semaphore, #tpu.memory_space<semaphore_mem>>
      %dma_wait3A_402 = arith.constant 0 : i32
      %dma_wait3A_403 = tpu.memref_slice %arg7[%add3A_389, %dma_wait3A_402] : memref<8192x256xf32, #tpu.memory_space<hbm>> -> memref<16x256xf32, #tpu.memory_space<hbm>>
      %dma_wait3A_404 = arith.constant 0 : i32
      %dma_wait3A_405 = arith.constant 0 : i32
      %dma_wait3A_406 = tpu.memref_slice %arg8[%add3A_393, %dma_wait3A_404, %dma_wait3A_405] : memref<24x16x256xf32, #tpu.memory_space<vmem>> -> memref<1x16x256xf32, #tpu.memory_space<vmem>>
      %dma_wait3A_407 = tpu.memref_squeeze %dma_wait3A_406 : memref<1x16x256xf32, #tpu.memory_space<vmem>> -> memref<16x256xf32, #tpu.memory_space<vmem>>
      tpu.wait_dma2 semaphore(%dma_wait3A_401 : memref<!tpu.dma_semaphore, #tpu.memory_space<semaphore_mem>>) src(%dma_wait3A_407 : memref<16x256xf32, #tpu.memory_space<vmem>>) dst(%dma_wait3A_403 : memref<16x256xf32, #tpu.memory_space<hbm>>)
    }
    %scan3A_382 = arith.constant 6 : i32
    %ne3A = arith.constant 0 : i32
    %ne3A_383 = arith.cmpi ne, %squeeze3A_341, %ne3A : i32
    %convert_element_type3A = arith.extui %ne3A_383 : i1 to i32
    %cond3A = arith.constant 0 : i32
    %cond3A_384 = arith.cmpi ne, %convert_element_type3A, %cond3A : i32
    scf.if %cond3A_384 {
      %mul3A_385 = arith.constant 256 : i32
      %mul3A_386 = arith.muli %add3A, %mul3A_385 : i32
      %scan3A_387 = arith.constant 0 : i32
      %scan3A_388 = arith.constant 0 : i32
      %scan3A_389 = arith.constant 16 : i32
      %scan3A_390 = arith.addi %scan3A_388, %scan3A_389 : i32
      %scan3A_391 = arith.constant 1 : i32
      scf.for %scan3A_393 = %scan3A_388 to %scan3A_390 step %scan3A_391  : i32 {
        %mul3A_394 = arith.constant 16 : i32
        %mul3A_395 = arith.muli %scan3A_393, %mul3A_394 : i32
        %add3A_396 = arith.addi %mul3A_386, %mul3A_395 : i32
        %dma_start3A_397 = arith.constant 1 : i32
        %dma_start3A_398 = arith.constant 0 : i32
        %dma_start3A_399 = arith.constant 0 : i32
        %dma_start3A_400 = arith.constant 0 : i32
        %dma_start3A_401 = tpu.memref_slice %arg8[%dma_start3A_397, %dma_start3A_399, %dma_start3A_400] : memref<24x16x256xf32, #tpu.memory_space<vmem>> -> memref<1x16x256xf32, #tpu.memory_space<vmem>>
        %dma_start3A_402 = tpu.memref_squeeze %dma_start3A_401 : memref<1x16x256xf32, #tpu.memory_space<vmem>> -> memref<16x256xf32, #tpu.memory_space<vmem>>
        %dma_start3A_403 = arith.constant 0 : i32
        %dma_start3A_404 = tpu.memref_slice %arg3[%add3A_396, %dma_start3A_403] : memref<8192x256xf32, #tpu.memory_space<hbm>> -> memref<16x256xf32, #tpu.memory_space<hbm>>
        %dma_start3A_405 = tpu.memref_slice %arg12[%dma_start3A_398] : memref<6x!tpu.dma_semaphore, #tpu.memory_space<semaphore_mem>> -> memref<1x!tpu.dma_semaphore, #tpu.memory_space<semaphore_mem>>
        %dma_start3A_406 = tpu.memref_squeeze %dma_start3A_405 : memref<1x!tpu.dma_semaphore, #tpu.memory_space<semaphore_mem>> -> memref<!tpu.dma_semaphore, #tpu.memory_space<semaphore_mem>>
        %dma_start3A_407 = arith.constant 0 : i32
        %dma_start3A_408 = arith.constant 0 : i32
        %dma_start3A_409 = tpu.memref_slice %arg8[%dma_start3A_397, %dma_start3A_407, %dma_start3A_408] : memref<24x16x256xf32, #tpu.memory_space<vmem>> -> memref<1x16x256xf32, #tpu.memory_space<vmem>>
        %dma_start3A_410 = tpu.memref_squeeze %dma_start3A_409 : memref<1x16x256xf32, #tpu.memory_space<vmem>> -> memref<16x256xf32, #tpu.memory_space<vmem>>
        %dma_start3A_411 = arith.constant 0 : i32
        %dma_start3A_412 = tpu.memref_slice %arg3[%add3A_396, %dma_start3A_411] : memref<8192x256xf32, #tpu.memory_space<hbm>> -> memref<16x256xf32, #tpu.memory_space<hbm>>
        tpu.enqueue_dma source(%dma_start3A_412 : memref<16x256xf32, #tpu.memory_space<hbm>>) target(%dma_start3A_410 : memref<16x256xf32, #tpu.memory_space<vmem>>) target_semaphore(%dma_start3A_406 : memref<!tpu.dma_semaphore, #tpu.memory_space<semaphore_mem>>)
        %dma_start3A_413 = arith.constant 2 : i32
        %dma_start3A_414 = arith.constant 0 : i32
        %dma_start3A_415 = arith.constant 0 : i32
        %dma_start3A_416 = arith.constant 0 : i32
        %dma_start3A_417 = tpu.memref_slice %arg8[%dma_start3A_413, %dma_start3A_415, %dma_start3A_416] : memref<24x16x256xf32, #tpu.memory_space<vmem>> -> memref<1x16x256xf32, #tpu.memory_space<vmem>>
        %dma_start3A_418 = tpu.memref_squeeze %dma_start3A_417 : memref<1x16x256xf32, #tpu.memory_space<vmem>> -> memref<16x256xf32, #tpu.memory_space<vmem>>
        %dma_start3A_419 = arith.constant 0 : i32
        %dma_start3A_420 = tpu.memref_slice %arg4[%add3A_396, %dma_start3A_419] : memref<8192x256xf32, #tpu.memory_space<hbm>> -> memref<16x256xf32, #tpu.memory_space<hbm>>
        %dma_start3A_421 = tpu.memref_slice %arg12[%dma_start3A_414] : memref<6x!tpu.dma_semaphore, #tpu.memory_space<semaphore_mem>> -> memref<1x!tpu.dma_semaphore, #tpu.memory_space<semaphore_mem>>
        %dma_start3A_422 = tpu.memref_squeeze %dma_start3A_421 : memref<1x!tpu.dma_semaphore, #tpu.memory_space<semaphore_mem>> -> memref<!tpu.dma_semaphore, #tpu.memory_space<semaphore_mem>>
        %dma_start3A_423 = arith.constant 0 : i32
        %dma_start3A_424 = arith.constant 0 : i32
        %dma_start3A_425 = tpu.memref_slice %arg8[%dma_start3A_413, %dma_start3A_423, %dma_start3A_424] : memref<24x16x256xf32, #tpu.memory_space<vmem>> -> memref<1x16x256xf32, #tpu.memory_space<vmem>>
        %dma_start3A_426 = tpu.memref_squeeze %dma_start3A_425 : memref<1x16x256xf32, #tpu.memory_space<vmem>> -> memref<16x256xf32, #tpu.memory_space<vmem>>
        %dma_start3A_427 = arith.constant 0 : i32
        %dma_start3A_428 = tpu.memref_slice %arg4[%add3A_396, %dma_start3A_427] : memref<8192x256xf32, #tpu.memory_space<hbm>> -> memref<16x256xf32, #tpu.memory_space<hbm>>
        tpu.enqueue_dma source(%dma_start3A_428 : memref<16x256xf32, #tpu.memory_space<hbm>>) target(%dma_start3A_426 : memref<16x256xf32, #tpu.memory_space<vmem>>) target_semaphore(%dma_start3A_422 : memref<!tpu.dma_semaphore, #tpu.memory_space<semaphore_mem>>)
        %add3A_429 = arith.constant 0 : i32
        %add3A_430 = arith.addi %add3A_396, %add3A_429 : i32
        %add3A_431 = vector.broadcast %add3A_430 : i32 to vector<16xi32>
        %add3A_432 = arith.addi %iota3A, %add3A_431 : vector<16xi32>
        %add3A_433 = vector.broadcast %squeeze3A_341 : i32 to vector<16xi32>
        %add3A_434 = arith.addi %add3A_432, %add3A_433 : vector<16xi32>
        %jit3A_435 = arith.constant 0 : i32
        %jit3A_436 = arith.constant 8191 : i32
        %max3A_437 = vector.broadcast %jit3A_435 : i32 to vector<16xi32>
        %max3A_438 = arith.maxsi %max3A_437, %add3A_434 : vector<16xi32>
        %min3A = vector.broadcast %jit3A_436 : i32 to vector<16xi32>
        %min3A_439 = arith.minsi %min3A, %max3A_438 : vector<16xi32>
        %swap3A = arith.constant 0 : i32
        %swap3A_440 = arith.index_cast %swap3A : i32 to index
        %swap3A_441 = arith.constant 0 : index
        %swap3A_442 = tpu.vector_load %arg9[%swap3A_440, %swap3A_441] {strides = array<i32>} : memref<6x16xi32, #tpu.memory_space<vmem>>, vector<1x16xi32>,
        %swap3A_443 = vector.shape_cast %swap3A_442 : vector<1x16xi32> to vector<16xi32>
        %swap3A_444 = vector.shape_cast %min3A_439 : vector<16xi32> to vector<1x16xi32>
        tpu.vector_store %arg9[%swap3A_440, %swap3A_441], %swap3A_444 {strides = array<i32>} : memref<6x16xi32, #tpu.memory_space<vmem>>, vector<1x16xi32>,
        %dma_start3A_445 = arith.constant 0 : i32
        %dma_start3A_446 = arith.constant 0 : i32
        %dma_start3A_447 = arith.constant 0 : i32
        %dma_start3A_448 = arith.constant 0 : i32
        %dma_start3A_449 = arith.constant 0 : i32
        %dma_start3A_450 = tpu.memref_slice %arg8[%dma_start3A_446, %dma_start3A_448, %dma_start3A_449] : memref<24x16x256xf32, #tpu.memory_space<vmem>> -> memref<1x16x256xf32, #tpu.memory_space<vmem>>
        %dma_start3A_451 = tpu.memref_squeeze %dma_start3A_450 : memref<1x16x256xf32, #tpu.memory_space<vmem>> -> memref<16x256xf32, #tpu.memory_space<vmem>>
        %dma_start3A_452 = arith.constant 0 : i32
        %dma_start3A_453 = tpu.memref_slice %arg9[%dma_start3A_445, %dma_start3A_452] : memref<6x16xi32, #tpu.memory_space<vmem>> -> memref<1x16xi32, #tpu.memory_space<vmem>>
        %dma_start3A_454 = tpu.memref_squeeze %dma_start3A_453 : memref<1x16xi32, #tpu.memory_space<vmem>> -> memref<16xi32, #tpu.memory_space<vmem>>
        %dma_start3A_455 = arith.constant 0 : i32
        %dma_start3A_456 = arith.constant 0 : i32
        %dma_start3A_457 = tpu.memref_slice %arg2[%dma_start3A_455, %dma_start3A_456] : memref<8192x256xf32, #tpu.memory_space<hbm>> -> memref<8192x256xf32, #tpu.memory_space<hbm>>
        %dma_start3A_458 = tpu.memref_slice %arg12[%dma_start3A_447] : memref<6x!tpu.dma_semaphore, #tpu.memory_space<semaphore_mem>> -> memref<1x!tpu.dma_semaphore, #tpu.memory_space<semaphore_mem>>
        %dma_start3A_459 = tpu.memref_squeeze %dma_start3A_458 : memref<1x!tpu.dma_semaphore, #tpu.memory_space<semaphore_mem>> -> memref<!tpu.dma_semaphore, #tpu.memory_space<semaphore_mem>>
        tpu.enqueue_indirect_dma source(%dma_start3A_457 : memref<8192x256xf32, #tpu.memory_space<hbm>>) target(%dma_start3A_451 : memref<16x256xf32, #tpu.memory_space<vmem>>) offsets(%dma_start3A_454 : memref<16xi32, #tpu.memory_space<vmem>>) semaphore(%dma_start3A_459 : memref<!tpu.dma_semaphore, #tpu.memory_space<semaphore_mem>>)
        %dma_wait3A_460 = arith.constant 1 : i32
        %dma_wait3A_461 = arith.constant 0 : i32
        %dma_wait3A_462 = arith.constant 0 : i32
        %dma_wait3A_463 = arith.constant 0 : i32
        %dma_wait3A_464 = tpu.memref_slice %arg8[%dma_wait3A_460, %dma_wait3A_462, %dma_wait3A_463] : memref<24x16x256xf32, #tpu.memory_space<vmem>> -> memref<1x16x256xf32, #tpu.memory_space<vmem>>
        %dma_wait3A_465 = tpu.memref_squeeze %dma_wait3A_464 : memref<1x16x256xf32, #tpu.memory_space<vmem>> -> memref<16x256xf32, #tpu.memory_space<vmem>>
        %dma_wait3A_466 = arith.constant 0 : i32
        %dma_wait3A_467 = tpu.memref_slice %arg3[%add3A_396, %dma_wait3A_466] : memref<8192x256xf32, #tpu.memory_space<hbm>> -> memref<16x256xf32, #tpu.memory_space<hbm>>
        %dma_wait3A_468 = tpu.memref_slice %arg12[%dma_wait3A_461] : memref<6x!tpu.dma_semaphore, #tpu.memory_space<semaphore_mem>> -> memref<1x!tpu.dma_semaphore, #tpu.memory_space<semaphore_mem>>
        %dma_wait3A_469 = tpu.memref_squeeze %dma_wait3A_468 : memref<1x!tpu.dma_semaphore, #tpu.memory_space<semaphore_mem>> -> memref<!tpu.dma_semaphore, #tpu.memory_space<semaphore_mem>>
        %dma_wait3A_470 = arith.constant 0 : i32
        %dma_wait3A_471 = arith.constant 0 : i32
        %dma_wait3A_472 = tpu.memref_slice %arg8[%dma_wait3A_460, %dma_wait3A_470, %dma_wait3A_471] : memref<24x16x256xf32, #tpu.memory_space<vmem>> -> memref<1x16x256xf32, #tpu.memory_space<vmem>>
        %dma_wait3A_473 = tpu.memref_squeeze %dma_wait3A_472 : memref<1x16x256xf32, #tpu.memory_space<vmem>> -> memref<16x256xf32, #tpu.memory_space<vmem>>
        %dma_wait3A_474 = arith.constant 0 : i32
        %dma_wait3A_475 = tpu.memref_slice %arg3[%add3A_396, %dma_wait3A_474] : memref<8192x256xf32, #tpu.memory_space<hbm>> -> memref<16x256xf32, #tpu.memory_space<hbm>>
        tpu.wait_dma2 semaphore(%dma_wait3A_469 : memref<!tpu.dma_semaphore, #tpu.memory_space<semaphore_mem>>) src(%dma_wait3A_475 : memref<16x256xf32, #tpu.memory_space<hbm>>) dst(%dma_wait3A_473 : memref<16x256xf32, #tpu.memory_space<vmem>>)
        %dma_wait3A_476 = arith.constant 2 : i32
        %dma_wait3A_477 = arith.constant 0 : i32
        %dma_wait3A_478 = arith.constant 0 : i32
        %dma_wait3A_479 = arith.constant 0 : i32
        %dma_wait3A_480 = tpu.memref_slice %arg8[%dma_wait3A_476, %dma_wait3A_478, %dma_wait3A_479] : memref<24x16x256xf32, #tpu.memory_space<vmem>> -> memref<1x16x256xf32, #tpu.memory_space<vmem>>
        %dma_wait3A_481 = tpu.memref_squeeze %dma_wait3A_480 : memref<1x16x256xf32, #tpu.memory_space<vmem>> -> memref<16x256xf32, #tpu.memory_space<vmem>>
        %dma_wait3A_482 = arith.constant 0 : i32
        %dma_wait3A_483 = tpu.memref_slice %arg3[%add3A_396, %dma_wait3A_482] : memref<8192x256xf32, #tpu.memory_space<hbm>> -> memref<16x256xf32, #tpu.memory_space<hbm>>
        %dma_wait3A_484 = tpu.memref_slice %arg12[%dma_wait3A_477] : memref<6x!tpu.dma_semaphore, #tpu.memory_space<semaphore_mem>> -> memref<1x!tpu.dma_semaphore, #tpu.memory_space<semaphore_mem>>
        %dma_wait3A_485 = tpu.memref_squeeze %dma_wait3A_484 : memref<1x!tpu.dma_semaphore, #tpu.memory_space<semaphore_mem>> -> memref<!tpu.dma_semaphore, #tpu.memory_space<semaphore_mem>>
        %dma_wait3A_486 = arith.constant 0 : i32
        %dma_wait3A_487 = arith.constant 0 : i32
        %dma_wait3A_488 = tpu.memref_slice %arg8[%dma_wait3A_476, %dma_wait3A_486, %dma_wait3A_487] : memref<24x16x256xf32, #tpu.memory_space<vmem>> -> memref<1x16x256xf32, #tpu.memory_space<vmem>>
        %dma_wait3A_489 = tpu.memref_squeeze %dma_wait3A_488 : memref<1x16x256xf32, #tpu.memory_space<vmem>> -> memref<16x256xf32, #tpu.memory_space<vmem>>
        %dma_wait3A_490 = arith.constant 0 : i32
        %dma_wait3A_491 = tpu.memref_slice %arg3[%add3A_396, %dma_wait3A_490] : memref<8192x256xf32, #tpu.memory_space<hbm>> -> memref<16x256xf32, #tpu.memory_space<hbm>>
        tpu.wait_dma2 semaphore(%dma_wait3A_485 : memref<!tpu.dma_semaphore, #tpu.memory_space<semaphore_mem>>) src(%dma_wait3A_491 : memref<16x256xf32, #tpu.memory_space<hbm>>) dst(%dma_wait3A_489 : memref<16x256xf32, #tpu.memory_space<vmem>>)
        %dma_wait3A_492 = arith.constant 0 : i32
        %dma_wait3A_493 = arith.constant 0 : i32
        %dma_wait3A_494 = arith.constant 0 : i32
        %dma_wait3A_495 = arith.constant 0 : i32
        %dma_wait3A_496 = tpu.memref_slice %arg8[%dma_wait3A_492, %dma_wait3A_494, %dma_wait3A_495] : memref<24x16x256xf32, #tpu.memory_space<vmem>> -> memref<1x16x256xf32, #tpu.memory_space<vmem>>
        %dma_wait3A_497 = tpu.memref_squeeze %dma_wait3A_496 : memref<1x16x256xf32, #tpu.memory_space<vmem>> -> memref<16x256xf32, #tpu.memory_space<vmem>>
        %dma_wait3A_498 = arith.constant 0 : i32
        %dma_wait3A_499 = tpu.memref_slice %arg3[%add3A_396, %dma_wait3A_498] : memref<8192x256xf32, #tpu.memory_space<hbm>> -> memref<16x256xf32, #tpu.memory_space<hbm>>
        %dma_wait3A_500 = tpu.memref_slice %arg12[%dma_wait3A_493] : memref<6x!tpu.dma_semaphore, #tpu.memory_space<semaphore_mem>> -> memref<1x!tpu.dma_semaphore, #tpu.memory_space<semaphore_mem>>
        %dma_wait3A_501 = tpu.memref_squeeze %dma_wait3A_500 : memref<1x!tpu.dma_semaphore, #tpu.memory_space<semaphore_mem>> -> memref<!tpu.dma_semaphore, #tpu.memory_space<semaphore_mem>>
        %dma_wait3A_502 = arith.constant 0 : i32
        %dma_wait3A_503 = arith.constant 0 : i32
        %dma_wait3A_504 = tpu.memref_slice %arg8[%dma_wait3A_492, %dma_wait3A_502, %dma_wait3A_503] : memref<24x16x256xf32, #tpu.memory_space<vmem>> -> memref<1x16x256xf32, #tpu.memory_space<vmem>>
        %dma_wait3A_505 = tpu.memref_squeeze %dma_wait3A_504 : memref<1x16x256xf32, #tpu.memory_space<vmem>> -> memref<16x256xf32, #tpu.memory_space<vmem>>
        %dma_wait3A_506 = arith.constant 0 : i32
        %dma_wait3A_507 = tpu.memref_slice %arg3[%add3A_396, %dma_wait3A_506] : memref<8192x256xf32, #tpu.memory_space<hbm>> -> memref<16x256xf32, #tpu.memory_space<hbm>>
        tpu.wait_dma2 semaphore(%dma_wait3A_501 : memref<!tpu.dma_semaphore, #tpu.memory_space<semaphore_mem>>) src(%dma_wait3A_507 : memref<16x256xf32, #tpu.memory_space<hbm>>) dst(%dma_wait3A_505 : memref<16x256xf32, #tpu.memory_space<vmem>>)
        %scan3A_508 = arith.constant 0 : i32
        %scan3A_509 = arith.constant 0 : i32
        %scan3A_510 = arith.constant 16 : i32
        %scan3A_511 = arith.addi %scan3A_509, %scan3A_510 : i32
        %scan3A_512 = arith.constant 1 : i32
        scf.for %scan3A_546 = %scan3A_509 to %scan3A_511 step %scan3A_512  : i32 {
          %get3A_547 = arith.constant 0 : i32
          %get3A_548 = arith.index_cast %get3A_547 : i32 to index
          %get3A_549 = arith.index_cast %scan3A_546 : i32 to index
          %get3A_550 = arith.constant 0 : index
          %get3A_551 = tpu.vector_load %arg8[%get3A_548, %get3A_549, %get3A_550] {strides = array<i32>} : memref<24x16x256xf32, #tpu.memory_space<vmem>>, vector<1x1x16xf32>,
          %get3A_552 = vector.shape_cast %get3A_551 : vector<1x1x16xf32> to vector<16xf32>
          %mul3A_553 = vector.broadcast %squeeze3A_367 : f32 to vector<16xf32>
          %mul3A_554 = arith.mulf %mul3A_553, %get3A_552 : vector<16xf32>
          %get3A_555 = arith.constant 1 : i32
          %get3A_556 = arith.index_cast %get3A_555 : i32 to index
          %get3A_557 = arith.index_cast %scan3A_546 : i32 to index
          %get3A_558 = arith.constant 0 : index
          %get3A_559 = tpu.vector_load %arg8[%get3A_556, %get3A_557, %get3A_558] {strides = array<i32>} : memref<24x16x256xf32, #tpu.memory_space<vmem>>, vector<1x1x16xf32>,
          %get3A_560 = vector.shape_cast %get3A_559 : vector<1x1x16xf32> to vector<16xf32>
          %mul3A_561 = vector.broadcast %squeeze3A_369 : f32 to vector<16xf32>
          %mul3A_562 = arith.mulf %mul3A_561, %get3A_560 : vector<16xf32>
          %add3A_563 = arith.addf %mul3A_554, %mul3A_562 : vector<16xf32>
          %get3A_564 = arith.constant 2 : i32
          %get3A_565 = arith.index_cast %get3A_564 : i32 to index
          %get3A_566 = arith.index_cast %scan3A_546 : i32 to index
          %get3A_567 = arith.constant 0 : index
          %get3A_568 = tpu.vector_load %arg8[%get3A_565, %get3A_566, %get3A_567] {strides = array<i32>} : memref<24x16x256xf32, #tpu.memory_space<vmem>>, vector<1x1x16xf32>,
          %get3A_569 = vector.shape_cast %get3A_568 : vector<1x1x16xf32> to vector<16xf32>
          %mul3A_570 = vector.broadcast %squeeze3A_371 : f32 to vector<16xf32>
          %mul3A_571 = arith.mulf %mul3A_570, %get3A_569 : vector<16xf32>
          %add3A_572 = arith.addf %add3A_563, %mul3A_571 : vector<16xf32>
          %swap3A_573 = arith.constant 3 : i32
          %swap3A_574 = arith.index_cast %swap3A_573 : i32 to index
          %swap3A_575 = arith.index_cast %scan3A_546 : i32 to index
          %swap3A_576 = arith.constant 0 : index
          %swap3A_577 = tpu.vector_load %arg8[%swap3A_574, %swap3A_575, %swap3A_576] {strides = array<i32>} : memref<24x16x256xf32, #tpu.memory_space<vmem>>, vector<1x1x16xf32>,
          %swap3A_578 = vector.shape_cast %swap3A_577 : vector<1x1x16xf32> to vector<16xf32>
          %swap3A_579 = vector.shape_cast %add3A_572 : vector<16xf32> to vector<1x1x16xf32>
          tpu.vector_store %arg8[%swap3A_574, %swap3A_575, %swap3A_576], %swap3A_579 {strides = array<i32>} : memref<24x16x256xf32, #tpu.memory_space<vmem>>, vector<1x1x16xf32>,
          %get3A_580 = arith.constant 0 : i32
          %get3A_581 = arith.index_cast %get3A_580 : i32 to index
          %get3A_582 = arith.index_cast %scan3A_546 : i32 to index
          %get3A_583 = arith.constant 16 : index
          %get3A_584 = tpu.vector_load %arg8[%get3A_581, %get3A_582, %get3A_583] {strides = array<i32>} : memref<24x16x256xf32, #tpu.memory_space<vmem>>, vector<1x1x16xf32>,
          %get3A_585 = vector.shape_cast %get3A_584 : vector<1x1x16xf32> to vector<16xf32>
          %mul3A_586 = vector.broadcast %squeeze3A_367 : f32 to vector<16xf32>
          %mul3A_587 = arith.mulf %mul3A_586, %get3A_585 : vector<16xf32>
          %get3A_588 = arith.constant 1 : i32
          %get3A_589 = arith.index_cast %get3A_588 : i32 to index
          %get3A_590 = arith.index_cast %scan3A_546 : i32 to index
          %get3A_591 = arith.constant 16 : index
          %get3A_592 = tpu.vector_load %arg8[%get3A_589, %get3A_590, %get3A_591] {strides = array<i32>} : memref<24x16x256xf32, #tpu.memory_space<vmem>>, vector<1x1x16xf32>,
          %get3A_593 = vector.shape_cast %get3A_592 : vector<1x1x16xf32> to vector<16xf32>
          %mul3A_594 = vector.broadcast %squeeze3A_369 : f32 to vector<16xf32>
          %mul3A_595 = arith.mulf %mul3A_594, %get3A_593 : vector<16xf32>
          %add3A_596 = arith.addf %mul3A_587, %mul3A_595 : vector<16xf32>
          %get3A_597 = arith.constant 2 : i32
          %get3A_598 = arith.index_cast %get3A_597 : i32 to index
          %get3A_599 = arith.index_cast %scan3A_546 : i32 to index
          %get3A_600 = arith.constant 16 : index
          %get3A_601 = tpu.vector_load %arg8[%get3A_598, %get3A_599, %get3A_600] {strides = array<i32>} : memref<24x16x256xf32, #tpu.memory_space<vmem>>, vector<1x1x16xf32>,
          %get3A_602 = vector.shape_cast %get3A_601 : vector<1x1x16xf32> to vector<16xf32>
          %mul3A_603 = vector.broadcast %squeeze3A_371 : f32 to vector<16xf32>
          %mul3A_604 = arith.mulf %mul3A_603, %get3A_602 : vector<16xf32>
          %add3A_605 = arith.addf %add3A_596, %mul3A_604 : vector<16xf32>
          %swap3A_606 = arith.constant 3 : i32
          %swap3A_607 = arith.index_cast %swap3A_606 : i32 to index
          %swap3A_608 = arith.index_cast %scan3A_546 : i32 to index
          %swap3A_609 = arith.constant 16 : index
          %swap3A_610 = tpu.vector_load %arg8[%swap3A_607, %swap3A_608, %swap3A_609] {strides = array<i32>} : memref<24x16x256xf32, #tpu.memory_space<vmem>>, vector<1x1x16xf32>,
          %swap3A_611 = vector.shape_cast %swap3A_610 : vector<1x1x16xf32> to vector<16xf32>
          %swap3A_612 = vector.shape_cast %add3A_605 : vector<16xf32> to vector<1x1x16xf32>
          tpu.vector_store %arg8[%swap3A_607, %swap3A_608, %swap3A_609], %swap3A_612 {strides = array<i32>} : memref<24x16x256xf32, #tpu.memory_space<vmem>>, vector<1x1x16xf32>,
          %get3A_613 = arith.constant 0 : i32
          %get3A_614 = arith.index_cast %get3A_613 : i32 to index
          %get3A_615 = arith.index_cast %scan3A_546 : i32 to index
          %get3A_616 = arith.constant 32 : index
          %get3A_617 = tpu.vector_load %arg8[%get3A_614, %get3A_615, %get3A_616] {strides = array<i32>} : memref<24x16x256xf32, #tpu.memory_space<vmem>>, vector<1x1x16xf32>,
          %get3A_618 = vector.shape_cast %get3A_617 : vector<1x1x16xf32> to vector<16xf32>
          %mul3A_619 = vector.broadcast %squeeze3A_367 : f32 to vector<16xf32>
          %mul3A_620 = arith.mulf %mul3A_619, %get3A_618 : vector<16xf32>
          %get3A_621 = arith.constant 1 : i32
          %get3A_622 = arith.index_cast %get3A_621 : i32 to index
          %get3A_623 = arith.index_cast %scan3A_546 : i32 to index
          %get3A_624 = arith.constant 32 : index
          %get3A_625 = tpu.vector_load %arg8[%get3A_622, %get3A_623, %get3A_624] {strides = array<i32>} : memref<24x16x256xf32, #tpu.memory_space<vmem>>, vector<1x1x16xf32>,
          %get3A_626 = vector.shape_cast %get3A_625 : vector<1x1x16xf32> to vector<16xf32>
          %mul3A_627 = vector.broadcast %squeeze3A_369 : f32 to vector<16xf32>
          %mul3A_628 = arith.mulf %mul3A_627, %get3A_626 : vector<16xf32>
          %add3A_629 = arith.addf %mul3A_620, %mul3A_628 : vector<16xf32>
          %get3A_630 = arith.constant 2 : i32
          %get3A_631 = arith.index_cast %get3A_630 : i32 to index
          %get3A_632 = arith.index_cast %scan3A_546 : i32 to index
          %get3A_633 = arith.constant 32 : index
          %get3A_634 = tpu.vector_load %arg8[%get3A_631, %get3A_632, %get3A_633] {strides = array<i32>} : memref<24x16x256xf32, #tpu.memory_space<vmem>>, vector<1x1x16xf32>,
          %get3A_635 = vector.shape_cast %get3A_634 : vector<1x1x16xf32> to vector<16xf32>
          %mul3A_636 = vector.broadcast %squeeze3A_371 : f32 to vector<16xf32>
          %mul3A_637 = arith.mulf %mul3A_636, %get3A_635 : vector<16xf32>
          %add3A_638 = arith.addf %add3A_629, %mul3A_637 : vector<16xf32>
          %swap3A_639 = arith.constant 3 : i32
          %swap3A_640 = arith.index_cast %swap3A_639 : i32 to index
          %swap3A_641 = arith.index_cast %scan3A_546 : i32 to index
          %swap3A_642 = arith.constant 32 : index
          %swap3A_643 = tpu.vector_load %arg8[%swap3A_640, %swap3A_641, %swap3A_642] {strides = array<i32>} : memref<24x16x256xf32, #tpu.memory_space<vmem>>, vector<1x1x16xf32>,
          %swap3A_644 = vector.shape_cast %swap3A_643 : vector<1x1x16xf32> to vector<16xf32>
          %swap3A_645 = vector.shape_cast %add3A_638 : vector<16xf32> to vector<1x1x16xf32>
          tpu.vector_store %arg8[%swap3A_640, %swap3A_641, %swap3A_642], %swap3A_645 {strides = array<i32>} : memref<24x16x256xf32, #tpu.memory_space<vmem>>, vector<1x1x16xf32>,
          %get3A_646 = arith.constant 0 : i32
          %get3A_647 = arith.index_cast %get3A_646 : i32 to index
          %get3A_648 = arith.index_cast %scan3A_546 : i32 to index
          %get3A_649 = arith.constant 48 : index
          %get3A_650 = tpu.vector_load %arg8[%get3A_647, %get3A_648, %get3A_649] {strides = array<i32>} : memref<24x16x256xf32, #tpu.memory_space<vmem>>, vector<1x1x16xf32>,
          %get3A_651 = vector.shape_cast %get3A_650 : vector<1x1x16xf32> to vector<16xf32>
          %mul3A_652 = vector.broadcast %squeeze3A_367 : f32 to vector<16xf32>
          %mul3A_653 = arith.mulf %mul3A_652, %get3A_651 : vector<16xf32>
          %get3A_654 = arith.constant 1 : i32
          %get3A_655 = arith.index_cast %get3A_654 : i32 to index
          %get3A_656 = arith.index_cast %scan3A_546 : i32 to index
          %get3A_657 = arith.constant 48 : index
          %get3A_658 = tpu.vector_load %arg8[%get3A_655, %get3A_656, %get3A_657] {strides = array<i32>} : memref<24x16x256xf32, #tpu.memory_space<vmem>>, vector<1x1x16xf32>,
          %get3A_659 = vector.shape_cast %get3A_658 : vector<1x1x16xf32> to vector<16xf32>
          %mul3A_660 = vector.broadcast %squeeze3A_369 : f32 to vector<16xf32>
          %mul3A_661 = arith.mulf %mul3A_660, %get3A_659 : vector<16xf32>
          %add3A_662 = arith.addf %mul3A_653, %mul3A_661 : vector<16xf32>
          %get3A_663 = arith.constant 2 : i32
          %get3A_664 = arith.index_cast %get3A_663 : i32 to index
          %get3A_665 = arith.index_cast %scan3A_546 : i32 to index
          %get3A_666 = arith.constant 48 : index
          %get3A_667 = tpu.vector_load %arg8[%get3A_664, %get3A_665, %get3A_666] {strides = array<i32>} : memref<24x16x256xf32, #tpu.memory_space<vmem>>, vector<1x1x16xf32>,
          %get3A_668 = vector.shape_cast %get3A_667 : vector<1x1x16xf32> to vector<16xf32>
          %mul3A_669 = vector.broadcast %squeeze3A_371 : f32 to vector<16xf32>
          %mul3A_670 = arith.mulf %mul3A_669, %get3A_668 : vector<16xf32>
          %add3A_671 = arith.addf %add3A_662, %mul3A_670 : vector<16xf32>
          %swap3A_672 = arith.constant 3 : i32
          %swap3A_673 = arith.index_cast %swap3A_672 : i32 to index
          %swap3A_674 = arith.index_cast %scan3A_546 : i32 to index
          %swap3A_675 = arith.constant 48 : index
          %swap3A_676 = tpu.vector_load %arg8[%swap3A_673, %swap3A_674, %swap3A_675] {strides = array<i32>} : memref<24x16x256xf32, #tpu.memory_space<vmem>>, vector<1x1x16xf32>,
          %swap3A_677 = vector.shape_cast %swap3A_676 : vector<1x1x16xf32> to vector<16xf32>
          %swap3A_678 = vector.shape_cast %add3A_671 : vector<16xf32> to vector<1x1x16xf32>
          tpu.vector_store %arg8[%swap3A_673, %swap3A_674, %swap3A_675], %swap3A_678 {strides = array<i32>} : memref<24x16x256xf32, #tpu.memory_space<vmem>>, vector<1x1x16xf32>,
          %get3A_679 = arith.constant 0 : i32
          %get3A_680 = arith.index_cast %get3A_679 : i32 to index
          %get3A_681 = arith.index_cast %scan3A_546 : i32 to index
          %get3A_682 = arith.constant 64 : index
          %get3A_683 = tpu.vector_load %arg8[%get3A_680, %get3A_681, %get3A_682] {strides = array<i32>} : memref<24x16x256xf32, #tpu.memory_space<vmem>>, vector<1x1x16xf32>,
          %get3A_684 = vector.shape_cast %get3A_683 : vector<1x1x16xf32> to vector<16xf32>
          %mul3A_685 = vector.broadcast %squeeze3A_367 : f32 to vector<16xf32>
          %mul3A_686 = arith.mulf %mul3A_685, %get3A_684 : vector<16xf32>
          %get3A_687 = arith.constant 1 : i32
          %get3A_688 = arith.index_cast %get3A_687 : i32 to index
          %get3A_689 = arith.index_cast %scan3A_546 : i32 to index
          %get3A_690 = arith.constant 64 : index
          %get3A_691 = tpu.vector_load %arg8[%get3A_688, %get3A_689, %get3A_690] {strides = array<i32>} : memref<24x16x256xf32, #tpu.memory_space<vmem>>, vector<1x1x16xf32>,
          %get3A_692 = vector.shape_cast %get3A_691 : vector<1x1x16xf32> to vector<16xf32>
          %mul3A_693 = vector.broadcast %squeeze3A_369 : f32 to vector<16xf32>
          %mul3A_694 = arith.mulf %mul3A_693, %get3A_692 : vector<16xf32>
          %add3A_695 = arith.addf %mul3A_686, %mul3A_694 : vector<16xf32>
          %get3A_696 = arith.constant 2 : i32
          %get3A_697 = arith.index_cast %get3A_696 : i32 to index
          %get3A_698 = arith.index_cast %scan3A_546 : i32 to index
          %get3A_699 = arith.constant 64 : index
          %get3A_700 = tpu.vector_load %arg8[%get3A_697, %get3A_698, %get3A_699] {strides = array<i32>} : memref<24x16x256xf32, #tpu.memory_space<vmem>>, vector<1x1x16xf32>,
          %get3A_701 = vector.shape_cast %get3A_700 : vector<1x1x16xf32> to vector<16xf32>
          %mul3A_702 = vector.broadcast %squeeze3A_371 : f32 to vector<16xf32>
          %mul3A_703 = arith.mulf %mul3A_702, %get3A_701 : vector<16xf32>
          %add3A_704 = arith.addf %add3A_695, %mul3A_703 : vector<16xf32>
          %swap3A_705 = arith.constant 3 : i32
          %swap3A_706 = arith.index_cast %swap3A_705 : i32 to index
          %swap3A_707 = arith.index_cast %scan3A_546 : i32 to index
          %swap3A_708 = arith.constant 64 : index
          %swap3A_709 = tpu.vector_load %arg8[%swap3A_706, %swap3A_707, %swap3A_708] {strides = array<i32>} : memref<24x16x256xf32, #tpu.memory_space<vmem>>, vector<1x1x16xf32>,
          %swap3A_710 = vector.shape_cast %swap3A_709 : vector<1x1x16xf32> to vector<16xf32>
          %swap3A_711 = vector.shape_cast %add3A_704 : vector<16xf32> to vector<1x1x16xf32>
          tpu.vector_store %arg8[%swap3A_706, %swap3A_707, %swap3A_708], %swap3A_711 {strides = array<i32>} : memref<24x16x256xf32, #tpu.memory_space<vmem>>, vector<1x1x16xf32>,
          %get3A_712 = arith.constant 0 : i32
          %get3A_713 = arith.index_cast %get3A_712 : i32 to index
          %get3A_714 = arith.index_cast %scan3A_546 : i32 to index
          %get3A_715 = arith.constant 80 : index
          %get3A_716 = tpu.vector_load %arg8[%get3A_713, %get3A_714, %get3A_715] {strides = array<i32>} : memref<24x16x256xf32, #tpu.memory_space<vmem>>, vector<1x1x16xf32>,
          %get3A_717 = vector.shape_cast %get3A_716 : vector<1x1x16xf32> to vector<16xf32>
          %mul3A_718 = vector.broadcast %squeeze3A_367 : f32 to vector<16xf32>
          %mul3A_719 = arith.mulf %mul3A_718, %get3A_717 : vector<16xf32>
          %get3A_720 = arith.constant 1 : i32
          %get3A_721 = arith.index_cast %get3A_720 : i32 to index
          %get3A_722 = arith.index_cast %scan3A_546 : i32 to index
          %get3A_723 = arith.constant 80 : index
          %get3A_724 = tpu.vector_load %arg8[%get3A_721, %get3A_722, %get3A_723] {strides = array<i32>} : memref<24x16x256xf32, #tpu.memory_space<vmem>>, vector<1x1x16xf32>,
          %get3A_725 = vector.shape_cast %get3A_724 : vector<1x1x16xf32> to vector<16xf32>
          %mul3A_726 = vector.broadcast %squeeze3A_369 : f32 to vector<16xf32>
          %mul3A_727 = arith.mulf %mul3A_726, %get3A_725 : vector<16xf32>
          %add3A_728 = arith.addf %mul3A_719, %mul3A_727 : vector<16xf32>
          %get3A_729 = arith.constant 2 : i32
          %get3A_730 = arith.index_cast %get3A_729 : i32 to index
          %get3A_731 = arith.index_cast %scan3A_546 : i32 to index
          %get3A_732 = arith.constant 80 : index
          %get3A_733 = tpu.vector_load %arg8[%get3A_730, %get3A_731, %get3A_732] {strides = array<i32>} : memref<24x16x256xf32, #tpu.memory_space<vmem>>, vector<1x1x16xf32>,
          %get3A_734 = vector.shape_cast %get3A_733 : vector<1x1x16xf32> to vector<16xf32>
          %mul3A_735 = vector.broadcast %squeeze3A_371 : f32 to vector<16xf32>
          %mul3A_736 = arith.mulf %mul3A_735, %get3A_734 : vector<16xf32>
          %add3A_737 = arith.addf %add3A_728, %mul3A_736 : vector<16xf32>
          %swap3A_738 = arith.constant 3 : i32
          %swap3A_739 = arith.index_cast %swap3A_738 : i32 to index
          %swap3A_740 = arith.index_cast %scan3A_546 : i32 to index
          %swap3A_741 = arith.constant 80 : index
          %swap3A_742 = tpu.vector_load %arg8[%swap3A_739, %swap3A_740, %swap3A_741] {strides = array<i32>} : memref<24x16x256xf32, #tpu.memory_space<vmem>>, vector<1x1x16xf32>,
          %swap3A_743 = vector.shape_cast %swap3A_742 : vector<1x1x16xf32> to vector<16xf32>
          %swap3A_744 = vector.shape_cast %add3A_737 : vector<16xf32> to vector<1x1x16xf32>
          tpu.vector_store %arg8[%swap3A_739, %swap3A_740, %swap3A_741], %swap3A_744 {strides = array<i32>} : memref<24x16x256xf32, #tpu.memory_space<vmem>>, vector<1x1x16xf32>,
          %get3A_745 = arith.constant 0 : i32
          %get3A_746 = arith.index_cast %get3A_745 : i32 to index
          %get3A_747 = arith.index_cast %scan3A_546 : i32 to index
          %get3A_748 = arith.constant 96 : index
          %get3A_749 = tpu.vector_load %arg8[%get3A_746, %get3A_747, %get3A_748] {strides = array<i32>} : memref<24x16x256xf32, #tpu.memory_space<vmem>>, vector<1x1x16xf32>,
          %get3A_750 = vector.shape_cast %get3A_749 : vector<1x1x16xf32> to vector<16xf32>
          %mul3A_751 = vector.broadcast %squeeze3A_367 : f32 to vector<16xf32>
          %mul3A_752 = arith.mulf %mul3A_751, %get3A_750 : vector<16xf32>
          %get3A_753 = arith.constant 1 : i32
          %get3A_754 = arith.index_cast %get3A_753 : i32 to index
          %get3A_755 = arith.index_cast %scan3A_546 : i32 to index
          %get3A_756 = arith.constant 96 : index
          %get3A_757 = tpu.vector_load %arg8[%get3A_754, %get3A_755, %get3A_756] {strides = array<i32>} : memref<24x16x256xf32, #tpu.memory_space<vmem>>, vector<1x1x16xf32>,
          %get3A_758 = vector.shape_cast %get3A_757 : vector<1x1x16xf32> to vector<16xf32>
          %mul3A_759 = vector.broadcast %squeeze3A_369 : f32 to vector<16xf32>
          %mul3A_760 = arith.mulf %mul3A_759, %get3A_758 : vector<16xf32>
          %add3A_761 = arith.addf %mul3A_752, %mul3A_760 : vector<16xf32>
          %get3A_762 = arith.constant 2 : i32
          %get3A_763 = arith.index_cast %get3A_762 : i32 to index
          %get3A_764 = arith.index_cast %scan3A_546 : i32 to index
          %get3A_765 = arith.constant 96 : index
          %get3A_766 = tpu.vector_load %arg8[%get3A_763, %get3A_764, %get3A_765] {strides = array<i32>} : memref<24x16x256xf32, #tpu.memory_space<vmem>>, vector<1x1x16xf32>,
          %get3A_767 = vector.shape_cast %get3A_766 : vector<1x1x16xf32> to vector<16xf32>
          %mul3A_768 = vector.broadcast %squeeze3A_371 : f32 to vector<16xf32>
          %mul3A_769 = arith.mulf %mul3A_768, %get3A_767 : vector<16xf32>
          %add3A_770 = arith.addf %add3A_761, %mul3A_769 : vector<16xf32>
          %swap3A_771 = arith.constant 3 : i32
          %swap3A_772 = arith.index_cast %swap3A_771 : i32 to index
          %swap3A_773 = arith.index_cast %scan3A_546 : i32 to index
          %swap3A_774 = arith.constant 96 : index
          %swap3A_775 = tpu.vector_load %arg8[%swap3A_772, %swap3A_773, %swap3A_774] {strides = array<i32>} : memref<24x16x256xf32, #tpu.memory_space<vmem>>, vector<1x1x16xf32>,
          %swap3A_776 = vector.shape_cast %swap3A_775 : vector<1x1x16xf32> to vector<16xf32>
          %swap3A_777 = vector.shape_cast %add3A_770 : vector<16xf32> to vector<1x1x16xf32>
          tpu.vector_store %arg8[%swap3A_772, %swap3A_773, %swap3A_774], %swap3A_777 {strides = array<i32>} : memref<24x16x256xf32, #tpu.memory_space<vmem>>, vector<1x1x16xf32>,
          %get3A_778 = arith.constant 0 : i32
          %get3A_779 = arith.index_cast %get3A_778 : i32 to index
          %get3A_780 = arith.index_cast %scan3A_546 : i32 to index
          %get3A_781 = arith.constant 112 : index
          %get3A_782 = tpu.vector_load %arg8[%get3A_779, %get3A_780, %get3A_781] {strides = array<i32>} : memref<24x16x256xf32, #tpu.memory_space<vmem>>, vector<1x1x16xf32>,
          %get3A_783 = vector.shape_cast %get3A_782 : vector<1x1x16xf32> to vector<16xf32>
          %mul3A_784 = vector.broadcast %squeeze3A_367 : f32 to vector<16xf32>
          %mul3A_785 = arith.mulf %mul3A_784, %get3A_783 : vector<16xf32>
          %get3A_786 = arith.constant 1 : i32
          %get3A_787 = arith.index_cast %get3A_786 : i32 to index
          %get3A_788 = arith.index_cast %scan3A_546 : i32 to index
          %get3A_789 = arith.constant 112 : index
          %get3A_790 = tpu.vector_load %arg8[%get3A_787, %get3A_788, %get3A_789] {strides = array<i32>} : memref<24x16x256xf32, #tpu.memory_space<vmem>>, vector<1x1x16xf32>,
          %get3A_791 = vector.shape_cast %get3A_790 : vector<1x1x16xf32> to vector<16xf32>
          %mul3A_792 = vector.broadcast %squeeze3A_369 : f32 to vector<16xf32>
          %mul3A_793 = arith.mulf %mul3A_792, %get3A_791 : vector<16xf32>
          %add3A_794 = arith.addf %mul3A_785, %mul3A_793 : vector<16xf32>
          %get3A_795 = arith.constant 2 : i32
          %get3A_796 = arith.index_cast %get3A_795 : i32 to index
          %get3A_797 = arith.index_cast %scan3A_546 : i32 to index
          %get3A_798 = arith.constant 112 : index
          %get3A_799 = tpu.vector_load %arg8[%get3A_796, %get3A_797, %get3A_798] {strides = array<i32>} : memref<24x16x256xf32, #tpu.memory_space<vmem>>, vector<1x1x16xf32>,
          %get3A_800 = vector.shape_cast %get3A_799 : vector<1x1x16xf32> to vector<16xf32>
          %mul3A_801 = vector.broadcast %squeeze3A_371 : f32 to vector<16xf32>
          %mul3A_802 = arith.mulf %mul3A_801, %get3A_800 : vector<16xf32>
          %add3A_803 = arith.addf %add3A_794, %mul3A_802 : vector<16xf32>
          %swap3A_804 = arith.constant 3 : i32
          %swap3A_805 = arith.index_cast %swap3A_804 : i32 to index
          %swap3A_806 = arith.index_cast %scan3A_546 : i32 to index
          %swap3A_807 = arith.constant 112 : index
          %swap3A_808 = tpu.vector_load %arg8[%swap3A_805, %swap3A_806, %swap3A_807] {strides = array<i32>} : memref<24x16x256xf32, #tpu.memory_space<vmem>>, vector<1x1x16xf32>,
          %swap3A_809 = vector.shape_cast %swap3A_808 : vector<1x1x16xf32> to vector<16xf32>
          %swap3A_810 = vector.shape_cast %add3A_803 : vector<16xf32> to vector<1x1x16xf32>
          tpu.vector_store %arg8[%swap3A_805, %swap3A_806, %swap3A_807], %swap3A_810 {strides = array<i32>} : memref<24x16x256xf32, #tpu.memory_space<vmem>>, vector<1x1x16xf32>,
          %get3A_811 = arith.constant 0 : i32
          %get3A_812 = arith.index_cast %get3A_811 : i32 to index
          %get3A_813 = arith.index_cast %scan3A_546 : i32 to index
          %get3A_814 = arith.constant 128 : index
          %get3A_815 = tpu.vector_load %arg8[%get3A_812, %get3A_813, %get3A_814] {strides = array<i32>} : memref<24x16x256xf32, #tpu.memory_space<vmem>>, vector<1x1x16xf32>,
          %get3A_816 = vector.shape_cast %get3A_815 : vector<1x1x16xf32> to vector<16xf32>
          %mul3A_817 = vector.broadcast %squeeze3A_367 : f32 to vector<16xf32>
          %mul3A_818 = arith.mulf %mul3A_817, %get3A_816 : vector<16xf32>
          %get3A_819 = arith.constant 1 : i32
          %get3A_820 = arith.index_cast %get3A_819 : i32 to index
          %get3A_821 = arith.index_cast %scan3A_546 : i32 to index
          %get3A_822 = arith.constant 128 : index
          %get3A_823 = tpu.vector_load %arg8[%get3A_820, %get3A_821, %get3A_822] {strides = array<i32>} : memref<24x16x256xf32, #tpu.memory_space<vmem>>, vector<1x1x16xf32>,
          %get3A_824 = vector.shape_cast %get3A_823 : vector<1x1x16xf32> to vector<16xf32>
          %mul3A_825 = vector.broadcast %squeeze3A_369 : f32 to vector<16xf32>
          %mul3A_826 = arith.mulf %mul3A_825, %get3A_824 : vector<16xf32>
          %add3A_827 = arith.addf %mul3A_818, %mul3A_826 : vector<16xf32>
          %get3A_828 = arith.constant 2 : i32
          %get3A_829 = arith.index_cast %get3A_828 : i32 to index
          %get3A_830 = arith.index_cast %scan3A_546 : i32 to index
          %get3A_831 = arith.constant 128 : index
          %get3A_832 = tpu.vector_load %arg8[%get3A_829, %get3A_830, %get3A_831] {strides = array<i32>} : memref<24x16x256xf32, #tpu.memory_space<vmem>>, vector<1x1x16xf32>,
          %get3A_833 = vector.shape_cast %get3A_832 : vector<1x1x16xf32> to vector<16xf32>
          %mul3A_834 = vector.broadcast %squeeze3A_371 : f32 to vector<16xf32>
          %mul3A_835 = arith.mulf %mul3A_834, %get3A_833 : vector<16xf32>
          %add3A_836 = arith.addf %add3A_827, %mul3A_835 : vector<16xf32>
          %swap3A_837 = arith.constant 3 : i32
          %swap3A_838 = arith.index_cast %swap3A_837 : i32 to index
          %swap3A_839 = arith.index_cast %scan3A_546 : i32 to index
          %swap3A_840 = arith.constant 128 : index
          %swap3A_841 = tpu.vector_load %arg8[%swap3A_838, %swap3A_839, %swap3A_840] {strides = array<i32>} : memref<24x16x256xf32, #tpu.memory_space<vmem>>, vector<1x1x16xf32>,
          %swap3A_842 = vector.shape_cast %swap3A_841 : vector<1x1x16xf32> to vector<16xf32>
          %swap3A_843 = vector.shape_cast %add3A_836 : vector<16xf32> to vector<1x1x16xf32>
          tpu.vector_store %arg8[%swap3A_838, %swap3A_839, %swap3A_840], %swap3A_843 {strides = array<i32>} : memref<24x16x256xf32, #tpu.memory_space<vmem>>, vector<1x1x16xf32>,
          %get3A_844 = arith.constant 0 : i32
          %get3A_845 = arith.index_cast %get3A_844 : i32 to index
          %get3A_846 = arith.index_cast %scan3A_546 : i32 to index
          %get3A_847 = arith.constant 144 : index
          %get3A_848 = tpu.vector_load %arg8[%get3A_845, %get3A_846, %get3A_847] {strides = array<i32>} : memref<24x16x256xf32, #tpu.memory_space<vmem>>, vector<1x1x16xf32>,
          %get3A_849 = vector.shape_cast %get3A_848 : vector<1x1x16xf32> to vector<16xf32>
          %mul3A_850 = vector.broadcast %squeeze3A_367 : f32 to vector<16xf32>
          %mul3A_851 = arith.mulf %mul3A_850, %get3A_849 : vector<16xf32>
          %get3A_852 = arith.constant 1 : i32
          %get3A_853 = arith.index_cast %get3A_852 : i32 to index
          %get3A_854 = arith.index_cast %scan3A_546 : i32 to index
          %get3A_855 = arith.constant 144 : index
          %get3A_856 = tpu.vector_load %arg8[%get3A_853, %get3A_854, %get3A_855] {strides = array<i32>} : memref<24x16x256xf32, #tpu.memory_space<vmem>>, vector<1x1x16xf32>,
          %get3A_857 = vector.shape_cast %get3A_856 : vector<1x1x16xf32> to vector<16xf32>
          %mul3A_858 = vector.broadcast %squeeze3A_369 : f32 to vector<16xf32>
          %mul3A_859 = arith.mulf %mul3A_858, %get3A_857 : vector<16xf32>
          %add3A_860 = arith.addf %mul3A_851, %mul3A_859 : vector<16xf32>
          %get3A_861 = arith.constant 2 : i32
          %get3A_862 = arith.index_cast %get3A_861 : i32 to index
          %get3A_863 = arith.index_cast %scan3A_546 : i32 to index
          %get3A_864 = arith.constant 144 : index
          %get3A_865 = tpu.vector_load %arg8[%get3A_862, %get3A_863, %get3A_864] {strides = array<i32>} : memref<24x16x256xf32, #tpu.memory_space<vmem>>, vector<1x1x16xf32>,
          %get3A_866 = vector.shape_cast %get3A_865 : vector<1x1x16xf32> to vector<16xf32>
          %mul3A_867 = vector.broadcast %squeeze3A_371 : f32 to vector<16xf32>
          %mul3A_868 = arith.mulf %mul3A_867, %get3A_866 : vector<16xf32>
          %add3A_869 = arith.addf %add3A_860, %mul3A_868 : vector<16xf32>
          %swap3A_870 = arith.constant 3 : i32
          %swap3A_871 = arith.index_cast %swap3A_870 : i32 to index
          %swap3A_872 = arith.index_cast %scan3A_546 : i32 to index
          %swap3A_873 = arith.constant 144 : index
          %swap3A_874 = tpu.vector_load %arg8[%swap3A_871, %swap3A_872, %swap3A_873] {strides = array<i32>} : memref<24x16x256xf32, #tpu.memory_space<vmem>>, vector<1x1x16xf32>,
          %swap3A_875 = vector.shape_cast %swap3A_874 : vector<1x1x16xf32> to vector<16xf32>
          %swap3A_876 = vector.shape_cast %add3A_869 : vector<16xf32> to vector<1x1x16xf32>
          tpu.vector_store %arg8[%swap3A_871, %swap3A_872, %swap3A_873], %swap3A_876 {strides = array<i32>} : memref<24x16x256xf32, #tpu.memory_space<vmem>>, vector<1x1x16xf32>,
          %get3A_877 = arith.constant 0 : i32
          %get3A_878 = arith.index_cast %get3A_877 : i32 to index
          %get3A_879 = arith.index_cast %scan3A_546 : i32 to index
          %get3A_880 = arith.constant 160 : index
          %get3A_881 = tpu.vector_load %arg8[%get3A_878, %get3A_879, %get3A_880] {strides = array<i32>} : memref<24x16x256xf32, #tpu.memory_space<vmem>>, vector<1x1x16xf32>,
          %get3A_882 = vector.shape_cast %get3A_881 : vector<1x1x16xf32> to vector<16xf32>
          %mul3A_883 = vector.broadcast %squeeze3A_367 : f32 to vector<16xf32>
          %mul3A_884 = arith.mulf %mul3A_883, %get3A_882 : vector<16xf32>
          %get3A_885 = arith.constant 1 : i32
          %get3A_886 = arith.index_cast %get3A_885 : i32 to index
          %get3A_887 = arith.index_cast %scan3A_546 : i32 to index
          %get3A_888 = arith.constant 160 : index
          %get3A_889 = tpu.vector_load %arg8[%get3A_886, %get3A_887, %get3A_888] {strides = array<i32>} : memref<24x16x256xf32, #tpu.memory_space<vmem>>, vector<1x1x16xf32>,
          %get3A_890 = vector.shape_cast %get3A_889 : vector<1x1x16xf32> to vector<16xf32>
          %mul3A_891 = vector.broadcast %squeeze3A_369 : f32 to vector<16xf32>
          %mul3A_892 = arith.mulf %mul3A_891, %get3A_890 : vector<16xf32>
          %add3A_893 = arith.addf %mul3A_884, %mul3A_892 : vector<16xf32>
          %get3A_894 = arith.constant 2 : i32
          %get3A_895 = arith.index_cast %get3A_894 : i32 to index
          %get3A_896 = arith.index_cast %scan3A_546 : i32 to index
          %get3A_897 = arith.constant 160 : index
          %get3A_898 = tpu.vector_load %arg8[%get3A_895, %get3A_896, %get3A_897] {strides = array<i32>} : memref<24x16x256xf32, #tpu.memory_space<vmem>>, vector<1x1x16xf32>,
          %get3A_899 = vector.shape_cast %get3A_898 : vector<1x1x16xf32> to vector<16xf32>
          %mul3A_900 = vector.broadcast %squeeze3A_371 : f32 to vector<16xf32>
          %mul3A_901 = arith.mulf %mul3A_900, %get3A_899 : vector<16xf32>
          %add3A_902 = arith.addf %add3A_893, %mul3A_901 : vector<16xf32>
          %swap3A_903 = arith.constant 3 : i32
          %swap3A_904 = arith.index_cast %swap3A_903 : i32 to index
          %swap3A_905 = arith.index_cast %scan3A_546 : i32 to index
          %swap3A_906 = arith.constant 160 : index
          %swap3A_907 = tpu.vector_load %arg8[%swap3A_904, %swap3A_905, %swap3A_906] {strides = array<i32>} : memref<24x16x256xf32, #tpu.memory_space<vmem>>, vector<1x1x16xf32>,
          %swap3A_908 = vector.shape_cast %swap3A_907 : vector<1x1x16xf32> to vector<16xf32>
          %swap3A_909 = vector.shape_cast %add3A_902 : vector<16xf32> to vector<1x1x16xf32>
          tpu.vector_store %arg8[%swap3A_904, %swap3A_905, %swap3A_906], %swap3A_909 {strides = array<i32>} : memref<24x16x256xf32, #tpu.memory_space<vmem>>, vector<1x1x16xf32>,
          %get3A_910 = arith.constant 0 : i32
          %get3A_911 = arith.index_cast %get3A_910 : i32 to index
          %get3A_912 = arith.index_cast %scan3A_546 : i32 to index
          %get3A_913 = arith.constant 176 : index
          %get3A_914 = tpu.vector_load %arg8[%get3A_911, %get3A_912, %get3A_913] {strides = array<i32>} : memref<24x16x256xf32, #tpu.memory_space<vmem>>, vector<1x1x16xf32>,
          %get3A_915 = vector.shape_cast %get3A_914 : vector<1x1x16xf32> to vector<16xf32>
          %mul3A_916 = vector.broadcast %squeeze3A_367 : f32 to vector<16xf32>
          %mul3A_917 = arith.mulf %mul3A_916, %get3A_915 : vector<16xf32>
          %get3A_918 = arith.constant 1 : i32
          %get3A_919 = arith.index_cast %get3A_918 : i32 to index
          %get3A_920 = arith.index_cast %scan3A_546 : i32 to index
          %get3A_921 = arith.constant 176 : index
          %get3A_922 = tpu.vector_load %arg8[%get3A_919, %get3A_920, %get3A_921] {strides = array<i32>} : memref<24x16x256xf32, #tpu.memory_space<vmem>>, vector<1x1x16xf32>,
          %get3A_923 = vector.shape_cast %get3A_922 : vector<1x1x16xf32> to vector<16xf32>
          %mul3A_924 = vector.broadcast %squeeze3A_369 : f32 to vector<16xf32>
          %mul3A_925 = arith.mulf %mul3A_924, %get3A_923 : vector<16xf32>
          %add3A_926 = arith.addf %mul3A_917, %mul3A_925 : vector<16xf32>
          %get3A_927 = arith.constant 2 : i32
          %get3A_928 = arith.index_cast %get3A_927 : i32 to index
          %get3A_929 = arith.index_cast %scan3A_546 : i32 to index
          %get3A_930 = arith.constant 176 : index
          %get3A_931 = tpu.vector_load %arg8[%get3A_928, %get3A_929, %get3A_930] {strides = array<i32>} : memref<24x16x256xf32, #tpu.memory_space<vmem>>, vector<1x1x16xf32>,
          %get3A_932 = vector.shape_cast %get3A_931 : vector<1x1x16xf32> to vector<16xf32>
          %mul3A_933 = vector.broadcast %squeeze3A_371 : f32 to vector<16xf32>
          %mul3A_934 = arith.mulf %mul3A_933, %get3A_932 : vector<16xf32>
          %add3A_935 = arith.addf %add3A_926, %mul3A_934 : vector<16xf32>
          %swap3A_936 = arith.constant 3 : i32
          %swap3A_937 = arith.index_cast %swap3A_936 : i32 to index
          %swap3A_938 = arith.index_cast %scan3A_546 : i32 to index
          %swap3A_939 = arith.constant 176 : index
          %swap3A_940 = tpu.vector_load %arg8[%swap3A_937, %swap3A_938, %swap3A_939] {strides = array<i32>} : memref<24x16x256xf32, #tpu.memory_space<vmem>>, vector<1x1x16xf32>,
          %swap3A_941 = vector.shape_cast %swap3A_940 : vector<1x1x16xf32> to vector<16xf32>
          %swap3A_942 = vector.shape_cast %add3A_935 : vector<16xf32> to vector<1x1x16xf32>
          tpu.vector_store %arg8[%swap3A_937, %swap3A_938, %swap3A_939], %swap3A_942 {strides = array<i32>} : memref<24x16x256xf32, #tpu.memory_space<vmem>>, vector<1x1x16xf32>,
          %get3A_943 = arith.constant 0 : i32
          %get3A_944 = arith.index_cast %get3A_943 : i32 to index
          %get3A_945 = arith.index_cast %scan3A_546 : i32 to index
          %get3A_946 = arith.constant 192 : index
          %get3A_947 = tpu.vector_load %arg8[%get3A_944, %get3A_945, %get3A_946] {strides = array<i32>} : memref<24x16x256xf32, #tpu.memory_space<vmem>>, vector<1x1x16xf32>,
          %get3A_948 = vector.shape_cast %get3A_947 : vector<1x1x16xf32> to vector<16xf32>
          %mul3A_949 = vector.broadcast %squeeze3A_367 : f32 to vector<16xf32>
          %mul3A_950 = arith.mulf %mul3A_949, %get3A_948 : vector<16xf32>
          %get3A_951 = arith.constant 1 : i32
          %get3A_952 = arith.index_cast %get3A_951 : i32 to index
          %get3A_953 = arith.index_cast %scan3A_546 : i32 to index
          %get3A_954 = arith.constant 192 : index
          %get3A_955 = tpu.vector_load %arg8[%get3A_952, %get3A_953, %get3A_954] {strides = array<i32>} : memref<24x16x256xf32, #tpu.memory_space<vmem>>, vector<1x1x16xf32>,
          %get3A_956 = vector.shape_cast %get3A_955 : vector<1x1x16xf32> to vector<16xf32>
          %mul3A_957 = vector.broadcast %squeeze3A_369 : f32 to vector<16xf32>
          %mul3A_958 = arith.mulf %mul3A_957, %get3A_956 : vector<16xf32>
          %add3A_959 = arith.addf %mul3A_950, %mul3A_958 : vector<16xf32>
          %get3A_960 = arith.constant 2 : i32
          %get3A_961 = arith.index_cast %get3A_960 : i32 to index
          %get3A_962 = arith.index_cast %scan3A_546 : i32 to index
          %get3A_963 = arith.constant 192 : index
          %get3A_964 = tpu.vector_load %arg8[%get3A_961, %get3A_962, %get3A_963] {strides = array<i32>} : memref<24x16x256xf32, #tpu.memory_space<vmem>>, vector<1x1x16xf32>,
          %get3A_965 = vector.shape_cast %get3A_964 : vector<1x1x16xf32> to vector<16xf32>
          %mul3A_966 = vector.broadcast %squeeze3A_371 : f32 to vector<16xf32>
          %mul3A_967 = arith.mulf %mul3A_966, %get3A_965 : vector<16xf32>
          %add3A_968 = arith.addf %add3A_959, %mul3A_967 : vector<16xf32>
          %swap3A_969 = arith.constant 3 : i32
          %swap3A_970 = arith.index_cast %swap3A_969 : i32 to index
          %swap3A_971 = arith.index_cast %scan3A_546 : i32 to index
          %swap3A_972 = arith.constant 192 : index
          %swap3A_973 = tpu.vector_load %arg8[%swap3A_970, %swap3A_971, %swap3A_972] {strides = array<i32>} : memref<24x16x256xf32, #tpu.memory_space<vmem>>, vector<1x1x16xf32>,
          %swap3A_974 = vector.shape_cast %swap3A_973 : vector<1x1x16xf32> to vector<16xf32>
          %swap3A_975 = vector.shape_cast %add3A_968 : vector<16xf32> to vector<1x1x16xf32>
          tpu.vector_store %arg8[%swap3A_970, %swap3A_971, %swap3A_972], %swap3A_975 {strides = array<i32>} : memref<24x16x256xf32, #tpu.memory_space<vmem>>, vector<1x1x16xf32>,
          %get3A_976 = arith.constant 0 : i32
          %get3A_977 = arith.index_cast %get3A_976 : i32 to index
          %get3A_978 = arith.index_cast %scan3A_546 : i32 to index
          %get3A_979 = arith.constant 208 : index
          %get3A_980 = tpu.vector_load %arg8[%get3A_977, %get3A_978, %get3A_979] {strides = array<i32>} : memref<24x16x256xf32, #tpu.memory_space<vmem>>, vector<1x1x16xf32>,
          %get3A_981 = vector.shape_cast %get3A_980 : vector<1x1x16xf32> to vector<16xf32>
          %mul3A_982 = vector.broadcast %squeeze3A_367 : f32 to vector<16xf32>
          %mul3A_983 = arith.mulf %mul3A_982, %get3A_981 : vector<16xf32>
          %get3A_984 = arith.constant 1 : i32
          %get3A_985 = arith.index_cast %get3A_984 : i32 to index
          %get3A_986 = arith.index_cast %scan3A_546 : i32 to index
          %get3A_987 = arith.constant 208 : index
          %get3A_988 = tpu.vector_load %arg8[%get3A_985, %get3A_986, %get3A_987] {strides = array<i32>} : memref<24x16x256xf32, #tpu.memory_space<vmem>>, vector<1x1x16xf32>,
          %get3A_989 = vector.shape_cast %get3A_988 : vector<1x1x16xf32> to vector<16xf32>
          %mul3A_990 = vector.broadcast %squeeze3A_369 : f32 to vector<16xf32>
          %mul3A_991 = arith.mulf %mul3A_990, %get3A_989 : vector<16xf32>
          %add3A_992 = arith.addf %mul3A_983, %mul3A_991 : vector<16xf32>
          %get3A_993 = arith.constant 2 : i32
          %get3A_994 = arith.index_cast %get3A_993 : i32 to index
          %get3A_995 = arith.index_cast %scan3A_546 : i32 to index
          %get3A_996 = arith.constant 208 : index
          %get3A_997 = tpu.vector_load %arg8[%get3A_994, %get3A_995, %get3A_996] {strides = array<i32>} : memref<24x16x256xf32, #tpu.memory_space<vmem>>, vector<1x1x16xf32>,
          %get3A_998 = vector.shape_cast %get3A_997 : vector<1x1x16xf32> to vector<16xf32>
          %mul3A_999 = vector.broadcast %squeeze3A_371 : f32 to vector<16xf32>
          %mul3A_1000 = arith.mulf %mul3A_999, %get3A_998 : vector<16xf32>
          %add3A_1001 = arith.addf %add3A_992, %mul3A_1000 : vector<16xf32>
          %swap3A_1002 = arith.constant 3 : i32
          %swap3A_1003 = arith.index_cast %swap3A_1002 : i32 to index
          %swap3A_1004 = arith.index_cast %scan3A_546 : i32 to index
          %swap3A_1005 = arith.constant 208 : index
          %swap3A_1006 = tpu.vector_load %arg8[%swap3A_1003, %swap3A_1004, %swap3A_1005] {strides = array<i32>} : memref<24x16x256xf32, #tpu.memory_space<vmem>>, vector<1x1x16xf32>,
          %swap3A_1007 = vector.shape_cast %swap3A_1006 : vector<1x1x16xf32> to vector<16xf32>
          %swap3A_1008 = vector.shape_cast %add3A_1001 : vector<16xf32> to vector<1x1x16xf32>
          tpu.vector_store %arg8[%swap3A_1003, %swap3A_1004, %swap3A_1005], %swap3A_1008 {strides = array<i32>} : memref<24x16x256xf32, #tpu.memory_space<vmem>>, vector<1x1x16xf32>,
          %get3A_1009 = arith.constant 0 : i32
          %get3A_1010 = arith.index_cast %get3A_1009 : i32 to index
          %get3A_1011 = arith.index_cast %scan3A_546 : i32 to index
          %get3A_1012 = arith.constant 224 : index
          %get3A_1013 = tpu.vector_load %arg8[%get3A_1010, %get3A_1011, %get3A_1012] {strides = array<i32>} : memref<24x16x256xf32, #tpu.memory_space<vmem>>, vector<1x1x16xf32>,
          %get3A_1014 = vector.shape_cast %get3A_1013 : vector<1x1x16xf32> to vector<16xf32>
          %mul3A_1015 = vector.broadcast %squeeze3A_367 : f32 to vector<16xf32>
          %mul3A_1016 = arith.mulf %mul3A_1015, %get3A_1014 : vector<16xf32>
          %get3A_1017 = arith.constant 1 : i32
          %get3A_1018 = arith.index_cast %get3A_1017 : i32 to index
          %get3A_1019 = arith.index_cast %scan3A_546 : i32 to index
          %get3A_1020 = arith.constant 224 : index
          %get3A_1021 = tpu.vector_load %arg8[%get3A_1018, %get3A_1019, %get3A_1020] {strides = array<i32>} : memref<24x16x256xf32, #tpu.memory_space<vmem>>, vector<1x1x16xf32>,
          %get3A_1022 = vector.shape_cast %get3A_1021 : vector<1x1x16xf32> to vector<16xf32>
          %mul3A_1023 = vector.broadcast %squeeze3A_369 : f32 to vector<16xf32>
          %mul3A_1024 = arith.mulf %mul3A_1023, %get3A_1022 : vector<16xf32>
          %add3A_1025 = arith.addf %mul3A_1016, %mul3A_1024 : vector<16xf32>
          %get3A_1026 = arith.constant 2 : i32
          %get3A_1027 = arith.index_cast %get3A_1026 : i32 to index
          %get3A_1028 = arith.index_cast %scan3A_546 : i32 to index
          %get3A_1029 = arith.constant 224 : index
          %get3A_1030 = tpu.vector_load %arg8[%get3A_1027, %get3A_1028, %get3A_1029] {strides = array<i32>} : memref<24x16x256xf32, #tpu.memory_space<vmem>>, vector<1x1x16xf32>,
          %get3A_1031 = vector.shape_cast %get3A_1030 : vector<1x1x16xf32> to vector<16xf32>
          %mul3A_1032 = vector.broadcast %squeeze3A_371 : f32 to vector<16xf32>
          %mul3A_1033 = arith.mulf %mul3A_1032, %get3A_1031 : vector<16xf32>
          %add3A_1034 = arith.addf %add3A_1025, %mul3A_1033 : vector<16xf32>
          %swap3A_1035 = arith.constant 3 : i32
          %swap3A_1036 = arith.index_cast %swap3A_1035 : i32 to index
          %swap3A_1037 = arith.index_cast %scan3A_546 : i32 to index
          %swap3A_1038 = arith.constant 224 : index
          %swap3A_1039 = tpu.vector_load %arg8[%swap3A_1036, %swap3A_1037, %swap3A_1038] {strides = array<i32>} : memref<24x16x256xf32, #tpu.memory_space<vmem>>, vector<1x1x16xf32>,
          %swap3A_1040 = vector.shape_cast %swap3A_1039 : vector<1x1x16xf32> to vector<16xf32>
          %swap3A_1041 = vector.shape_cast %add3A_1034 : vector<16xf32> to vector<1x1x16xf32>
          tpu.vector_store %arg8[%swap3A_1036, %swap3A_1037, %swap3A_1038], %swap3A_1041 {strides = array<i32>} : memref<24x16x256xf32, #tpu.memory_space<vmem>>, vector<1x1x16xf32>,
          %get3A_1042 = arith.constant 0 : i32
          %get3A_1043 = arith.index_cast %get3A_1042 : i32 to index
          %get3A_1044 = arith.index_cast %scan3A_546 : i32 to index
          %get3A_1045 = arith.constant 240 : index
          %get3A_1046 = tpu.vector_load %arg8[%get3A_1043, %get3A_1044, %get3A_1045] {strides = array<i32>} : memref<24x16x256xf32, #tpu.memory_space<vmem>>, vector<1x1x16xf32>,
          %get3A_1047 = vector.shape_cast %get3A_1046 : vector<1x1x16xf32> to vector<16xf32>
          %mul3A_1048 = vector.broadcast %squeeze3A_367 : f32 to vector<16xf32>
          %mul3A_1049 = arith.mulf %mul3A_1048, %get3A_1047 : vector<16xf32>
          %get3A_1050 = arith.constant 1 : i32
          %get3A_1051 = arith.index_cast %get3A_1050 : i32 to index
          %get3A_1052 = arith.index_cast %scan3A_546 : i32 to index
          %get3A_1053 = arith.constant 240 : index
          %get3A_1054 = tpu.vector_load %arg8[%get3A_1051, %get3A_1052, %get3A_1053] {strides = array<i32>} : memref<24x16x256xf32, #tpu.memory_space<vmem>>, vector<1x1x16xf32>,
          %get3A_1055 = vector.shape_cast %get3A_1054 : vector<1x1x16xf32> to vector<16xf32>
          %mul3A_1056 = vector.broadcast %squeeze3A_369 : f32 to vector<16xf32>
          %mul3A_1057 = arith.mulf %mul3A_1056, %get3A_1055 : vector<16xf32>
          %add3A_1058 = arith.addf %mul3A_1049, %mul3A_1057 : vector<16xf32>
          %get3A_1059 = arith.constant 2 : i32
          %get3A_1060 = arith.index_cast %get3A_1059 : i32 to index
          %get3A_1061 = arith.index_cast %scan3A_546 : i32 to index
          %get3A_1062 = arith.constant 240 : index
          %get3A_1063 = tpu.vector_load %arg8[%get3A_1060, %get3A_1061, %get3A_1062] {strides = array<i32>} : memref<24x16x256xf32, #tpu.memory_space<vmem>>, vector<1x1x16xf32>,
          %get3A_1064 = vector.shape_cast %get3A_1063 : vector<1x1x16xf32> to vector<16xf32>
          %mul3A_1065 = vector.broadcast %squeeze3A_371 : f32 to vector<16xf32>
          %mul3A_1066 = arith.mulf %mul3A_1065, %get3A_1064 : vector<16xf32>
          %add3A_1067 = arith.addf %add3A_1058, %mul3A_1066 : vector<16xf32>
          %swap3A_1068 = arith.constant 3 : i32
          %swap3A_1069 = arith.index_cast %swap3A_1068 : i32 to index
          %swap3A_1070 = arith.index_cast %scan3A_546 : i32 to index
          %swap3A_1071 = arith.constant 240 : index
          %swap3A_1072 = tpu.vector_load %arg8[%swap3A_1069, %swap3A_1070, %swap3A_1071] {strides = array<i32>} : memref<24x16x256xf32, #tpu.memory_space<vmem>>, vector<1x1x16xf32>,
          %swap3A_1073 = vector.shape_cast %swap3A_1072 : vector<1x1x16xf32> to vector<16xf32>
          %swap3A_1074 = vector.shape_cast %add3A_1067 : vector<16xf32> to vector<1x1x16xf32>
          tpu.vector_store %arg8[%swap3A_1069, %swap3A_1070, %swap3A_1071], %swap3A_1074 {strides = array<i32>} : memref<24x16x256xf32, #tpu.memory_space<vmem>>, vector<1x1x16xf32>,
        }
        %scan3A_513 = arith.constant 16 : i32
        %dma_start3A_514 = arith.constant 3 : i32
        %dma_start3A_515 = arith.constant 0 : i32
        %dma_start3A_516 = arith.constant 0 : i32
        %dma_start3A_517 = arith.constant 0 : i32
        %dma_start3A_518 = tpu.memref_slice %arg8[%dma_start3A_514, %dma_start3A_516, %dma_start3A_517] : memref<24x16x256xf32, #tpu.memory_space<vmem>> -> memref<1x16x256xf32, #tpu.memory_space<vmem>>
        %dma_start3A_519 = tpu.memref_squeeze %dma_start3A_518 : memref<1x16x256xf32, #tpu.memory_space<vmem>> -> memref<16x256xf32, #tpu.memory_space<vmem>>
        %dma_start3A_520 = arith.constant 0 : i32
        %dma_start3A_521 = tpu.memref_slice %arg7[%add3A_396, %dma_start3A_520] : memref<8192x256xf32, #tpu.memory_space<hbm>> -> memref<16x256xf32, #tpu.memory_space<hbm>>
        %dma_start3A_522 = tpu.memref_slice %arg13[%dma_start3A_515] : memref<6x!tpu.dma_semaphore, #tpu.memory_space<semaphore_mem>> -> memref<1x!tpu.dma_semaphore, #tpu.memory_space<semaphore_mem>>
        %dma_start3A_523 = tpu.memref_squeeze %dma_start3A_522 : memref<1x!tpu.dma_semaphore, #tpu.memory_space<semaphore_mem>> -> memref<!tpu.dma_semaphore, #tpu.memory_space<semaphore_mem>>
        %dma_start3A_524 = arith.constant 0 : i32
        %dma_start3A_525 = tpu.memref_slice %arg7[%add3A_396, %dma_start3A_524] : memref<8192x256xf32, #tpu.memory_space<hbm>> -> memref<16x256xf32, #tpu.memory_space<hbm>>
        %dma_start3A_526 = arith.constant 0 : i32
        %dma_start3A_527 = arith.constant 0 : i32
        %dma_start3A_528 = tpu.memref_slice %arg8[%dma_start3A_514, %dma_start3A_526, %dma_start3A_527] : memref<24x16x256xf32, #tpu.memory_space<vmem>> -> memref<1x16x256xf32, #tpu.memory_space<vmem>>
        %dma_start3A_529 = tpu.memref_squeeze %dma_start3A_528 : memref<1x16x256xf32, #tpu.memory_space<vmem>> -> memref<16x256xf32, #tpu.memory_space<vmem>>
        tpu.enqueue_dma source(%dma_start3A_529 : memref<16x256xf32, #tpu.memory_space<vmem>>) target(%dma_start3A_525 : memref<16x256xf32, #tpu.memory_space<hbm>>) target_semaphore(%dma_start3A_523 : memref<!tpu.dma_semaphore, #tpu.memory_space<semaphore_mem>>)
        %dma_wait3A_530 = arith.constant 3 : i32
        %dma_wait3A_531 = arith.constant 0 : i32
        %dma_wait3A_532 = arith.constant 0 : i32
        %dma_wait3A_533 = arith.constant 0 : i32
        %dma_wait3A_534 = tpu.memref_slice %arg8[%dma_wait3A_530, %dma_wait3A_532, %dma_wait3A_533] : memref<24x16x256xf32, #tpu.memory_space<vmem>> -> memref<1x16x256xf32, #tpu.memory_space<vmem>>
        %dma_wait3A_535 = tpu.memref_squeeze %dma_wait3A_534 : memref<1x16x256xf32, #tpu.memory_space<vmem>> -> memref<16x256xf32, #tpu.memory_space<vmem>>
        %dma_wait3A_536 = arith.constant 0 : i32
        %dma_wait3A_537 = tpu.memref_slice %arg7[%add3A_396, %dma_wait3A_536] : memref<8192x256xf32, #tpu.memory_space<hbm>> -> memref<16x256xf32, #tpu.memory_space<hbm>>
        %dma_wait3A_538 = tpu.memref_slice %arg13[%dma_wait3A_531] : memref<6x!tpu.dma_semaphore, #tpu.memory_space<semaphore_mem>> -> memref<1x!tpu.dma_semaphore, #tpu.memory_space<semaphore_mem>>
        %dma_wait3A_539 = tpu.memref_squeeze %dma_wait3A_538 : memref<1x!tpu.dma_semaphore, #tpu.memory_space<semaphore_mem>> -> memref<!tpu.dma_semaphore, #tpu.memory_space<semaphore_mem>>
        %dma_wait3A_540 = arith.constant 0 : i32
        %dma_wait3A_541 = tpu.memref_slice %arg7[%add3A_396, %dma_wait3A_540] : memref<8192x256xf32, #tpu.memory_space<hbm>> -> memref<16x256xf32, #tpu.memory_space<hbm>>
        %dma_wait3A_542 = arith.constant 0 : i32
        %dma_wait3A_543 = arith.constant 0 : i32
        %dma_wait3A_544 = tpu.memref_slice %arg8[%dma_wait3A_530, %dma_wait3A_542, %dma_wait3A_543] : memref<24x16x256xf32, #tpu.memory_space<vmem>> -> memref<1x16x256xf32, #tpu.memory_space<vmem>>
        %dma_wait3A_545 = tpu.memref_squeeze %dma_wait3A_544 : memref<1x16x256xf32, #tpu.memory_space<vmem>> -> memref<16x256xf32, #tpu.memory_space<vmem>>
        tpu.wait_dma2 semaphore(%dma_wait3A_539 : memref<!tpu.dma_semaphore, #tpu.memory_space<semaphore_mem>>) src(%dma_wait3A_545 : memref<16x256xf32, #tpu.memory_space<vmem>>) dst(%dma_wait3A_541 : memref<16x256xf32, #tpu.memory_space<hbm>>)
      }
      %scan3A_392 = arith.constant 16 : i32
    } else {
    }
    return
  }
}

module attributes {stable_mosaic.version = 14 : i64} {
  func.func @_tc_body(%arg0: i32, %arg1: memref<3xf32, #tpu.memory_space<smem>>, %arg2: memref<1280x256xf32, #tpu.memory_space<vmem>>, %arg3: memref<1280x256xf32, #tpu.memory_space<vmem>>, %arg4: memref<1280x256xf32, #tpu.memory_space<vmem>>, %arg5: memref<1280x256xf32, #tpu.memory_space<vmem>>) attributes {dimension_semantics = [#tpu.dimension_semantics<arbitrary>], iteration_bounds = array<i64: 4>, scalar_prefetch = 0 : i64, scratch_operands = 0 : i64, tpu.core_type = #tpu.core_type<tc>, window_params = [{transform_indices = @transform_0, window_bounds = array<i64: 3>}, {transform_indices = @transform_1, window_bounds = array<i64: 1280, 256>}, {transform_indices = @transform_2, window_bounds = array<i64: 1280, 256>}, {transform_indices = @transform_3, window_bounds = array<i64: 1280, 256>}, {transform_indices = @transform_4, window_bounds = array<i64: 1280, 256>}]} {
    %get3A = arith.constant 0 : index
    %get3A_0 = memref.load %arg1[%get3A] : memref<3xf32, #tpu.memory_space<smem>>
    %get3A_1 = arith.constant 1 : index
    %get3A_2 = memref.load %arg1[%get3A_1] : memref<3xf32, #tpu.memory_space<smem>>
    %get3A_3 = arith.constant 2 : index
    %get3A_4 = memref.load %arg1[%get3A_3] : memref<3xf32, #tpu.memory_space<smem>>
    %iota3A = tpu.iota {dimensions = array<i32: 1>} : vector<1x128xi32>
    %iota3A_5 = vector.shape_cast %iota3A : vector<1x128xi32> to vector<128xi32>
    %eq3A = arith.constant 0 : i32
    %eq3A_6 = vector.broadcast %eq3A : i32 to vector<128xi32>
    %eq3A_7 = arith.cmpi eq, %iota3A_5, %eq3A_6 : vector<128xi32>
    %eq3A_8 = arith.constant 1 : i32
    %eq3A_9 = vector.broadcast %eq3A_8 : i32 to vector<128xi32>
    %eq3A_10 = arith.cmpi eq, %iota3A_5, %eq3A_9 : vector<128xi32>
    %eq3A_11 = arith.constant 2 : i32
    %eq3A_12 = vector.broadcast %eq3A_11 : i32 to vector<128xi32>
    %eq3A_13 = arith.cmpi eq, %iota3A_5, %eq3A_12 : vector<128xi32>
    %jit3A = arith.constant -1.000000e+30 : f32
    %broadcast_in_dim3A = vector.broadcast %get3A_4 : f32 to vector<128xf32>
    %broadcast_in_dim3A_14 = vector.broadcast %jit3A : f32 to vector<128xf32>
    %select_n3A = arith.select %eq3A_13, %broadcast_in_dim3A, %broadcast_in_dim3A_14 : vector<128xi1>, vector<128xf32>
    %broadcast_in_dim3A_15 = vector.broadcast %get3A_2 : f32 to vector<128xf32>
    %select_n3A_16 = arith.select %eq3A_10, %broadcast_in_dim3A_15, %select_n3A : vector<128xi1>, vector<128xf32>
    %broadcast_in_dim3A_17 = vector.broadcast %get3A_0 : f32 to vector<128xf32>
    %select_n3A_18 = arith.select %eq3A_7, %broadcast_in_dim3A_17, %select_n3A_16 : vector<128xi1>, vector<128xf32>
    %max3A = arith.maximumf %get3A_0, %get3A_2 : f32
    %max3A_19 = arith.maximumf %max3A, %get3A_4 : f32
    %sub3A = vector.broadcast %max3A_19 : f32 to vector<128xf32>
    %sub3A_20 = arith.subf %select_n3A_18, %sub3A : vector<128xf32>
    %exp3A = math.exp %sub3A_20 : vector<128xf32>
    %slice3A = vector.extract_strided_slice %exp3A {offsets = [0], sizes = [1], strides = [1]} : vector<128xf32> to vector<1xf32>
    %squeeze3A = vector.extract %slice3A[0] : f32 from vector<1xf32>
    %slice3A_21 = vector.extract_strided_slice %exp3A {offsets = [1], sizes = [1], strides = [1]} : vector<128xf32> to vector<1xf32>
    %squeeze3A_22 = vector.extract %slice3A_21[0] : f32 from vector<1xf32>
    %add3A = arith.addf %squeeze3A, %squeeze3A_22 : f32
    %slice3A_23 = vector.extract_strided_slice %exp3A {offsets = [2], sizes = [1], strides = [1]} : vector<128xf32> to vector<1xf32>
    %squeeze3A_24 = vector.extract %slice3A_23[0] : f32 from vector<1xf32>
    %add3A_25 = arith.addf %add3A, %squeeze3A_24 : f32
    %div3A = vector.broadcast %add3A_25 : f32 to vector<128xf32>
    %div3A_26 = arith.divf %exp3A, %div3A : vector<128xf32>
    %slice3A_27 = vector.extract_strided_slice %div3A_26 {offsets = [0], sizes = [1], strides = [1]} : vector<128xf32> to vector<1xf32>
    %squeeze3A_28 = vector.extract %slice3A_27[0] : f32 from vector<1xf32>
    %get3A_29 = arith.constant 0 : index
    %get3A_30 = arith.constant 0 : index
    %get3A_31 = vector.load %arg2[%get3A_29, %get3A_30] : memref<1280x256xf32, #tpu.memory_space<vmem>>, vector<1280x256xf32>
    %mul3A = vector.broadcast %squeeze3A_28 : f32 to vector<1280x256xf32>
    %mul3A_32 = arith.mulf %mul3A, %get3A_31 : vector<1280x256xf32>
    %slice3A_33 = vector.extract_strided_slice %div3A_26 {offsets = [1], sizes = [1], strides = [1]} : vector<128xf32> to vector<1xf32>
    %squeeze3A_34 = vector.extract %slice3A_33[0] : f32 from vector<1xf32>
    %get3A_35 = arith.constant 0 : index
    %get3A_36 = arith.constant 0 : index
    %get3A_37 = vector.load %arg3[%get3A_35, %get3A_36] : memref<1280x256xf32, #tpu.memory_space<vmem>>, vector<1280x256xf32>
    %mul3A_38 = vector.broadcast %squeeze3A_34 : f32 to vector<1280x256xf32>
    %mul3A_39 = arith.mulf %mul3A_38, %get3A_37 : vector<1280x256xf32>
    %add3A_40 = arith.addf %mul3A_32, %mul3A_39 : vector<1280x256xf32>
    %slice3A_41 = vector.extract_strided_slice %div3A_26 {offsets = [2], sizes = [1], strides = [1]} : vector<128xf32> to vector<1xf32>
    %squeeze3A_42 = vector.extract %slice3A_41[0] : f32 from vector<1xf32>
    %get3A_43 = arith.constant 0 : index
    %get3A_44 = arith.constant 0 : index
    %get3A_45 = vector.load %arg4[%get3A_43, %get3A_44] : memref<1280x256xf32, #tpu.memory_space<vmem>>, vector<1280x256xf32>
    %mul3A_46 = vector.broadcast %squeeze3A_42 : f32 to vector<1280x256xf32>
    %mul3A_47 = arith.mulf %mul3A_46, %get3A_45 : vector<1280x256xf32>
    %add3A_48 = arith.addf %add3A_40, %mul3A_47 : vector<1280x256xf32>
    %swap3A = arith.constant 0 : index
    %swap3A_49 = arith.constant 0 : index
    %swap3A_50 = vector.load %arg5[%swap3A, %swap3A_49] : memref<1280x256xf32, #tpu.memory_space<vmem>>, vector<1280x256xf32>
    tpu.vector_store %arg5[%swap3A, %swap3A_49], %add3A_48 {strides = array<i32>} : memref<1280x256xf32, #tpu.memory_space<vmem>>, vector<1280x256xf32>,
    return
  }
  func.func @transform_0(%arg0: i32) -> i32 {
    %c0_i32 = arith.constant 0 : i32
    %c0_i32_0 = arith.constant 0 : i32
    return %c0_i32 : i32
  }
  func.func @transform_1(%arg0: i32) -> (i32, i32) {
    %c0_i32 = arith.constant 0 : i32
    %c0_i32_0 = arith.constant 0 : i32
    return %arg0, %c0_i32 : i32, i32
  }
  func.func @transform_2(%arg0: i32) -> (i32, i32) {
    %c0_i32 = arith.constant 0 : i32
    %c0_i32_0 = arith.constant 0 : i32
    return %arg0, %c0_i32 : i32, i32
  }
  func.func @transform_3(%arg0: i32) -> (i32, i32) {
    %c0_i32 = arith.constant 0 : i32
    %c0_i32_0 = arith.constant 0 : i32
    return %arg0, %c0_i32 : i32, i32
  }
  func.func @transform_4(%arg0: i32) -> (i32, i32) {
    %c0_i32 = arith.constant 0 : i32
    %c0_i32_0 = arith.constant 0 : i32
    return %arg0, %c0_i32 : i32, i32
  }
}

</mosaic_0001>

<sc_bundles>
// kernel: _run.4.cloned.1.call-start
scs
__scs_entry_jumppad:
0x0: {  	(pc) =	sbr.rel $0x88, $3  }
0x1: {  	(tag) =	ssettag $0x0;
	lr =	simm.s32 $0x1  }
0x2: {  	[smem:$0x3F9C] =	sst lr;
	_ =	strace $0xD0000000  }
0x3: {  	_ = 	snop  }
0x4: {  	_ = 	snop  }
0x5: {  	_ = 	snop  }
0x6: {  	_ = 	snop  }
0x7: {  	_ = 	snop  }
__scs_overlays_trampoline_lowered:
0x8: {  	[smem:$0x3FAB] =	sst s0  }
0x9: {  	[smem:$0x3FAC] =	sst s1  }
0xa: {  	[smem:$0x3FAD] =	sst s2  }
0xb: {  	[smem:$0x3FAE] =	sst s3  }
0xc: {  	[smem:$0x3FAF] =	sst s4  }
0xd: {  	[smem:$0x3FB0] =	sst s5  }
0xe: {  	[smem:$0x3FB1] =	sst s6  }
0xf: {  	[smem:$0x3FB2] =	sst s7  }
0x10: {  	[smem:$0x3FB3] =	sst s8  }
0x11: {  	[smem:$0x3FB4] =	sst s9;
	s0 =	simm.s32 @!p0 $0x0  }
0x12: {  	s1 =	sld [smem:$0x3F9A];
	s0 =	simm.s32 @p0 $0x1  }
0x13: {  	[smem:$0x3FB5] =	sst s0;
	s0 =	simm.s32 @!p1 $0x0  }
0x14: {  	s2 =	sld [smem:$0x3F99];
	s0 =	simm.s32 @p1 $0x1  }
0x15: {  	[smem:$0x3FB6] =	sst s0;
	s0 =	simm.s32 @!p2 $0x0  }
0x16: {  	s3 =	sld [smem:$0x3FDB];
	s0 =	simm.s32 @p2 $0x1  }
0x17: {  	s4 =	simm.s32 $0x1BF5;
	[smem:$0x3FB8] =	sst s0  }
0x18: {  	s0 =	sld [smem:$0x3F9B];
	_ =	swait.ge [sflag:s4], $0x0  }
0x19: {  	s7 =	sld [smem:$0x3F9C]  }
0x1a: {  	s8 =	sadd.s32 $0xFFFFE003, lr  }
0x1b: {  	s9 =	sadd.s32 $0xFFFFFEF7, lr;
	s5 =	simm.s32 $0xFFFFFFFF;
	p2 =	slt.u32 s8, $0xFFFFF086  }
0x1c: {  	p1 =	slt.u32 s9, $0xF7A;
	s5 =	simm.s32 @!p2 $0x0  }
0x1d: {  	s5 =	simm.s32 @p1 $0x1;
	p0 =	seq.s32 s7, s2  }
0x1e: {  	s7 =	smul.u32 @!p0 $0xF7A, s2;
	p2 =	seq.s32 @!p0 s5, $0x0  }
0x1f: {  	s9 =	smul.u32 $0xF7A, s1;
	s8 =	simm.s32 @!p0 $0x1BF5;
	p2 =	por !p2, p0  }
0x20: {  	[sflag:s8] =	ssyncset.s32 @!p0 $0xFFFFF086;
	s6 =	sadd.s32 @!p0 s3, s7;
	s7 =	simm.s32 @!p0 $0x108  }
0x21: {  	s3 =	sadd.s32 s3, s9;
	s6 =	sadd.s32 @!p0 $0x88, s6;
	s7 =	simm.s32 @p2 $0x1082  }
0x22: {  	[simem:s7], [sflag:s8] =	dma.local @!p0 [hbm:s6], $0xF7A  }
0x23: {  	s9 =	sor.u32 $0xD0000000, s2;
	s6 =	simm.s32 $0x108;
	_ =	swait.ge @!p0 [sflag:s8], $0x0  }
0x24: {  	s3 =	sadd.s32 $0x88, s3;
	s6 =	simm.s32 @!p1 $0x1082;
	[sflag:s4] =	ssyncset.s32 $0xFFFFF086  }
0x25: {  	[simem:s6], [sflag:s4] =	dma.local [hbm:s3], $0xF7A  }
0x26: {  	[smem:$0x3F9C] =	sst s1;
	(tag) =	ssettag s2;
	_ =	strace s9  }
0x27: {  	s1 =	sld [smem:$0x3FAC]  }
0x28: {  	s2 =	sld [smem:$0x3FAD]  }
0x29: {  	s4 =	sld [smem:$0x3FAF]  }
0x2a: {  	p0 =	seq.s32 s5, $0x0;
	s5 =	sld [smem:$0x3FB0]  }
0x2b: {  	s6 =	sld [smem:$0x3FB1]  }
0x2c: {  	s7 =	sld [smem:$0x3FB2]  }
0x2d: {  	s3 =	simm.s32 $0x108;
	s8 =	sld [smem:$0x3FB3]  }
0x2e: {  	s3 =	simm.s32 @!p0 $0x1082;
	s9 =	sld [smem:$0x3FB4]  }
0x2f: {  	lr =	sadd.s32 s0, s3;
	s0 =	sld [smem:$0x3FAB]  }
0x30: {  	s3 =	sld [smem:$0x3FAE]  }
0x31: {  	[smem:$0x3FB7] =	sst s10  }
0x32: {  	s10 =	sld [smem:$0x3FB5];
	_ =	sdelay $0x3  }
0x33: {  	p0 =	seq.s32 s10, $0x1;
	s10 =	sld [smem:$0x3FB7];
	_ =	sdelay $0x3  }
0x34: {  	[smem:$0x3FB7] =	sst s10  }
0x35: {  	s10 =	sld [smem:$0x3FB6];
	_ =	sdelay $0x3  }
0x36: {  	p1 =	seq.s32 s10, $0x1;
	s10 =	sld [smem:$0x3FB7];
	_ =	sdelay $0x3  }
0x37: {  	[smem:$0x3FB7] =	sst s10  }
0x38: {  	s10 =	sld [smem:$0x3FB8]  }
0x39: {  	_ = 	snop;
	(pc) =	sbr.ind lr, $3  }
0x3a: {  	_ = 	snop  }
0x3b: {  	_ = 	snop  }
0x3c: {  	p2 =	seq.s32 s10, $0x1;
	s10 =	sld [smem:$0x3FB7]  }
0x3d: {  	_ =	shalt  }
0x3e: {  	_ =	shalt  }
0x3f: {  	_ =	shalt  }
0x40: {  	_ =	shalt  }
0x41: {  	_ =	shalt  }
0x42: {  	_ =	shalt  }
0x43: {  	_ =	shalt  }
0x44: {  	_ =	shalt  }
0x45: {  	_ =	shalt  }
0x46: {  	_ =	shalt  }
0x47: {  	_ =	shalt  }
0x48: {  	_ =	shalt  }
0x49: {  	_ =	shalt  }
0x4a: {  	_ =	shalt  }
0x4b: {  	_ =	shalt  }
0x4c: {  	_ =	shalt  }
0x4d: {  	_ =	shalt  }
0x4e: {  	_ =	shalt  }
0x4f: {  	_ =	shalt  }
0x50: {  	_ =	shalt  }
0x51: {  	_ =	shalt  }
0x52: {  	_ =	shalt  }
0x53: {  	_ =	shalt  }
0x54: {  	_ =	shalt  }
0x55: {  	_ =	shalt  }
0x56: {  	_ =	shalt  }
0x57: {  	_ =	shalt  }
0x58: {  	_ =	shalt  }
0x59: {  	_ =	shalt  }
0x5a: {  	_ =	shalt  }
0x5b: {  	_ =	shalt  }
0x5c: {  	_ =	shalt  }
0x5d: {  	_ =	shalt  }
0x5e: {  	_ =	shalt  }
0x5f: {  	_ =	shalt  }
0x60: {  	_ =	shalt  }
0x61: {  	_ =	shalt  }
0x62: {  	_ =	shalt  }
0x63: {  	_ =	shalt  }
0x64: {  	_ =	shalt  }
0x65: {  	_ =	shalt  }
0x66: {  	_ =	shalt  }
0x67: {  	_ =	shalt  }
0x68: {  	_ =	shalt  }
0x69: {  	_ =	shalt  }
0x6a: {  	_ =	shalt  }
0x6b: {  	_ =	shalt  }
0x6c: {  	_ =	shalt  }
0x6d: {  	_ =	shalt  }
0x6e: {  	_ =	shalt  }
0x6f: {  	_ =	shalt  }
0x70: {  	_ =	shalt  }
0x71: {  	_ =	shalt  }
0x72: {  	_ =	shalt  }
0x73: {  	_ =	shalt  }
0x74: {  	_ =	shalt  }
0x75: {  	_ =	shalt  }
0x76: {  	_ =	shalt  }
0x77: {  	_ =	shalt  }
0x78: {  	_ =	shalt  }
0x79: {  	_ =	shalt  }
0x7a: {  	_ =	shalt  }
0x7b: {  	_ =	shalt  }
0x7c: {  	_ =	shalt  }
0x7d: {  	_ =	shalt  }
0x7e: {  	_ =	shalt  }
0x7f: {  	_ =	shalt  }
0x80: {  	_ =	shalt  }
0x81: {  	_ =	shalt  }
0x82: {  	_ =	shalt  }
0x83: {  	_ =	shalt  }
0x84: {  	_ =	shalt  }
0x85: {  	_ =	shalt  }
0x86: {  	_ =	shalt  }
0x87: {  	_ =	shalt  }
.Lfunc_end0:
.L_simem_size_0:
called_computation_lowered:
.L_overlay_start_0:
0x88: {  	s2 =	sld [smem:$0x3FD9]  }
0x89: {  	s3 =	sld [smem:$0x3FFE];
	_ =	sdelay $0x1  }
0x8a: {  	s1 =	srdreg.scid  }
0x8b: {  	s0 =	sand.u32 $0x1, s1  }
0x8c: {  	s18 =	sshll.u32 s0, $0xA;
	s2 =	sadd.s32 s3, s2  }
0x8d: {  	s2 =	sadd.s32 s2, s18  }
0x8e: {  	[smem:$0x3FC3] =	sst s2  }
0x8f: {  	_ = 	snop  }
0x90: {  	s2 =	sld [smem:$0x3FC9]  }
0x91: {  	s19 =	sld [smem:$0x3FC8]  }
0x92: {  	s4 =	sld [smem:$0x3FC7]  }
0x93: {  	s5 =	sld [smem:$0x3FC6]  }
0x94: {  	s6 =	sld [smem:$0x3FC5]  }
0x95: {  	s7 =	sld [smem:$0x3FD0];
	(tm) =	ssettm $0x1  }
0x96: {  	s8 =	sld [smem:$0x3FFB];
	_ =	sdelay $0x3  }
0x97: {  	_ =	strace s8  }
0x98: {  	s8 =	sld [smem:$0x3FFC];
	_ =	sdelay $0x3  }
0x99: {  	_ =	strace s8  }
0x9a: {  	s8 =	sld [smem:$0x3FFD];
	_ =	sdelay $0x3  }
0x9b: {  	_ =	strace s8  }
0x9c: {  	_ =	strace $0x8FFFFFFF  }
0x9d: {  	s20 =	sld [smem:$0x3FDB];
	_ =	sdelay $0x1  }
0x9e: {  	s9 =	simm.s32 $_scs_section_size  }
0x9f: {  	s10 =	simm.s32 $_size__tile_overlayer_lowered;
	s11 =	simm.s32 $_tile_overlayer_lowered  }
0xa0: {  	s23 =	simm.s32 $0x1BFF;
	s22 =	sshll.u32 s11, $0x1;
	s8 =	sadd.s32 s9, s20  }
0xa1: {  	s12 =	simm.s32 $0x0;
	s21 =	sshll.u32 s10, $0x1;
	s10 =	sadd.s32 s22, s8  }
0xa2: {  	[timem:s12], [sflag:s23] =	dma.local [hbm:s10], s21  }
0xa3: {  	_ =	swait.ge [sflag:s23], s21  }
0xa4: {  	s9 =	ssub.s32 $0x0, s21;
	[sflag:s23] =	ssyncset.done $0x0  }
0xa5: {  	[sflag:s23] =	ssyncadd.s32 s9;
	_ =	sdelay $0x1  }
0xa6: {  	s24 =	simm.s32 $0x1B8B  }
0xa7: {  	_ =	swait.ge [sflag:s24], $0x1  }
0xa8: {  	[sflag:s24] =	ssyncset.done $0x0  }
0xa9: {  	s25 =	simm.s32 $0x1B8E;
	[sflag:s24] =	ssyncadd.s32 $0xFFFFFFFF  }
0xaa: {  	s26 =	simm.s32 $execute0_lowered;
	[smem:$0x3FD2] =	sst s25  }
0xab: {  	s9 =	sshll.u32 s26, $0x1;
	_ =	strace $0x80000046;
	[dreg:$0x1] =	wrdreg $0xFFFFFFFF  }
0xac: {  	s28 =	simm.s32 $_size_execute0_lowered;
	s8 =	sadd.s32 s8, s9;
	[dreg:$0x0] =	wrdreg $0x0  }
0xad: {  	s9 =	sshll.u32 s28, $0x1;
	[dreg:$0x2] =	wrdreg s8  }
0xae: {  	[dreg:$0x3] =	wrdreg s9  }
0xaf: {  	[dreg:$0x4] =	wrdreg $0xC0  }
0xb0: {  	_ =	task [dreg:s12], $0x5FFFF  }
0xb1: {  	[dreg:$0x1] =	wrdreg $0xFFFFFFFF  }
0xb2: {  	[dreg:$0x0] =	wrdreg $0x60  }
0xb3: {  	[dreg:$0x2] =	wrdreg s2  }
0xb4: {  	[dreg:$0x3] =	wrdreg s19  }
0xb5: {  	[dreg:$0x4] =	wrdreg s4  }
0xb6: {  	[dreg:$0x5] =	wrdreg s5  }
0xb7: {  	[dreg:$0x6] =	wrdreg s6  }
0xb8: {  	[dreg:$0x7] =	wrdreg s7  }
0xb9: {  	[dreg:$0x8] =	wrdreg $0x9  }
0xba: {  	_ =	task.clear_ibuf [dreg:s12], $0x9FFFF;
	_ =	strace $0x90000046  }
0xbb: {  	s29 =	simm.s32 $0x9;
	_ =	strace $0x80000048  }
0xbc: {  	_ =	swait.ge [sflag:s29], $0x1  }
0xbd: {  	[sflag:s29] =	ssyncadd.s32 $0xFFFFFFFF  }
0xbe: {  	_ =	strace $0x90000048  }
0xbf: {  	_ =	sfence  }
0xc0: {  	s30 =	sld [smem:$0x0];
	_ =	sdelay $0x2  }
0xc1: {  	s31 =	sshll.u32 s1, $0xD;
	s1 =	sshrl.u32 s1, $0x2  }
0xc2: {  	s3 =	sand.u32 $0x4000, s31;
	s1 =	sadd.s32 s1, s30  }
0xc3: {  	s0 =	sor.u32 s3, s0;
	s1 =	sshll.u32 s1, $0x11  }
0xc4: {  	s0 =	sor.u32 s1, s0  }
0xc5: {  	s0 =	sadd.s32 $0x8F2B, s0  }
0xc6: {  	[sflag:s0] =	ssyncadd.remote.s32 $0x1  }
0xc7: {  	_ =	sfence.sel $0xFFFF  }
0xc8: {  	[dreg:$0x0] =	wrdreg $0xFFFFFFFF;
	(pc) =	sbr.abs _section_cstart, $3  }
0xc9: {  	[dreg:$0x1] =	wrdreg $0xFFFFFFFF  }
0xca: {  	_ =	task.clear_ibuf [dreg:s12], $0x2FFFF;
	_ =	strace $0x9FFFFFFF  }
0xcb: {  	(tm) =	ssettm $0x7FFFFFFF  }
tec
execute0_lowered:
.L_overlay_start_1:
0x0: {  	(tag) =	ssettag $0x1  }
0x1: {  	s0 =	rddreg [dreg:$0x0]  }
0x2: {  	s2 =	rddreg [dreg:$0x1]  }
0x3: {  	s3 =	rddreg [dreg:$0x2];
	s1 =	srdreg.scid  }
0x4: {  	s4 =	stileid.u32;
	s7 =	rddreg [dreg:$0x5]  }
0x5: {  	s8 =	simm.s32 $0x0;
	s1 =	sand.u32 $0x1, s1;
	s4 =	sshll.u32 s4, $0x1  }
0x6: {  	s31 =	simm.s32 $0x1000;
	s12 =	simm.s32 $0x800;
	s4 =	sor.u32 s1, s4  }
0x7: {  	[smem:$0x7FF] =	sst s8;
	s1 =	ssub.s32 $0x2, s1;
	s6 =	smul.u32 $0xC00, s4  }
0x8: {  	_ =	strace $0x80000047;
	s5 =	smul.u32 $0x6000, s4;
	s9 =	sshrl.u32 s1, $0x1  }
0x9: {  	s29 =	sshll.u32 s4, $0x8;
	s4 =	simm.s32 $0x9;
	s6 =	sadd.s32 $0x28000, s6  }
0xa: {  	s1 =	ssub.s32 s1, s9;
	s5 =	sshrl.u32 s5, $0x3;
	s25 =	sadd.s32 s0, s6  }
0xb: {  	s13 =	sadd.s32 $0x28200, s5;
	s26 =	sadd.s32 s2, s6;
	[dreg:$0x16] =	wrdreg s25  }
0xc: {  	s30 =	smax.u32 s1, $0x1;
	s10 =	sadd.s32 s0, s13;
	[dreg:$0x17] =	wrdreg s26  }
0xd: {  	s1 =	simm.s32 $0x8;
	s14 =	sadd.s32 s2, s13;
	[dreg:$0x7] =	wrdreg s10  }
0xe: {  	s15 =	sadd.s32 $0x28400, s5;
	s9 =	sadd.s32 s3, s13;
	[dreg:$0x8] =	wrdreg s14  }
0xf: {  	s17 =	sadd.s32 $0x28600, s5;
	s16 =	sadd.s32 s0, s15;
	[dreg:$0x9] =	wrdreg s9  }
0x10: {  	s20 =	sadd.s32 $0x28800, s5;
	s11 =	sadd.s32 s2, s15;
	[dreg:$0xa] =	wrdreg s16  }
0x11: {  	s5 =	sadd.s32 $0x28A00, s5;
	s18 =	sadd.s32 s0, s17;
	[dreg:$0xb] =	wrdreg s11  }
0x12: {  	s28 =	sadd.s32 s7, s6;
	s19 =	sadd.s32 s2, s17;
	[dreg:$0xd] =	wrdreg s18  }
0x13: {  	s21 =	sadd.s32 s0, s20;
	s22 =	sadd.s32 s2, s20;
	[dreg:$0xe] =	wrdreg s19  }
0x14: {  	s23 =	sadd.s32 s0, s5;
	s24 =	sadd.s32 s2, s5;
	[dreg:$0x10] =	wrdreg s21  }
0x15: {  	s5 =	sadd.s32 s3, s5;
	s26 =	sadd.s32 s3, s6;
	[dreg:$0x11] =	wrdreg s22  }
0x16: {  	s6 =	simm.s32 $0x7;
	s13 =	simm.s32 $0x1;
	[dreg:$0x13] =	wrdreg s23  }
.Ltmp0:
0x17: {  	s10 =	sadd.s32 s3, s15;
	[dreg:$0x14] =	wrdreg s24;
	(pc) =	sbr.rel .LBB2_1-.Ltmp0, $4  }
0x18: {  	s9 =	sadd.s32 s3, s17;
	[dreg:$0x15] =	wrdreg s5;
	s5 =	simm.s32 $0x2000  }
0x19: {  	v0 =	vlaneseq.u32;
	s11 =	simm.s32 $0xC;
	s14 =	simm.s32 $0x3000;
	[dreg:$0xc] =	wrdreg s10  }
0x1a: {  	vm0 =	vmmov $0x7;
	vm1 =	vmmov $0xffff;
	v2 =	vshrl.u32 v0, $0x3;
	s15 =	simm.s32 $0x0;
	[dreg:$0xf] =	wrdreg s9;
	s9 =	sadd.s32 s3, s20  }
0x1b: {  	v1 =	vand.u32 $0x7, v0;
	v3 =	vor.u32 $0x8, v0;
	v2 =	vmul.u32 $0x8, v2;
	s10 =	simm.s32 $0xB;
	[dreg:$0x12] =	wrdreg s9;
	s9 =	simm.s32 $0xA  }
.LBB2_9:
0x1c: {  	s15 =	sadd.s32 $0x1, s15  }
0x1d: {  	p0 =	sne.s32 s15, s30  }
.Ltmp1:
0x1e: {  	_ = 	snop;
	(pc) =	sbr.rel @!p0 .LBB2_10-.Ltmp1, $1  }
0x1f: {  	_ =	sdelay $0x3  }
.LBB2_1:
0x20: {  	s16 =	rddreg [dreg:$0x16]  }
0x21: {  	[tilespmem:s8], [sflag:$0x1] =	stream.linear.gather [hbm4b:s16+s8], $0x1000, $0x38;
	[tilespmem:$0x18500] =	vst v63  }
0x22: {  	s18 =	rddreg [dreg:$0x17]  }
0x23: {  	[tilespmem:s31], [sflag:$0x1] =	stream.linear.gather [hbm4b:s18+s8], $0x1000, $0x38;
	[tilespmem:$0x18500] =	vst v63  }
0x24: {  	_ = 	snop  }
0x25: {  	[tilespmem:s5], [sflag:$0x1] =	stream.linear.gather [hbm4b:s26+s8], $0x1000, $0x38;
	[tilespmem:$0x18500] =	vst v63  }
0x26: {  	s19 =	rddreg [dreg:$0x7];
	s17 =	simm.s32 $0x4000  }
0x27: {  	[tilespmem:s17], [sflag:$0x2] =	stream.linear.gather [hbm4b:s19+s8], $0x1000, $0x38;
	[tilespmem:$0x18500] =	vst v63  }
0x28: {  	s20 =	rddreg [dreg:$0x8];
	s21 =	simm.s32 $0x5000  }
0x29: {  	[tilespmem:s21], [sflag:$0x2] =	stream.linear.gather [hbm4b:s20+s8], $0x1000, $0x38;
	[tilespmem:$0x18500] =	vst v63  }
0x2a: {  	s22 =	rddreg [dreg:$0x9];
	s23 =	simm.s32 $0x6000  }
0x2b: {  	[tilespmem:s23], [sflag:$0x2] =	stream.linear.gather [hbm4b:s22+s8], $0x1000, $0x38;
	[tilespmem:$0x18500] =	vst v63  }
0x2c: {  	s24 =	rddreg [dreg:$0xa];
	s25 =	simm.s32 $0x8000  }
0x2d: {  	[tilespmem:s25], [sflag:$0x3] =	stream.linear.gather [hbm4b:s24+s8], $0x1000, $0x38;
	[tilespmem:$0x18500] =	vst v63  }
0x2e: {  	s18 =	rddreg [dreg:$0xb];
	s19 =	simm.s32 $0x9000  }
0x2f: {  	[tilespmem:s19], [sflag:$0x3] =	stream.linear.gather [hbm4b:s18+s8], $0x1000, $0x38;
	[tilespmem:$0x18500] =	vst v63  }
0x30: {  	s20 =	rddreg [dreg:$0xc];
	s21 =	simm.s32 $0xA000  }
0x31: {  	[tilespmem:s21], [sflag:$0x3] =	stream.linear.gather [hbm4b:s20+s8], $0x1000, $0x38;
	[tilespmem:$0x18500] =	vst v63  }
0x32: {  	s22 =	rddreg [dreg:$0xd];
	s23 =	simm.s32 $0xC000  }
0x33: {  	[tilespmem:s23], [sflag:$0x4] =	stream.linear.gather [hbm4b:s22+s8], $0x1000, $0x38;
	[tilespmem:$0x18500] =	vst v63  }
0x34: {  	s24 =	rddreg [dreg:$0xe];
	s25 =	simm.s32 $0xD000  }
0x35: {  	[tilespmem:s25], [sflag:$0x4] =	stream.linear.gather [hbm4b:s24+s8], $0x1000, $0x38;
	[tilespmem:$0x18500] =	vst v63  }
0x36: {  	s18 =	rddreg [dreg:$0xf];
	s19 =	simm.s32 $0xE000  }
0x37: {  	[tilespmem:s19], [sflag:$0x4] =	stream.linear.gather [hbm4b:s18+s8], $0x1000, $0x38;
	[tilespmem:$0x18500] =	vst v63  }
0x38: {  	s20 =	rddreg [dreg:$0x10];
	s21 =	simm.s32 $0x10000  }
0x39: {  	[tilespmem:s21], [sflag:$0x5] =	stream.linear.gather [hbm4b:s20+s8], $0x1000, $0x38;
	[tilespmem:$0x18500] =	vst v63  }
0x3a: {  	s22 =	rddreg [dreg:$0x11];
	s23 =	simm.s32 $0x11000  }
0x3b: {  	[tilespmem:s23], [sflag:$0x5] =	stream.linear.gather [hbm4b:s22+s8], $0x1000, $0x38;
	[tilespmem:$0x18500] =	vst v63  }
0x3c: {  	s24 =	rddreg [dreg:$0x12];
	s25 =	simm.s32 $0x12000  }
0x3d: {  	[tilespmem:s25], [sflag:$0x5] =	stream.linear.gather [hbm4b:s24+s8], $0x1000, $0x38;
	[tilespmem:$0x18500] =	vst v63  }
0x3e: {  	s18 =	rddreg [dreg:$0x13];
	s19 =	simm.s32 $0x14000  }
0x3f: {  	[tilespmem:s19], [sflag:$0x6] =	stream.linear.gather [hbm4b:s18+s8], $0x1000, $0x38;
	[tilespmem:$0x18500] =	vst v63  }
0x40: {  	s20 =	rddreg [dreg:$0x14];
	s21 =	simm.s32 $0x15000  }
0x41: {  	[tilespmem:s21], [sflag:$0x6] =	stream.linear.gather [hbm4b:s20+s8], $0x1000, $0x38;
	[tilespmem:$0x18500] =	vst v63  }
0x42: {  	s22 =	rddreg [dreg:$0x15];
	s23 =	simm.s32 $0x16000  }
0x43: {  	[tilespmem:s23], [sflag:$0x6] =	stream.linear.gather [hbm4b:s22+s8], $0x1000, $0x38;
	[tilespmem:$0x18500] =	vst v63  }
0x44: {  	s24 =	rddreg [dreg:$0x3];
	s25 =	simm.s32 $0x18400  }
0x45: {  	[tilespmem:s25], [sflag:$0x7] =	stream.linear.gather [hbm4b:s24+s8], $0x3, $0x38;
	[tilespmem:$0x18500] =	vst v63  }
0x46: {  	s18 =	rddreg [dreg:$0x4];
	s19 =	simm.s32 $0x18480  }
0x47: {  	[tilespmem:s19], [sflag:$0x7] =	stream.linear.gather [hbm4b:s18+s8], $0x1, $0x38;
	[tilespmem:$0x18500] =	vst v63  }
0x48: {  	_ =	swait.ge [sflag:s6], $0x3  }
0x49: {  	[sflag:s6] =	ssyncset.done $0x0  }
0x4a: {  	[sflag:s6] =	ssyncadd.s32 $0xFFFFFFFD  }
0x4b: {  	_ =	swait.ge [sflag:s6], $0x1  }
0x4c: {  	[sflag:s6] =	ssyncset.done $0x0  }
0x4d: {  	[sflag:s6] =	ssyncadd.s32 $0xFFFFFFFF  }
0x4e: {  	v4 =	vld [tilespmem:$0x18400];
	_ =	sdelay $0x4  }
0x4f: {  	(v2sf) =	vpush v4, $0x0  }
0x50: {  	(v2sf) =	vpush v4, $0x1  }
0x51: {  	(v2sf) =	vpush v4, $0x2;
	_ =	sdelay $0xc  }
0x52: {  	s20 =	spop (v2sf)  }
0x53: {  	s21 =	spop (v2sf)  }
0x54: {  	s16 =	smax.f32 s20, s21;
	s22 =	spop (v2sf)  }
0x55: {  	s16 =	smax.f32 s16, s22  }
0x56: {  	v4 =	vnsel vm0, $0xF149F2CA, v4;
	v5 =	vmov s16  }
0x57: {  	v4 =	vsub.f32 v4, v5;
	_ =	sdelay $0x1  }
0x58: {  	v4 =	vmul.f32 $1.442695020e+00, v4;
	_ =	sdelay $0x1  }
0x59: {  	(erf) = vpow2.f32 v4;
	_ =	sdelay $0x8  }
0x5a: {  	v4 =	vpop (erf)  }
0x5b: {  	(v2sf) =	vpush v4, $0x0  }
0x5c: {  	(v2sf) =	vpush v4, $0x1;
	_ =	sdelay $0x1  }
0x5d: {  	(v2sf) =	vpush v4, $0x2;
	_ =	sdelay $0xb  }
0x5e: {  	s23 =	spop (v2sf)  }
0x5f: {  	s24 =	spop (v2sf)  }
0x60: {  	s16 =	sadd.f32 s24, s23  }
0x61: {  	s25 =	spop (v2sf)  }
0x62: {  	s16 =	sadd.f32 s16, s25;
	_ =	sdelay $0x1  }
0x63: {  	v5 =	vmov s16  }
0x64: {  	(erf) = vrcp.f32 v5;
	_ =	sdelay $0x8  }
0x65: {  	v5 =	vpop (erf)  }
0x66: {  	v7 =	vmul.f32 v5, v4;
	_ =	sdelay $0x1  }
0x67: {  	v4 =	vbroadcast v7, $0x0  }
0x68: {  	v6 =	vbroadcast v7, $0x1;
	v7 =	vbroadcast v7, $0x2  }
0x69: {  	s17 =	simm.s32 $0x0;
	v5 =	vld [tilespmem:$0x18480]  }
.LBB2_2:
0x6a: {  	s16 =	sadd.s32 $0x1, s17  }
0x6b: {  	_ =	swait.ge [sflag:s16], $0x1000  }
0x6c: {  	[sflag:s16] =	ssyncset.done $0x0  }
0x6d: {  	[sflag:s16] =	ssyncadd.s32 $0xFFFFF000  }
0x6e: {  	_ =	swait.ge [sflag:s16], $0x1000  }
0x6f: {  	[sflag:s16] =	ssyncset.done $0x0  }
0x70: {  	s18 =	sshll.u32 s17, $0x10;
	s19 =	simm.s32 $0x0;
	[sflag:s16] =	ssyncadd.s32 $0xFFFFF000  }
0x71: {  	s18 =	sshra.s32 s18, $0x2;
	s20 =	sand.u32 $0x800, s19;
	_ =	swait.ge [sflag:s16], $0x1000  }
0x72: {  	s19 =	sand.u32 $0x380, s19;
	s20 =	sadd.s32 s20, s18;
	[sflag:s16] =	ssyncset.done $0x0  }
0x73: {  	s19 =	sadd.s32 s19, s20;
	[sflag:s16] =	ssyncadd.s32 $0xFFFFF000  }
0x74: {  	v8 =	vld [tilespmem:s19+$0x470]  }
0x75: {  	v9 =	vld [tilespmem:s19+$0x1470]  }
0x76: {  	v10 =	vld [tilespmem:s19+$0x0]  }
0x77: {  	v11 =	vld [tilespmem:s19+$0x2470]  }
0x78: {  	v12 =	vld [tilespmem:s19+$0x1000]  }
0x79: {  	v13 =	vld [tilespmem:s19+$0x10]  }
0x7a: {  	v14 =	vld [tilespmem:s19+$0x1010]  }
0x7b: {  	v15 =	vld [tilespmem:s19+$0x20]  }
0x7c: {  	v16 =	vld [tilespmem:s19+$0x1020]  }
0x7d: {  	v17 =	vld [tilespmem:s19+$0x30]  }
0x7e: {  	v18 =	vld [tilespmem:s19+$0x1030]  }
0x7f: {  	v19 =	vld [tilespmem:s19+$0x40]  }
0x80: {  	v20 =	vld [tilespmem:s19+$0x1040]  }
0x81: {  	v21 =	vld [tilespmem:s19+$0x50]  }
0x82: {  	v22 =	vld [tilespmem:s19+$0x1050]  }
0x83: {  	v23 =	vld [tilespmem:s19+$0x60]  }
0x84: {  	v24 =	vld [tilespmem:s19+$0x1060]  }
0x85: {  	v25 =	vld [tilespmem:s19+$0x70]  }
0x86: {  	v26 =	vld [tilespmem:s19+$0x1070]  }
0x87: {  	v30 =	vld [tilespmem:s19+$0x1410]  }
0x88: {  	v32 =	vld [tilespmem:s19+$0x1420]  }
0x89: {  	v33 =	vld [tilespmem:s19+$0x430]  }
0x8a: {  	v34 =	vld [tilespmem:s19+$0x440];
	v8 =	vmul.f32 v8, v4;
	v9 =	vmul.f32 v9, v6  }
0x8b: {  	v27 =	vld [tilespmem:s19+$0x400];
	v10 =	vmul.f32 v10, v4;
	v11 =	vmul.f32 v11, v7  }
0x8c: {  	v28 =	vld [tilespmem:s19+$0x1400];
	v12 =	vmul.f32 v12, v6;
	v15 =	vmul.f32 v15, v4  }
0x8d: {  	v29 =	vld [tilespmem:s19+$0x410];
	v16 =	vmul.f32 v16, v6;
	v57 =	vmul.f32 v30, v6  }
0x8e: {  	v31 =	vld [tilespmem:s19+$0x420];
	v59 =	vmul.f32 v32, v6;
	v33 =	vmul.f32 v33, v4  }
0x8f: {  	v58 =	vld [tilespmem:s19+$0x2010];
	v34 =	vmul.f32 v34, v4;
	v8 =	vadd.f32 v9, v8;
	v9 =	vmul.f32 v13, v4  }
0x90: {  	v60 =	vld [tilespmem:s19+$0x2020];
	v13 =	vmul.f32 v14, v6;
	v15 =	vadd.f32 v16, v15;
	v16 =	vmul.f32 v23, v4  }
0x91: {  	v36 =	vld [tilespmem:s19+$0x2030];
	v35 =	vadd.f32 v11, v8;
	v8 =	vmul.f32 v17, v4;
	v11 =	vmul.f32 v18, v6  }
0x92: {  	v14 =	vld [tilespmem:s19+$0x1430];
	v18 =	vadd.f32 v12, v10;
	v10 =	vmul.f32 v19, v4;
	v12 =	vmul.f32 v20, v6  }
0x93: {  	v17 =	vld [tilespmem:s19+$0x1440];
	v20 =	vadd.f32 v13, v9;
	v9 =	vmul.f32 v21, v4;
	v13 =	vmul.f32 v22, v6  }
0x94: {  	v19 =	vld [tilespmem:s19+$0x450];
	v22 =	vmul.f32 v24, v6;
	v24 =	vadd.f32 v11, v8;
	v8 =	vmul.f32 v25, v4  }
0x95: {  	v11 =	vmul.f32 v26, v6;
	v26 =	vadd.f32 v12, v10;
	v10 =	vmul.f32 v27, v4;
	v27 =	vld [tilespmem:s19+$0x2000]  }
0x96: {  	v37 =	vld [tilespmem:s19+$0x2040];
	v12 =	vmul.f32 v28, v6;
	v56 =	vadd.f32 v13, v9;
	v13 =	vmul.f32 v29, v4  }
0x97: {  	v21 =	vld [tilespmem:s19+$0x1450];
	v22 =	vadd.f32 v22, v16;
	v14 =	vmul.f32 v14, v6;
	v8 =	vadd.f32 v11, v8  }
0x98: {  	v23 =	vld [tilespmem:s19+$0x460];
	v16 =	vmul.f32 v31, v4;
	v9 =	vadd.f32 v12, v10;
	v11 =	vadd.f32 v57, v13  }
0x99: {  	v25 =	vld [tilespmem:s19+$0x1460];
	v17 =	vmul.f32 v17, v6;
	v12 =	vadd.f32 v14, v33;
	v14 =	vmul.f32 v58, v7  }
0x9a: {  	v10 =	vadd.f32 v59, v16;
	v19 =	vmul.f32 v19, v4;
	v16 =	vmul.f32 v27, v7;
	v27 =	vld [tilespmem:s19+$0x2050]  }
0x9b: {  	v61 =	vld [tilespmem:s19+$0x2060];
	v13 =	vadd.f32 v17, v34;
	v17 =	vmul.f32 v60, v7;
	v14 =	vadd.f32 v14, v20  }
0x9c: {  	v62 =	vld [tilespmem:s19+$0x2070];
	v21 =	vmul.f32 v21, v6;
	v20 =	vmul.f32 v37, v7;
	v16 =	vadd.f32 v16, v18  }
0x9d: {  	v63 =	vld [tilespmem:s19+$0x2400];
	v18 =	vmul.f32 v36, v7;
	v15 =	vadd.f32 v17, v15;
	[tilespmem:s19+$0x3010] =	vst v14  }
0x9e: {  	v17 =	vld [tilespmem:s19+$0x2410];
	v14 =	vadd.f32 v21, v19;
	v19 =	vadd.f32 v20, v26;
	[tilespmem:s19+$0x3000] =	vst v16;
	v16 =	vmul.f32 v23, v4  }
0x9f: {  	[tilespmem:s19+$0x3470] =	vst v35;
	v23 =	vmul.f32 v25, v6;
	v24 =	vadd.f32 v18, v24;
	v18 =	vld [tilespmem:s19+$0x2420];
	v25 =	vmul.f32 v27, v7  }
0xa0: {  	s25 =	simm.s32 $0x100;
	v26 =	vmul.f32 v61, v7;
	v20 =	vld [tilespmem:s19+$0x2430];
	[tilespmem:s19+$0x3020] =	vst v15  }
0xa1: {  	s21 =	sand.u32 $0x800, s25;
	s20 =	simm.s32 $0x80;
	v21 =	vld [tilespmem:s19+$0x2440];
	[tilespmem:s19+$0x3040] =	vst v19;
	v15 =	vadd.f32 v23, v16;
	v23 =	vmul.f32 v62, v7;
	v16 =	vadd.f32 v25, v56  }
0xa2: {  	s23 =	sadd.s32 s21, s18;
	s21 =	simm.s32 $0x200;
	s22 =	sand.u32 $0x380, s20;
	v19 =	vadd.f32 v26, v22;
	v22 =	vld [tilespmem:s19+$0x2450];
	[tilespmem:s19+$0x3030] =	vst v24;
	v24 =	vmul.f32 v63, v7  }
.LBB2_3:
0xa3: {  	p0 =	sne.s32 s21, $0xF00;
	s22 =	sadd.s32 s22, s23;
	[tilespmem:s19+$0x3050] =	vst v16;
	v8 =	vadd.f32 v23, v8;
	v16 =	vmul.f32 v17, v7;
	v17 =	vld [tilespmem:s19+$0x2460]  }
0xa4: {  	v23 =	vld [tilespmem:s22+$0x470];
	[tilespmem:s19+$0x3060] =	vst v19;
	v9 =	vadd.f32 v24, v9;
	v18 =	vmul.f32 v18, v7  }
0xa5: {  	v19 =	vld [tilespmem:s22+$0x1470];
	[tilespmem:s19+$0x3070] =	vst v8;
	v8 =	vadd.f32 v16, v11;
	v11 =	vmul.f32 v20, v7  }
0xa6: {  	v16 =	vld [tilespmem:s22+$0x0];
	[tilespmem:s19+$0x3400] =	vst v9;
	v9 =	vadd.f32 v18, v10;
	v10 =	vmul.f32 v21, v7  }
0xa7: {  	v18 =	vld [tilespmem:s22+$0x2470];
	[tilespmem:s19+$0x3410] =	vst v8;
	v8 =	vadd.f32 v11, v12;
	v11 =	vmul.f32 v22, v7  }
0xa8: {  	v12 =	vld [tilespmem:s22+$0x1000];
	[tilespmem:s19+$0x3420] =	vst v9;
	v9 =	vadd.f32 v10, v13;
	v10 =	vmul.f32 v17, v7  }
0xa9: {  	v13 =	vld [tilespmem:s22+$0x10];
	[tilespmem:s19+$0x3430] =	vst v8;
	v8 =	vadd.f32 v11, v14  }
0xaa: {  	v14 =	vmul.f32 v23, v4;
	v11 =	vld [tilespmem:s22+$0x1010];
	v17 =	vmul.f32 v19, v6;
	[tilespmem:s19+$0x3440] =	vst v9;
	v9 =	vadd.f32 v10, v15  }
0xab: {  	v10 =	vmul.f32 v16, v4;
	v15 =	vld [tilespmem:s22+$0x20];
	[tilespmem:s19+$0x3450] =	vst v8  }
0xac: {  	v8 =	vld [tilespmem:s22+$0x1020];
	v14 =	vadd.f32 v17, v14;
	v16 =	vmul.f32 v18, v7;
	[tilespmem:s19+$0x3460] =	vst v9;
	s19 =	smov.u32 s22  }
0xad: {  	v9 =	vmul.f32 v12, v6;
	v12 =	vld [tilespmem:s19+$0x30]  }
0xae: {  	v13 =	vmul.f32 v13, v4;
	v17 =	vld [tilespmem:s19+$0x1030];
	v14 =	vadd.f32 v16, v14  }
0xaf: {  	v16 =	vadd.f32 v9, v10;
	v9 =	vmul.f32 v11, v6;
	v10 =	vld [tilespmem:s19+$0x40]  }
0xb0: {  	v11 =	vmul.f32 v15, v4;
	v15 =	vld [tilespmem:s19+$0x1040];
	[tilespmem:s19+$0x3470] =	vst v14  }
0xb1: {  	v18 =	vadd.f32 v9, v13;
	v8 =	vmul.f32 v8, v6;
	v9 =	vld [tilespmem:s19+$0x50]  }
0xb2: {  	v12 =	vmul.f32 v12, v4;
	v13 =	vld [tilespmem:s19+$0x1050]  }
0xb3: {  	v19 =	vadd.f32 v8, v11;
	v8 =	vmul.f32 v17, v6;
	v11 =	vld [tilespmem:s19+$0x60]  }
0xb4: {  	v10 =	vmul.f32 v10, v4;
	v14 =	vld [tilespmem:s19+$0x1060]  }
0xb5: {  	v20 =	vadd.f32 v8, v12;
	v8 =	vmul.f32 v15, v6;
	v12 =	vld [tilespmem:s19+$0x70]  }
0xb6: {  	v9 =	vmul.f32 v9, v4;
	v15 =	vld [tilespmem:s19+$0x1070]  }
0xb7: {  	v21 =	vadd.f32 v8, v10;
	v8 =	vmul.f32 v13, v6;
	v10 =	vld [tilespmem:s19+$0x400]  }
0xb8: {  	v11 =	vmul.f32 v11, v4;
	v13 =	vld [tilespmem:s19+$0x1400]  }
0xb9: {  	v22 =	vadd.f32 v8, v9;
	v8 =	vmul.f32 v14, v6;
	v9 =	vld [tilespmem:s19+$0x410]  }
0xba: {  	v12 =	vmul.f32 v12, v4;
	v14 =	vld [tilespmem:s19+$0x1410]  }
0xbb: {  	v24 =	vadd.f32 v8, v11;
	v8 =	vmul.f32 v15, v6;
	v11 =	vld [tilespmem:s19+$0x420]  }
0xbc: {  	v10 =	vmul.f32 v10, v4;
	v15 =	vld [tilespmem:s19+$0x1420]  }
0xbd: {  	v8 =	vadd.f32 v8, v12;
	v12 =	vmul.f32 v13, v6;
	v13 =	vld [tilespmem:s19+$0x430]  }
0xbe: {  	v17 =	vmul.f32 v9, v4;
	v23 =	vld [tilespmem:s19+$0x1430]  }
0xbf: {  	v9 =	vadd.f32 v12, v10;
	v10 =	vmul.f32 v14, v6;
	v12 =	vld [tilespmem:s19+$0x440]  }
0xc0: {  	v14 =	vmul.f32 v11, v4;
	v25 =	vld [tilespmem:s19+$0x1440]  }
0xc1: {  	v11 =	vadd.f32 v10, v17;
	v10 =	vmul.f32 v15, v6;
	v15 =	vld [tilespmem:s19+$0x450]  }
0xc2: {  	v13 =	vmul.f32 v13, v4;
	v17 =	vld [tilespmem:s19+$0x1450]  }
0xc3: {  	v10 =	vadd.f32 v10, v14;
	v14 =	vmul.f32 v23, v6;
	v23 =	vld [tilespmem:s19+$0x460]  }
0xc4: {  	v26 =	vmul.f32 v12, v4;
	v27 =	vld [tilespmem:s19+$0x1460]  }
0xc5: {  	v28 =	vld [tilespmem:s19+$0x2000];
	v12 =	vadd.f32 v14, v13;
	v13 =	vmul.f32 v25, v6  }
0xc6: {  	v25 =	vld [tilespmem:s19+$0x2010];
	v14 =	vmul.f32 v15, v4  }
0xc7: {  	v29 =	vld [tilespmem:s19+$0x2020];
	v13 =	vadd.f32 v13, v26;
	v15 =	vmul.f32 v17, v6  }
0xc8: {  	v17 =	vld [tilespmem:s19+$0x2030];
	v23 =	vmul.f32 v23, v4  }
0xc9: {  	v26 =	vld [tilespmem:s19+$0x2040];
	v14 =	vadd.f32 v15, v14;
	v15 =	vmul.f32 v27, v6  }
0xca: {  	v27 =	vmul.f32 v28, v7;
	v28 =	vld [tilespmem:s19+$0x2050]  }
0xcb: {  	v25 =	vmul.f32 v25, v7;
	v30 =	vld [tilespmem:s19+$0x2060];
	v15 =	vadd.f32 v15, v23  }
0xcc: {  	v16 =	vadd.f32 v27, v16;
	v23 =	vmul.f32 v29, v7;
	v27 =	vld [tilespmem:s19+$0x2070]  }
0xcd: {  	v18 =	vadd.f32 v25, v18;
	v25 =	vmul.f32 v17, v7;
	v29 =	vld [tilespmem:s19+$0x2400]  }
.Ltmp2:
0xce: {  	[tilespmem:s19+$0x3000] =	vst v16;
	v16 =	vadd.f32 v23, v19;
	v19 =	vmul.f32 v26, v7;
	v17 =	vld [tilespmem:s19+$0x2410];
	(pc) =	sbr.rel @p0 .LBB2_3-.Ltmp2, $4  }
0xcf: {  	[tilespmem:s19+$0x3010] =	vst v18;
	v23 =	vadd.f32 v25, v20;
	v25 =	vmul.f32 v28, v7;
	v18 =	vld [tilespmem:s19+$0x2420]  }
0xd0: {  	[tilespmem:s19+$0x3020] =	vst v16;
	v19 =	vadd.f32 v19, v21;
	v26 =	vmul.f32 v30, v7;
	v20 =	vld [tilespmem:s19+$0x2430]  }
0xd1: {  	s23 =	sand.u32 $0x800, s21;
	s20 =	sadd.s32 $0x80, s20;
	[tilespmem:s19+$0x3030] =	vst v23;
	v16 =	vadd.f32 v25, v22;
	v23 =	vmul.f32 v27, v7;
	v21 =	vld [tilespmem:s19+$0x2440]  }
0xd2: {  	s21 =	sadd.s32 $0x100, s21;
	s23 =	sadd.s32 s23, s18;
	s22 =	sand.u32 $0x380, s20;
	[tilespmem:s19+$0x3040] =	vst v19;
	v19 =	vadd.f32 v26, v24;
	v24 =	vmul.f32 v29, v7;
	v22 =	vld [tilespmem:s19+$0x2450]  }
0xd3: {  	s20 =	sadd.s32 s22, s23;
	v25 =	vld [tilespmem:s19+$0x2460]  }
0xd4: {  	v26 =	vld [tilespmem:s20+$0x470]  }
0xd5: {  	v27 =	vld [tilespmem:s20+$0x1470]  }
0xd6: {  	v28 =	vld [tilespmem:s20+$0x0]  }
0xd7: {  	v29 =	vld [tilespmem:s20+$0x2470]  }
0xd8: {  	v30 =	vld [tilespmem:s20+$0x1000]  }
0xd9: {  	v31 =	vld [tilespmem:s20+$0x10]  }
0xda: {  	v32 =	vld [tilespmem:s20+$0x1010]  }
0xdb: {  	v33 =	vld [tilespmem:s20+$0x20]  }
0xdc: {  	v34 =	vld [tilespmem:s20+$0x1020]  }
0xdd: {  	v35 =	vld [tilespmem:s20+$0x30]  }
0xde: {  	v36 =	vld [tilespmem:s20+$0x1030]  }
0xdf: {  	v37 =	vld [tilespmem:s20+$0x40]  }
0xe0: {  	v38 =	vld [tilespmem:s20+$0x1040]  }
0xe1: {  	v39 =	vld [tilespmem:s20+$0x50]  }
0xe2: {  	v40 =	vld [tilespmem:s20+$0x1050]  }
0xe3: {  	v41 =	vld [tilespmem:s20+$0x60]  }
0xe4: {  	v42 =	vld [tilespmem:s20+$0x1060]  }
0xe5: {  	v43 =	vld [tilespmem:s20+$0x70]  }
0xe6: {  	v44 =	vld [tilespmem:s20+$0x1070]  }
0xe7: {  	v45 =	vld [tilespmem:s20+$0x400]  }
0xe8: {  	v17 =	vmul.f32 v17, v7;
	v46 =	vld [tilespmem:s20+$0x1400]  }
0xe9: {  	v47 =	vld [tilespmem:s20+$0x410];
	v18 =	vmul.f32 v18, v7;
	v20 =	vmul.f32 v20, v7  }
0xea: {  	v8 =	vadd.f32 v23, v8;
	v23 =	vld [tilespmem:s20+$0x1410];
	v60 =	vmul.f32 v21, v7;
	v61 =	vmul.f32 v22, v7  }
0xeb: {  	v9 =	vadd.f32 v24, v9;
	v24 =	vld [tilespmem:s20+$0x420];
	v48 =	vmul.f32 v25, v7;
	v62 =	vmul.f32 v26, v4  }
0xec: {  	v22 =	vld [tilespmem:s20+$0x1420];
	v63 =	vmul.f32 v27, v6;
	v49 =	vmul.f32 v29, v7  }
0xed: {  	v12 =	vadd.f32 v20, v12;
	v20 =	vld [tilespmem:s20+$0x1430];
	v50 =	vmul.f32 v28, v4;
	v51 =	vmul.f32 v30, v6  }
0xee: {  	v25 =	vld [tilespmem:s20+$0x440];
	v52 =	vmul.f32 v31, v4;
	v53 =	vmul.f32 v32, v6  }
0xef: {  	v27 =	vld [tilespmem:s20+$0x430];
	v54 =	vmul.f32 v33, v4;
	v55 =	vmul.f32 v34, v6  }
0xf0: {  	v28 =	vld [tilespmem:s20+$0x1440];
	v56 =	vmul.f32 v35, v4;
	v57 =	vmul.f32 v36, v6  }
0xf1: {  	v13 =	vadd.f32 v60, v13;
	v30 =	vld [tilespmem:s20+$0x450];
	v58 =	vmul.f32 v37, v4;
	v59 =	vmul.f32 v38, v6  }
0xf2: {  	v14 =	vadd.f32 v61, v14;
	v32 =	vld [tilespmem:s20+$0x1450];
	v60 =	vmul.f32 v39, v4;
	v61 =	vmul.f32 v40, v6  }
0xf3: {  	[tilespmem:s19+$0x3050] =	vst v16;
	v11 =	vadd.f32 v17, v11;
	v33 =	vld [tilespmem:s20+$0x460];
	v40 =	vmul.f32 v42, v6;
	v42 =	vmul.f32 v43, v4  }
0xf4: {  	[tilespmem:s19+$0x3060] =	vst v19;
	v10 =	vadd.f32 v18, v10;
	v34 =	vld [tilespmem:s20+$0x1460];
	v43 =	vmul.f32 v44, v6;
	v45 =	vmul.f32 v45, v4  }
0xf5: {  	[tilespmem:s19+$0x3070] =	vst v8;
	v44 =	vld [tilespmem:s20+$0x2020];
	v46 =	vmul.f32 v46, v6;
	v15 =	vadd.f32 v48, v15;
	v18 =	vadd.f32 v63, v62  }
0xf6: {  	[tilespmem:s19+$0x3400] =	vst v9;
	v23 =	vmul.f32 v23, v6;
	v48 =	vld [tilespmem:s20+$0x2030];
	v17 =	vadd.f32 v51, v50;
	v16 =	vadd.f32 v53, v52  }
0xf7: {  	[tilespmem:s19+$0x3410] =	vst v11;
	v24 =	vmul.f32 v24, v4;
	v19 =	vadd.f32 v55, v54;
	v8 =	vadd.f32 v57, v56;
	v62 =	vld [tilespmem:s20+$0x2000]  }
0xf8: {  	[tilespmem:s19+$0x3420] =	vst v10;
	v9 =	vadd.f32 v59, v58;
	v63 =	vmul.f32 v41, v4;
	v41 =	vld [tilespmem:s20+$0x2010];
	v11 =	vadd.f32 v61, v60  }
0xf9: {  	[tilespmem:s19+$0x3440] =	vst v13;
	v50 =	vmul.f32 v47, v4;
	v51 =	vld [tilespmem:s20+$0x2040];
	v13 =	vadd.f32 v46, v45;
	v54 =	vmul.f32 v22, v6  }
0xfa: {  	[tilespmem:s19+$0x3430] =	vst v12;
	v56 =	vld [tilespmem:s20+$0x2060];
	v60 =	vmul.f32 v20, v6;
	v18 =	vadd.f32 v49, v18;
	v58 =	vmul.f32 v44, v7  }
0xfb: {  	v53 =	vld [tilespmem:s20+$0x2050];
	[tilespmem:s19+$0x3450] =	vst v14;
	v10 =	vadd.f32 v40, v63;
	v49 =	vadd.f32 v43, v42;
	v61 =	vmul.f32 v48, v7  }
0xfc: {  	v38 =	vld [tilespmem:s20+$0x2420];
	[tilespmem:s19+$0x3460] =	vst v15;
	v14 =	vadd.f32 v23, v50;
	v52 =	vmul.f32 v62, v7;
	v63 =	vadd.f32 v58, v19  }
0xfd: {  	v59 =	vld [tilespmem:s20+$0x2070];
	v39 =	vmul.f32 v25, v4;
	[tilespmem:s20+$0x3470] =	vst v18;
	v55 =	vmul.f32 v41, v7;
	v8 =	vadd.f32 v61, v8  }
0xfe: {  	v57 =	vmul.f32 v27, v4;
	v44 =	vld [tilespmem:s20+$0x2440];
	v35 =	vmul.f32 v51, v7;
	v17 =	vadd.f32 v52, v17;
	[tilespmem:s20+$0x3020] =	vst v63  }
0xff: {  	v36 =	vld [tilespmem:s20+$0x2410];
	v21 =	vadd.f32 v54, v24;
	v40 =	vmul.f32 v56, v7;
	v16 =	vadd.f32 v55, v16;
	[tilespmem:s20+$0x3030] =	vst v8  }
0x100: {  	v42 =	vmul.f32 v28, v6;
	v62 =	vld [tilespmem:s20+$0x2400];
	v37 =	vmul.f32 v53, v7;
	v9 =	vadd.f32 v35, v9;
	[tilespmem:s20+$0x3000] =	vst v17  }
0x101: {  	v45 =	vmul.f32 v30, v4;
	v41 =	vld [tilespmem:s20+$0x2430];
	v53 =	vmul.f32 v38, v7;
	v46 =	vadd.f32 v40, v10;
	[tilespmem:s20+$0x3010] =	vst v16  }
0x102: {  	v50 =	vld [tilespmem:s20+$0x2460];
	v15 =	vadd.f32 v60, v57;
	v43 =	vmul.f32 v59, v7;
	v8 =	vadd.f32 v37, v11;
	[tilespmem:s20+$0x3040] =	vst v9  }
0x103: {  	v48 =	vld [tilespmem:s20+$0x2450];
	v20 =	vadd.f32 v42, v39;
	v57 =	vadd.f32 v53, v21;
	v58 =	vmul.f32 v44, v7;
	[tilespmem:s20+$0x3060] =	vst v46  }
0x104: {  	v54 =	vmul.f32 v33, v4;
	[tilespmem:s20+$0x3050] =	vst v8;
	v8 =	vadd.f32 v43, v49;
	v49 =	vmul.f32 v36, v7  }
0x105: {  	v56 =	vmul.f32 v34, v6;
	[tilespmem:s20+$0x3420] =	vst v57;
	v47 =	vmul.f32 v62, v7;
	v61 =	vadd.f32 v58, v20  }
0x106: {  	v51 =	vmul.f32 v32, v6;
	v55 =	vmul.f32 v41, v7;
	[tilespmem:s20+$0x3070] =	vst v8;
	v8 =	vadd.f32 v49, v14  }
0x107: {  	v62 =	vmul.f32 v50, v7;
	v52 =	vadd.f32 v47, v13;
	v13 =	vadd.f32 v56, v54;
	[tilespmem:s20+$0x3440] =	vst v61  }
0x108: {  	p0 =	sne.s32 s16, $0x6;
	v59 =	vadd.f32 v51, v45;
	v60 =	vmul.f32 v48, v7;
	[tilespmem:s20+$0x3410] =	vst v8;
	v8 =	vadd.f32 v55, v15  }
.Ltmp3:
0x109: {  	[tilespmem:s20+$0x3400] =	vst v52;
	v63 =	vadd.f32 v62, v13;
	(pc) =	sbr.rel @p0 .LBB2_2-.Ltmp3, $4  }
0x10a: {  	[tilespmem:s20+$0x3430] =	vst v8;
	v8 =	vadd.f32 v60, v59  }
0x10b: {  	s24 =	sshll.u32 s17, $0x9;
	s18 =	sadd.s32 $0x3000, s18;
	[tilespmem:s20+$0x3460] =	vst v63  }
0x10c: {  	s25 =	sadd.s32 $0x7, s17;
	s17 =	smov.u32 s16;
	s19 =	sadd.s32 s24, s28;
	[tilespmem:s20+$0x3450] =	vst v8  }
0x10d: {  	[hbm4b:s19+s8] =	stream.linear.scatter [tilespmem:s18], [sflag:s25], $0x1000, $0x38;
	[tilespmem:$0x18500] =	vst v63  }
0x10e: {  	_ =	swait.ge [sflag:s6], $0x1000  }
0x10f: {  	[sflag:s6] =	ssyncset.done $0x0  }
0x110: {  	[sflag:s6] =	ssyncadd.s32 $0xFFFFF000  }
0x111: {  	_ =	swait.ge [sflag:s1], $0x1000  }
0x112: {  	[sflag:s1] =	ssyncset.done $0x0  }
0x113: {  	[sflag:s1] =	ssyncadd.s32 $0xFFFFF000  }
0x114: {  	_ =	swait.ge [sflag:s4], $0x1000  }
0x115: {  	[sflag:s4] =	ssyncset.done $0x0  }
0x116: {  	[sflag:s4] =	ssyncadd.s32 $0xFFFFF000  }
0x117: {  	_ =	swait.ge [sflag:s9], $0x1000  }
0x118: {  	[sflag:s9] =	ssyncset.done $0x0  }
0x119: {  	[sflag:s9] =	ssyncadd.s32 $0xFFFFF000  }
0x11a: {  	_ =	swait.ge [sflag:s10], $0x1000  }
0x11b: {  	[sflag:s10] =	ssyncset.done $0x0  }
0x11c: {  	[sflag:s10] =	ssyncadd.s32 $0xFFFFF000  }
0x11d: {  	_ =	swait.ge [sflag:s11], $0x1000  }
0x11e: {  	(v2sf) =	vpush v5, $0x0;
	_ =	sdelay $0xe  }
0x11f: {  	s16 =	spop (v2sf)  }
0x120: {  	p0 =	seq.s32 s16, $0x0  }
.Ltmp4:
0x121: {  	_ = 	snop;
	(pc) =	sbr.rel @p0 .LBB2_9-.Ltmp4, $3  }
0x122: {  	_ =	sdelay $0x1  }
0x123: {  	[sflag:s11] =	ssyncset.done $0x0  }
0x124: {  	s17 =	simm.s32 $0x0;
	[sflag:s11] =	ssyncadd.s32 $0xFFFFF000;
	s16 =	simm.s32 $0x0  }
.LBB2_6:
0x125: {  	s18 =	sshll.u32 s17, $0x4  }
0x126: {  	s18 =	sadd.s32 s29, s18  }
0x127: {  	v8 =	vadd.s32 s18, v5  }
0x128: {  	v8 =	vbroadcast v8, $0x0;
	_ =	sdelay $0x1  }
0x129: {  	v8 =	vadd.s32 v0, v8  }
0x12a: {  	vm2 =	vgt.s32 v8, $0x0  }
0x12b: {  	v8 =	vnsel vm2, $0x0, v8  }
0x12c: {  	v8 =	vmin.u32 v8, $0x1FFF  }
0x12d: {  	v9 =	vshll.u32 v8, $0x1  }
0x12e: {  	v10 =	vand.u32 $0x7, v8;
	v9 =	vand.u32 $0x3FF0, v9  }
0x12f: {  	v9 =	vor.u32 v10, v9  }
0x130: {  	v10 =	vperm.xlane v9, v1  }
0x131: {  	s18 =	sshll.u32 s18, $0x5  }
0x132: {  	s19 =	sadd.s32 s2, s18;
	v9 =	vperm.xlane v9, v3;
	v10 =	vadd.s32 v2, v10  }
0x133: {  	[tilespmem:s31], [sflag:$0x1] =	stream.linear.gather [hbm4b:s19+s16], $0x1000, $0x38;
	[tilespmem:$0x18500] =	vst v63  }
0x134: {  	s23 =	sadd.s32 s3, s18;
	v9 =	vadd.s32 v2, v9  }
0x135: {  	[tilespmem:s5], [sflag:$0x1] =	stream.linear.gather [hbm4b:s23+s16], $0x1000, $0x38;
	[tilespmem:$0x18500] =	vst v63  }
0x136: {  	[tilespmem:$0x18000] =	vst v8  }
0x137: {  	[tilespmem:s16], [sflag:$0x1] =	stream.indirect_vreg.gather [hbm4b:s0+s16], $0x80, v10, vm1, $0xb8;
	[tilespmem:$0x18500] =	vst v63  }
0x138: {  	_ = 	snop  }
0x139: {  	[tilespmem:s12], [sflag:$0x1] =	stream.indirect_vreg.gather [hbm4b:s0+s16], $0x80, v9, vm1, $0xb8;
	[tilespmem:$0x18500] =	vst v63  }
0x13a: {  	_ =	swait.ge [sflag:s13], $0x1000  }
0x13b: {  	[sflag:s13] =	ssyncset.done $0x0  }
0x13c: {  	[sflag:s13] =	ssyncadd.s32 $0xFFFFF000  }
0x13d: {  	_ =	swait.ge [sflag:s13], $0x1000  }
0x13e: {  	[sflag:s13] =	ssyncset.done $0x0  }
0x13f: {  	[sflag:s13] =	ssyncadd.s32 $0xFFFFF000  }
0x140: {  	_ =	swait.ge [sflag:s13], $0x1000  }
0x141: {  	s24 =	sand.u32 $0x800, s16;
	s20 =	sand.u32 $0x380, s16;
	[sflag:s13] =	ssyncset.done $0x0  }
0x142: {  	s19 =	sor.u32 s20, s24;
	[sflag:s13] =	ssyncadd.s32 $0xFFFFF000  }
0x143: {  	v8 =	vld [tilespmem:s19+$0x1070]  }
0x144: {  	v9 =	vld [tilespmem:s19+$0x20]  }
0x145: {  	v10 =	vld [tilespmem:s19+$0x1010]  }
0x146: {  	v11 =	vld [tilespmem:s19+$0x2000]  }
0x147: {  	v12 =	vld [tilespmem:s19+$0x1020]  }
0x148: {  	v13 =	vld [tilespmem:s19+$0x2020]  }
0x149: {  	v15 =	vld [tilespmem:s19+$0x30]  }
0x14a: {  	v16 =	vld [tilespmem:s19+$0x2030]  }
0x14b: {  	v17 =	vld [tilespmem:s19+$0x1000]  }
0x14c: {  	v18 =	vld [tilespmem:s19+$0x1030]  }
0x14d: {  	v19 =	vld [tilespmem:s19+$0x10]  }
0x14e: {  	v20 =	vld [tilespmem:s19+$0x0]  }
0x14f: {  	v21 =	vld [tilespmem:s19+$0x1060]  }
0x150: {  	v22 =	vld [tilespmem:s19+$0x70];
	v15 =	vmul.f32 v15, v4;
	v16 =	vmul.f32 v16, v7  }
0x151: {  	v23 =	vld [tilespmem:s19+$0x60];
	v17 =	vmul.f32 v17, v6;
	v12 =	vmul.f32 v12, v6  }
0x152: {  	v24 =	vld [tilespmem:s19+$0x1050];
	v11 =	vmul.f32 v11, v7;
	v10 =	vmul.f32 v10, v6  }
0x153: {  	v14 =	vld [tilespmem:s19+$0x2010];
	v19 =	vmul.f32 v19, v4;
	v20 =	vmul.f32 v20, v4  }
0x154: {  	v49 =	vld [tilespmem:s19+$0x2070];
	v9 =	vmul.f32 v9, v4;
	v18 =	vmul.f32 v18, v6  }
0x155: {  	v26 =	vld [tilespmem:s19+$0x50];
	v8 =	vmul.f32 v8, v6;
	v50 =	vmul.f32 v13, v7  }
0x156: {  	v25 =	vld [tilespmem:s19+$0x2060];
	v53 =	vmul.f32 v21, v6;
	v54 =	vmul.f32 v23, v4;
	v9 =	vadd.f32 v12, v9  }
0x157: {  	v52 =	vld [tilespmem:s19+$0x2050];
	v55 =	vmul.f32 v22, v4;
	v56 =	vmul.f32 v24, v6;
	v17 =	vadd.f32 v17, v20  }
0x158: {  	v14 =	vmul.f32 v14, v7;
	v10 =	vadd.f32 v10, v19;
	v9 =	vadd.f32 v50, v9  }
0x159: {  	v60 =	vmul.f32 v49, v7;
	v8 =	vadd.f32 v8, v55;
	v11 =	vadd.f32 v11, v17  }
0x15a: {  	v59 =	vmul.f32 v26, v4;
	v51 =	vadd.f32 v18, v15;
	v10 =	vadd.f32 v14, v10;
	[tilespmem:s19+$0x3020] =	vst v9  }
0x15b: {  	v58 =	vmul.f32 v25, v7;
	v57 =	vadd.f32 v53, v54;
	v8 =	vadd.f32 v60, v8;
	[tilespmem:s19+$0x3000] =	vst v11  }
0x15c: {  	v61 =	vadd.f32 v56, v59;
	v15 =	vmul.f32 v52, v7;
	v9 =	vadd.f32 v16, v51;
	[tilespmem:s19+$0x3010] =	vst v10  }
0x15d: {  	v11 =	vadd.f32 v58, v57;
	[tilespmem:s19+$0x3070] =	vst v8  }
0x15e: {  	s25 =	sand.u32 $0xFFFFF800, s16;
	[tilespmem:s19+$0x3030] =	vst v9;
	v9 =	vadd.f32 v15, v61  }
0x15f: {  	s20 =	sadd.s32 $0x0, s25;
	v10 =	vld [tilespmem:s19+$0x400];
	[tilespmem:s19+$0x3060] =	vst v11  }
0x160: {  	s22 =	sor.u32 $0x1400, s20;
	v8 =	vld [tilespmem:s19+$0x1040];
	[tilespmem:s19+$0x3050] =	vst v9  }
0x161: {  	v9 =	vld [tilespmem:s22+$0x0]  }
0x162: {  	s23 =	sor.u32 $0x2400, s20;
	v11 =	vld [tilespmem:s19+$0x40]  }
0x163: {  	v62 =	vld [tilespmem:s23+$0x0]  }
0x164: {  	v63 =	vld [tilespmem:s19+$0x2040];
	_ =	sdelay $0x1  }
0x165: {  	v10 =	vmul.f32 v10, v4;
	v9 =	vmul.f32 v9, v6  }
0x166: {  	v8 =	vmul.f32 v8, v6;
	v11 =	vmul.f32 v11, v4  }
0x167: {  	v9 =	vadd.f32 v9, v10;
	v10 =	vmul.f32 v62, v7  }
0x168: {  	v8 =	vadd.f32 v8, v11;
	v11 =	vmul.f32 v63, v7  }
0x169: {  	v9 =	vadd.f32 v10, v9  }
0x16a: {  	s24 =	sor.u32 $0x3400, s20;
	v8 =	vadd.f32 v11, v8  }
0x16b: {  	[tilespmem:s24+$0x0] =	vst v9  }
0x16c: {  	[tilespmem:s19+$0x3040] =	vst v8;
	v8 =	vld [tilespmem:s19+$0x410]  }
0x16d: {  	v9 =	vld [tilespmem:s22+$0x10];
	_ =	sdelay $0x1  }
0x16e: {  	v10 =	vld [tilespmem:s23+$0x10];
	_ =	sdelay $0x2  }
0x16f: {  	v8 =	vmul.f32 v8, v4;
	v9 =	vmul.f32 v9, v6;
	_ =	sdelay $0x1  }
0x170: {  	v10 =	vmul.f32 v10, v7;
	v8 =	vadd.f32 v9, v8;
	_ =	sdelay $0x1  }
0x171: {  	v8 =	vadd.f32 v10, v8;
	_ =	sdelay $0x1  }
0x172: {  	[tilespmem:s24+$0x10] =	vst v8  }
0x173: {  	v8 =	vld [tilespmem:s19+$0x420]  }
0x174: {  	v9 =	vld [tilespmem:s22+$0x20];
	_ =	sdelay $0x1  }
0x175: {  	v10 =	vld [tilespmem:s23+$0x20];
	_ =	sdelay $0x2  }
0x176: {  	v8 =	vmul.f32 v8, v4;
	v9 =	vmul.f32 v9, v6;
	_ =	sdelay $0x1  }
0x177: {  	v8 =	vadd.f32 v9, v8;
	v9 =	vmul.f32 v10, v7;
	_ =	sdelay $0x1  }
0x178: {  	v8 =	vadd.f32 v9, v8;
	_ =	sdelay $0x1  }
0x179: {  	[tilespmem:s24+$0x20] =	vst v8  }
0x17a: {  	v8 =	vld [tilespmem:s19+$0x430]  }
0x17b: {  	v9 =	vld [tilespmem:s22+$0x30];
	_ =	sdelay $0x1  }
0x17c: {  	v10 =	vld [tilespmem:s23+$0x30];
	_ =	sdelay $0x2  }
0x17d: {  	v8 =	vmul.f32 v8, v4;
	v9 =	vmul.f32 v9, v6;
	_ =	sdelay $0x1  }
0x17e: {  	v8 =	vadd.f32 v9, v8;
	v9 =	vmul.f32 v10, v7;
	_ =	sdelay $0x1  }
0x17f: {  	v8 =	vadd.f32 v9, v8;
	_ =	sdelay $0x1  }
0x180: {  	[tilespmem:s24+$0x30] =	vst v8  }
0x181: {  	v8 =	vld [tilespmem:s22+$0x40]  }
0x182: {  	v9 =	vld [tilespmem:s19+$0x440];
	_ =	sdelay $0x1  }
0x183: {  	v10 =	vld [tilespmem:s23+$0x40];
	_ =	sdelay $0x2  }
0x184: {  	v8 =	vmul.f32 v8, v6;
	v9 =	vmul.f32 v9, v4;
	_ =	sdelay $0x1  }
0x185: {  	v8 =	vadd.f32 v8, v9;
	v9 =	vmul.f32 v10, v7;
	_ =	sdelay $0x1  }
0x186: {  	v8 =	vadd.f32 v9, v8;
	_ =	sdelay $0x1  }
0x187: {  	[tilespmem:s24+$0x40] =	vst v8  }
0x188: {  	v8 =	vld [tilespmem:s19+$0x450]  }
0x189: {  	v9 =	vld [tilespmem:s22+$0x50];
	_ =	sdelay $0x1  }
0x18a: {  	v10 =	vld [tilespmem:s23+$0x50];
	_ =	sdelay $0x2  }
0x18b: {  	v8 =	vmul.f32 v8, v4;
	v9 =	vmul.f32 v9, v6;
	_ =	sdelay $0x1  }
0x18c: {  	s21 =	simm.s32 $0x0;
	s20 =	simm.s32 $0x100;
	v8 =	vadd.f32 v9, v8;
	v9 =	vmul.f32 v10, v7  }
.LBB2_7:
0x18d: {  	p0 =	sne.s32 s20, $0xF00  }
0x18e: {  	s21 =	sadd.s32 $0x80, s21;
	s25 =	smov.u32 s20;
	s20 =	sadd.s32 $0x100, s20;
	v8 =	vadd.f32 v9, v8  }
0x18f: {  	_ = 	snop  }
0x190: {  	[tilespmem:s24+$0x50] =	vst v8  }
0x191: {  	v8 =	vld [tilespmem:s19+$0x460]  }
0x192: {  	v9 =	vld [tilespmem:s22+$0x60]  }
0x193: {  	v10 =	vld [tilespmem:s23+$0x60];
	_ =	sdelay $0x2  }
0x194: {  	v8 =	vmul.f32 v8, v4  }
0x195: {  	v9 =	vmul.f32 v9, v6;
	_ =	sdelay $0x1  }
0x196: {  	v8 =	vadd.f32 v9, v8;
	v9 =	vmul.f32 v10, v7;
	_ =	sdelay $0x1  }
0x197: {  	v8 =	vadd.f32 v9, v8;
	_ =	sdelay $0x1  }
0x198: {  	[tilespmem:s24+$0x60] =	vst v8  }
0x199: {  	v8 =	vld [tilespmem:s19+$0x470]  }
0x19a: {  	v9 =	vld [tilespmem:s22+$0x70]  }
0x19b: {  	v10 =	vld [tilespmem:s23+$0x70];
	_ =	sdelay $0x2  }
0x19c: {  	v8 =	vmul.f32 v8, v4  }
0x19d: {  	v9 =	vmul.f32 v9, v6;
	_ =	sdelay $0x1  }
0x19e: {  	v8 =	vadd.f32 v9, v8;
	v9 =	vmul.f32 v10, v7;
	_ =	sdelay $0x1  }
0x19f: {  	v8 =	vadd.f32 v9, v8;
	_ =	sdelay $0x1  }
0x1a0: {  	s19 =	sand.u32 $0x800, s25;
	s22 =	sand.u32 $0x380, s21;
	[tilespmem:s24+$0x70] =	vst v8  }
0x1a1: {  	s19 =	sor.u32 s22, s19  }
0x1a2: {  	v8 =	vld [tilespmem:s19+$0x1070]  }
0x1a3: {  	v9 =	vld [tilespmem:s19+$0x20]  }
0x1a4: {  	v10 =	vld [tilespmem:s19+$0x2070]  }
0x1a5: {  	v11 =	vld [tilespmem:s19+$0x1010]  }
0x1a6: {  	v12 =	vld [tilespmem:s19+$0x2000]  }
0x1a7: {  	v13 =	vld [tilespmem:s19+$0x1020]  }
0x1a8: {  	v14 =	vld [tilespmem:s19+$0x2020]  }
0x1a9: {  	v15 =	vld [tilespmem:s19+$0x2010]  }
0x1aa: {  	v16 =	vld [tilespmem:s19+$0x30]  }
0x1ab: {  	v17 =	vld [tilespmem:s19+$0x2030]  }
0x1ac: {  	v18 =	vld [tilespmem:s19+$0x1000]  }
0x1ad: {  	v19 =	vld [tilespmem:s19+$0x1030]  }
0x1ae: {  	v20 =	vld [tilespmem:s19+$0x10]  }
0x1af: {  	v21 =	vld [tilespmem:s19+$0x0]  }
0x1b0: {  	v16 =	vmul.f32 v16, v4;
	v17 =	vmul.f32 v17, v7;
	v22 =	vld [tilespmem:s19+$0x1060]  }
0x1b1: {  	v13 =	vmul.f32 v13, v6;
	v18 =	vmul.f32 v18, v6;
	v23 =	vld [tilespmem:s19+$0x70]  }
0x1b2: {  	v11 =	vmul.f32 v11, v6;
	v12 =	vmul.f32 v12, v7;
	v24 =	vld [tilespmem:s19+$0x60]  }
0x1b3: {  	v10 =	vmul.f32 v10, v7;
	v20 =	vmul.f32 v20, v4;
	v25 =	vld [tilespmem:s19+$0x1050]  }
0x1b4: {  	v19 =	vmul.f32 v19, v6;
	v21 =	vmul.f32 v21, v4;
	v26 =	vld [tilespmem:s19+$0x50]  }
0x1b5: {  	v8 =	vmul.f32 v8, v6;
	v9 =	vmul.f32 v9, v4;
	v11 =	vadd.f32 v11, v20;
	v20 =	vld [tilespmem:s19+$0x2060]  }
0x1b6: {  	v16 =	vadd.f32 v19, v16;
	v18 =	vadd.f32 v18, v21;
	v19 =	vmul.f32 v23, v4  }
0x1b7: {  	v9 =	vadd.f32 v13, v9;
	v13 =	vmul.f32 v14, v7;
	v21 =	vmul.f32 v22, v6;
	v14 =	vld [tilespmem:s19+$0x2050]  }
0x1b8: {  	v23 =	vmul.f32 v24, v4;
	v22 =	vmul.f32 v25, v6;
	v8 =	vadd.f32 v8, v19  }
0x1b9: {  	v9 =	vadd.f32 v13, v9;
	v12 =	vadd.f32 v12, v18;
	v13 =	vmul.f32 v26, v4  }
0x1ba: {  	v18 =	vadd.f32 v21, v23;
	v19 =	vmul.f32 v20, v7;
	v8 =	vadd.f32 v10, v8  }
0x1bb: {  	v10 =	vmul.f32 v15, v7;
	[tilespmem:s19+$0x3020] =	vst v9;
	v9 =	vadd.f32 v17, v16  }
0x1bc: {  	[tilespmem:s19+$0x3000] =	vst v12;
	v12 =	vadd.f32 v22, v13;
	v13 =	vmul.f32 v14, v7;
	v14 =	vadd.f32 v19, v18  }
0x1bd: {  	v10 =	vadd.f32 v10, v11;
	[tilespmem:s19+$0x3030] =	vst v9  }
0x1be: {  	v9 =	vld [tilespmem:s19+$0x2040];
	v11 =	vadd.f32 v13, v12;
	[tilespmem:s19+$0x3060] =	vst v14  }
0x1bf: {  	s22 =	sand.u32 $0xFFFFF800, s25;
	[tilespmem:s19+$0x3010] =	vst v10;
	v10 =	vld [tilespmem:s19+$0x400]  }
0x1c0: {  	s24 =	sadd.s32 s22, s21;
	v12 =	vld [tilespmem:s19+$0x1040];
	[tilespmem:s19+$0x3070] =	vst v8  }
0x1c1: {  	s22 =	sor.u32 $0x1400, s24;
	v8 =	vld [tilespmem:s19+$0x40];
	[tilespmem:s19+$0x3050] =	vst v11  }
0x1c2: {  	s23 =	sor.u32 $0x2400, s24;
	v11 =	vld [tilespmem:s22+$0x0]  }
0x1c3: {  	v13 =	vld [tilespmem:s23+$0x0];
	_ =	sdelay $0x1  }
0x1c4: {  	v12 =	vmul.f32 v12, v6  }
0x1c5: {  	v8 =	vmul.f32 v8, v4  }
0x1c6: {  	v10 =	vmul.f32 v10, v4;
	v11 =	vmul.f32 v11, v6  }
0x1c7: {  	v9 =	vmul.f32 v9, v7;
	v8 =	vadd.f32 v12, v8  }
0x1c8: {  	v10 =	vadd.f32 v11, v10;
	v11 =	vmul.f32 v13, v7  }
0x1c9: {  	v8 =	vadd.f32 v9, v8  }
0x1ca: {  	v9 =	vadd.f32 v11, v10  }
0x1cb: {  	s24 =	sor.u32 $0x3400, s24;
	[tilespmem:s19+$0x3040] =	vst v8  }
0x1cc: {  	[tilespmem:s24+$0x0] =	vst v9  }
0x1cd: {  	v8 =	vld [tilespmem:s23+$0x10]  }
0x1ce: {  	v9 =	vld [tilespmem:s19+$0x410]  }
0x1cf: {  	v10 =	vld [tilespmem:s22+$0x10];
	_ =	sdelay $0x3  }
0x1d0: {  	v8 =	vmul.f32 v8, v7;
	v9 =	vmul.f32 v9, v4  }
0x1d1: {  	v10 =	vmul.f32 v10, v6;
	_ =	sdelay $0x1  }
0x1d2: {  	v9 =	vadd.f32 v10, v9;
	_ =	sdelay $0x1  }
0x1d3: {  	v8 =	vadd.f32 v8, v9;
	_ =	sdelay $0x1  }
0x1d4: {  	[tilespmem:s24+$0x10] =	vst v8  }
0x1d5: {  	v8 =	vld [tilespmem:s19+$0x420]  }
0x1d6: {  	v9 =	vld [tilespmem:s22+$0x20]  }
0x1d7: {  	v10 =	vld [tilespmem:s23+$0x20];
	_ =	sdelay $0x3  }
0x1d8: {  	v8 =	vmul.f32 v8, v4;
	v9 =	vmul.f32 v9, v6;
	_ =	sdelay $0x1  }
0x1d9: {  	v8 =	vadd.f32 v9, v8;
	v9 =	vmul.f32 v10, v7;
	_ =	sdelay $0x1  }
0x1da: {  	v8 =	vadd.f32 v9, v8;
	_ =	sdelay $0x1  }
0x1db: {  	[tilespmem:s24+$0x20] =	vst v8  }
0x1dc: {  	v8 =	vld [tilespmem:s19+$0x430]  }
0x1dd: {  	v9 =	vld [tilespmem:s22+$0x30]  }
0x1de: {  	v10 =	vld [tilespmem:s23+$0x30];
	_ =	sdelay $0x2  }
0x1df: {  	v8 =	vmul.f32 v8, v4  }
0x1e0: {  	v9 =	vmul.f32 v9, v6;
	_ =	sdelay $0x1  }
0x1e1: {  	v8 =	vadd.f32 v9, v8;
	v9 =	vmul.f32 v10, v7;
	_ =	sdelay $0x1  }
0x1e2: {  	v8 =	vadd.f32 v9, v8;
	_ =	sdelay $0x1  }
0x1e3: {  	[tilespmem:s24+$0x30] =	vst v8  }
0x1e4: {  	v8 =	vld [tilespmem:s22+$0x40]  }
0x1e5: {  	v9 =	vld [tilespmem:s19+$0x440]  }
0x1e6: {  	v10 =	vld [tilespmem:s23+$0x40];
	_ =	sdelay $0x2  }
0x1e7: {  	v8 =	vmul.f32 v8, v6  }
0x1e8: {  	v9 =	vmul.f32 v9, v4;
	_ =	sdelay $0x1  }
0x1e9: {  	v8 =	vadd.f32 v8, v9;
	v9 =	vmul.f32 v10, v7;
	_ =	sdelay $0x1  }
0x1ea: {  	v8 =	vadd.f32 v9, v8;
	_ =	sdelay $0x1  }
0x1eb: {  	[tilespmem:s24+$0x40] =	vst v8  }
0x1ec: {  	v8 =	vld [tilespmem:s19+$0x450]  }
0x1ed: {  	v9 =	vld [tilespmem:s22+$0x50]  }
0x1ee: {  	v10 =	vld [tilespmem:s23+$0x50];
	_ =	sdelay $0x1  }
.Ltmp5:
0x1ef: {  	(pc) =	sbr.rel @p0 .LBB2_7-.Ltmp5, $3  }
0x1f0: {  	v8 =	vmul.f32 v8, v4  }
0x1f1: {  	v9 =	vmul.f32 v9, v6;
	_ =	sdelay $0x1  }
0x1f2: {  	v8 =	vadd.f32 v9, v8;
	v9 =	vmul.f32 v10, v7  }
0x1f3: {  	_ = 	snop  }
0x1f4: {  	v8 =	vadd.f32 v9, v8;
	_ =	sdelay $0x1  }
0x1f5: {  	[tilespmem:s24+$0x50] =	vst v8  }
0x1f6: {  	v8 =	vld [tilespmem:s19+$0x460]  }
0x1f7: {  	v59 =	vld [tilespmem:s22+$0x60];
	_ =	sdelay $0x1  }
0x1f8: {  	v10 =	vld [tilespmem:s23+$0x60];
	_ =	sdelay $0x2  }
0x1f9: {  	v8 =	vmul.f32 v8, v4;
	v9 =	vmul.f32 v59, v6;
	_ =	sdelay $0x1  }
0x1fa: {  	v60 =	vmul.f32 v10, v7;
	v8 =	vadd.f32 v9, v8;
	_ =	sdelay $0x1  }
0x1fb: {  	v8 =	vadd.f32 v60, v8;
	_ =	sdelay $0x1  }
0x1fc: {  	[tilespmem:s24+$0x60] =	vst v8  }
0x1fd: {  	v8 =	vld [tilespmem:s19+$0x470]  }
0x1fe: {  	v61 =	vld [tilespmem:s22+$0x70];
	_ =	sdelay $0x1  }
0x1ff: {  	v62 =	vld [tilespmem:s23+$0x70];
	_ =	sdelay $0x2  }
0x200: {  	v8 =	vmul.f32 v8, v4;
	v9 =	vmul.f32 v61, v6;
	_ =	sdelay $0x1  }
0x201: {  	v63 =	vmul.f32 v62, v7;
	v8 =	vadd.f32 v9, v8;
	_ =	sdelay $0x1  }
0x202: {  	v8 =	vadd.f32 v63, v8  }
0x203: {  	s17 =	sadd.s32 $0x1, s17  }
0x204: {  	s18 =	sadd.s32 s7, s18;
	p0 =	sne.s32 s17, $0x10;
	[tilespmem:s24+$0x70] =	vst v8  }
0x205: {  	[hbm4b:s18+s8] =	stream.linear.scatter [tilespmem:s14], [sflag:$0x7], $0x1000, $0x38;
	[tilespmem:$0x18500] =	vst v63  }
.Ltmp6:
0x206: {  	_ = 	snop;
	(pc) =	sbr.rel @p0 .LBB2_6-.Ltmp6, $4  }
.Ltmp7:
0x207: {  	_ = 	snop;
	(pc) =	sbr.rel @!p0 .LBB2_9-.Ltmp7, $4  }
0x208: {  	_ =	swait.ge [sflag:s6], $0x1000  }
0x209: {  	[sflag:s6] =	ssyncset.done $0x0  }
0x20a: {  	[sflag:s6] =	ssyncadd.s32 $0xFFFFF000  }
0x20b: {  	_ = 	snop  }
.LBB2_10:
0x20c: {  	_ =	sfence.sel $0x180000  }
0x20d: {  	[bflag:$0x0] =	sbarrier.arrive $0xFFFF  }
0x20e: {  	_ =	strace $0x90000047  }
0x20f: {  	s0 =	stileid.u32;
	[bflag:$0x2] =	sbarrier.arrive $0xFFFF  }
0x210: {  	p0 =	sne.s32 s0, $0x0;
	s0 =	rddreg [dreg:$0x6]  }
0x211: {  	s0 =	sadd.s32 @!p0 $0x100000, s0  }
0x212: {  	[sflag:s0] =	ssyncadd.tile.s32 @!p0 $0x1;
	_ =	shalt  }
.Lfunc_end2:
_tile_overlayer_lowered:
.L_overlay_start_2:
0x213: {  	(tag) =	ssettag $0x2  }
0x214: {  	s0 =	rddreg [dreg:$0x0];
	s2 =	stileid.u32  }
0x215: {  	s1 =	rddreg [dreg:$0x1];
	p0 =	sne.s32 s2, $0x0  }
0x216: {  	s3 =	rddreg [dreg:$0x2];
	[bflag:$0x3] =	sbarrier.arrive $0xFFFF;
	s2 =	simm.s32 @!p0 $0x1C0D  }
0x217: {  	[timem:s3], [sflag:s2] =	dma.local @!p0 [hbm:s0], s1  }
0x218: {  	s0 =	simm.s32 @!p0 $0xD  }
0x219: {  	_ =	swait.ge @!p0 [sflag:s0], s1  }
0x21a: {  	s1 =	ssub.s32 @!p0 $0x0, s1;
	[sflag:s0] =	ssyncset.done @!p0 $0x0  }
0x21b: {  	[sflag:s0] =	ssyncadd.s32 @!p0 s1  }
0x21c: {  	[bflag:$0x3] =	sbarrier.arrive $0xFFFF  }
0x21d: {  	_ =	shalt  }

</sc_bundles>
